<compile_context>
chip_gen: v7x
topology: tpu7x:2x2x1
jax: 0.10.2.dev20260603
libtpu: 0.0.44.dev20260713+nightly
codegen_flags: <defaults>
</compile_context>

<pallas_src>
import functools

import jax
import jax.numpy as jnp
from jax.experimental import pallas as pl
from jax.experimental.pallas import tpu as pltpu
from jax.experimental.pallas import tpu_sc as plsc

N = 8192
HIDDEN = 1024
NUM_SPACES = 16
TOP_K = 2
BM = 512
NBLK = N // BM
NEG = -1000000000.0

NSUB = 16
RW = N // NSUB
RF = N // (2 * NSUB)
INV = 1.0 / NUM_SPACES


def _gelu(x):
    return 0.5 * x * (1.0 + jax.lax.erf(x * 0.7071067811865476))


def _dotb(a, b):
    return jax.lax.dot_general(a, b, (((1,), (0,)), ((), ())),
                               preferred_element_type=jnp.float32)


def _split(x):
    hi = x.astype(jnp.bfloat16)
    lo = (x - hi.astype(jnp.float32)).astype(jnp.bfloat16)
    return hi, lo


def _dot3(xhi, xlo, whi, wlo):
    return _dotb(xhi, whi) + _dotb(xhi, wlo) + _dotb(xlo, whi)


def _mlp_kernel(sm_ref, tm_ref, ds_ref, w1hi_ref, w1lo_ref, b1_ref,
                w2hi_ref, w2lo_ref, b2_ref,
                wd1_ref, bd1_ref, wd2_ref, bd2_ref,
                logits_ref, beta_ref, probs_ref):
    probs_ref[...] = jnp.full((BM, NUM_SPACES), INV, jnp.float32)
    smhi, smlo = _split(sm_ref[...])
    tmhi, tmlo = _split(tm_ref[...])
    dshi, dslo = _split(ds_ref[...])
    xhi = jnp.concatenate([smhi, tmhi, dshi], axis=1)
    xlo = jnp.concatenate([smlo, tmlo, dslo], axis=1)

    h = _dot3(xhi, xlo, w1hi_ref[...], w1lo_ref[...]) + b1_ref[...]
    h = _gelu(h)
    hhi, hlo = _split(h)
    logits_ref[...] = _dot3(hhi, hlo, w2hi_ref[...], w2lo_ref[...]) + b2_ref[...]

    hd = _gelu(_dotb(xhi, wd1_ref[...]) + bd1_ref[...])
    beta_ref[...] = jax.nn.sigmoid(
        _dotb(hd.astype(jnp.bfloat16), wd2_ref[...]) + bd2_ref[...])


def _sc_router(logits_hbm, p16_hbm, lbuf, mbuf, abuf, srow, shared):
    cid = jax.lax.axis_index("c")
    sid = jax.lax.axis_index("s")
    iota = jax.lax.iota(jnp.int32, NUM_SPACES)

    @pl.when(cid == 0)
    def _scan():
        base = sid * RW
        pltpu.sync_copy(logits_hbm.at[pl.ds(base, RW)], lbuf)

        def _row(r, st):
            wv0, wr0, wv1, wr1 = st
            v = lbuf[r, :]
            m1 = jnp.max(v)
            i1 = jnp.min(jnp.where(v == m1, iota, NUM_SPACES))
            rest = jnp.where(iota == i1, -3.0e38, v)
            m2 = jnp.max(rest)
            i2 = jnp.min(jnp.where(rest == m2, iota, NUM_SPACES))
            rowf = (base + r).astype(jnp.float32)
            c0 = iota == i1
            c1 = iota == i2
            return (jnp.where(c0, m1, wv0), jnp.where(c0, rowf, wr0),
                    jnp.where(c1, m2, wv1), jnp.where(c1, rowf, wr1))

        neg = jnp.full((NUM_SPACES,), NEG, jnp.float32)
        none = jnp.full((NUM_SPACES,), -1.0, jnp.float32)
        wv0, wr0, wv1, wr1 = plsc.parallel_loop(
            0, RW, carry=(neg, none, neg, none), unroll=8)(_row)
        mbuf[0, :] = wv0
        mbuf[1, :] = wr0
        mbuf[2, :] = wv1
        mbuf[3, :] = wr1
        pltpu.sync_copy(mbuf, shared.at[sid])

    plsc.subcore_barrier()

    @pl.when((cid == 0) & (sid == 0))
    def _finalize():
        pltpu.sync_copy(shared, abuf)
        bv0 = jnp.full((NUM_SPACES,), NEG, jnp.float32)
        br0 = jnp.full((NUM_SPACES,), -1.0, jnp.float32)
        bv1 = bv0
        br1 = br0
        for k in range(NSUB):
            g0 = abuf[k, 1, :] > br0
            bv0 = jnp.where(g0, abuf[k, 0, :], bv0)
            br0 = jnp.where(g0, abuf[k, 1, :], br0)
            g1 = abuf[k, 3, :] > br1
            bv1 = jnp.where(g1, abuf[k, 2, :], bv1)
            br1 = jnp.where(g1, abuf[k, 3, :], br1)
        for s in range(NUM_SPACES):
            sel = iota == s
            v0 = jnp.max(jnp.where(sel, bv0, -3.0e38))
            f0 = jnp.max(jnp.where(sel, br0, -1.0))
            v1 = jnp.max(jnp.where(sel, bv1, -3.0e38))
            f1 = jnp.max(jnp.where(sel, br1, -1.0))
            e0 = jnp.where(f0 >= 0.0, v0, NEG)
            e1 = jnp.where(f1 >= 0.0, v1, NEG)
            row = jnp.where(iota == 0, e0, jnp.where(iota == 1, e1, NEG))
            mx = jnp.max(row)
            e = jnp.exp(row - mx)
            srow[s, :] = e / jnp.sum(e)
        pltpu.sync_copy(srow, p16_hbm)


@functools.partial(jax.jit, static_argnames=())
def kernel(static_mean, temporal_mean, disagreement, W1, b1, W2, b2, Wd1, bd1, Wd2, bd2):
    w1hi = W1.astype(jnp.bfloat16)
    w1lo = (W1 - w1hi.astype(jnp.float32)).astype(jnp.bfloat16)
    w2hi = W2.astype(jnp.bfloat16)
    w2lo = (W2 - w2hi.astype(jnp.float32)).astype(jnp.bfloat16)
    wd1b = Wd1.astype(jnp.bfloat16)
    wd2b = Wd2.astype(jnp.bfloat16)
    b1r = b1.reshape(1, HIDDEN)
    b2r = b2.reshape(1, NUM_SPACES)
    bd1r = bd1.reshape(1, HIDDEN // 2)
    bd2r = bd2.reshape(1, 1)

    blk = lambda t: (t, 0)
    fixed = lambda t: (0, 0)
    logits, beta, probs_uni = pl.pallas_call(
        _mlp_kernel,
        grid=(NBLK,),
        in_specs=[
            pl.BlockSpec((BM, HIDDEN), blk),
            pl.BlockSpec((BM, HIDDEN), blk),
            pl.BlockSpec((BM, HIDDEN), blk),
            pl.BlockSpec((3 * HIDDEN, HIDDEN), fixed),
            pl.BlockSpec((3 * HIDDEN, HIDDEN), fixed),
            pl.BlockSpec((1, HIDDEN), fixed),
            pl.BlockSpec((HIDDEN, NUM_SPACES), fixed),
            pl.BlockSpec((HIDDEN, NUM_SPACES), fixed),
            pl.BlockSpec((1, NUM_SPACES), fixed),
            pl.BlockSpec((3 * HIDDEN, HIDDEN // 2), fixed),
            pl.BlockSpec((1, HIDDEN // 2), fixed),
            pl.BlockSpec((HIDDEN // 2, 1), fixed),
            pl.BlockSpec((1, 1), fixed),
        ],
        out_specs=[
            pl.BlockSpec((BM, NUM_SPACES), blk),
            pl.BlockSpec((BM, 1), blk),
            pl.BlockSpec((BM, NUM_SPACES), blk),
        ],
        out_shape=[
            jax.ShapeDtypeStruct((N, NUM_SPACES), jnp.float32),
            jax.ShapeDtypeStruct((N, 1), jnp.float32),
            jax.ShapeDtypeStruct((N, NUM_SPACES), jnp.float32),
        ],
        compiler_params=pltpu.CompilerParams(
            dimension_semantics=("arbitrary",),
        ),
    )(static_mean, temporal_mean, disagreement, w1hi, w1lo, b1r,
      w2hi, w2lo, b2r, wd1b, bd1r, wd2b, bd2r)

    router = functools.partial(
        pl.kernel,
        out_type=jax.ShapeDtypeStruct((NUM_SPACES, NUM_SPACES), jnp.float32),
        mesh=plsc.VectorSubcoreMesh(core_axis_name="c", subcore_axis_name="s"),
        compiler_params=pltpu.CompilerParams(needs_layout_passes=False),
        scratch_types=[
            pltpu.VMEM((RW, NUM_SPACES), jnp.float32),
            pltpu.VMEM((4, NUM_SPACES), jnp.float32),
            pltpu.VMEM((NSUB, 4, NUM_SPACES), jnp.float32),
            pltpu.VMEM((NUM_SPACES, NUM_SPACES), jnp.float32),
            pltpu.VMEM_SHARED((NSUB, 4, NUM_SPACES), jnp.float32),
        ],
    )(_sc_router)
    p16 = router(logits)
    probs = jax.lax.dynamic_update_slice(probs_uni, p16, (0, 0))
    return probs, beta[:, 0]

# --- scband reference (transcript-rebuilt; emitter-appended) ---
"""Pipeline reference for scband-projection-space-router-53206054863471 (READ-ONLY COPY).

The authoritative reference and input builder live on the scoring server;
editing this copy changes nothing except your own understanding.
"""

import jax, jax.numpy as jnp
import numpy as np

N = 8192
HIDDEN = 1024
NUM_SPACES = 16
TOP_K = 2


def setup_inputs(seed: int = 0) -> dict:
    key = jax.random.key(seed)
    ks = jax.random.split(key, 16)
    inp = {}
    inp["static_mean"] = jax.random.normal(ks[0], (N, HIDDEN), dtype=jnp.float32)
    inp["temporal_mean"] = jax.random.normal(ks[1], (N, HIDDEN), dtype=jnp.float32)
    inp["disagreement"] = jax.random.normal(ks[2], (N, HIDDEN), dtype=jnp.float32)
    # space_gate: Linear(3*HIDDEN -> HIDDEN), GELU, Linear(HIDDEN -> NUM_SPACES)
    inp["W1"] = jax.random.normal(ks[3], (3 * HIDDEN, HIDDEN), dtype=jnp.float32) * 0.02
    inp["b1"] = jnp.zeros((HIDDEN,), dtype=jnp.float32)
    inp["W2"] = jax.random.normal(ks[4], (HIDDEN, NUM_SPACES), dtype=jnp.float32) * 0.02
    inp["b2"] = jnp.zeros((NUM_SPACES,), dtype=jnp.float32)
    # deviation_gate: Linear(3*HIDDEN -> HIDDEN//2), GELU, Linear(HIDDEN//2 -> 1)
    inp["Wd1"] = jax.random.normal(ks[5], (3 * HIDDEN, HIDDEN // 2), dtype=jnp.float32) * 0.02
    inp["bd1"] = jnp.zeros((HIDDEN // 2,), dtype=jnp.float32)
    inp["Wd2"] = jax.random.normal(ks[6], (HIDDEN // 2, 1), dtype=jnp.float32) * 0.02
    inp["bd2"] = jnp.zeros((1,), dtype=jnp.float32)
    return inp


def reference(static_mean, temporal_mean, disagreement, W1, b1, W2, b2, Wd1, bd1, Wd2, bd2):
    x = jnp.concatenate([static_mean, temporal_mean, disagreement], axis=-1)
    h = jax.nn.gelu(x @ W1 + b1, approximate=False)
    logits = h @ W2 + b2
    # top_k (2) < num_spaces (16): sparse branch
    vals, idx = jax.lax.top_k(logits, TOP_K)
    sparse = jnp.full_like(logits, -1000000000.0)
    # torch scatter_ with dim=0: sparse[idx[i, j], j] = vals[i, j]
    cols = jnp.broadcast_to(jnp.arange(TOP_K)[None, :], idx.shape)
    sparse = sparse.at[idx, cols].set(vals)
    probs = jax.nn.softmax(sparse, axis=-1)
    hd = jax.nn.gelu(x @ Wd1 + bd1, approximate=False)
    beta = jax.nn.sigmoid((hd @ Wd2 + bd2)[..., 0])
    return (probs, beta)

if __name__ == "__main__":
    import jax
    _d = setup_inputs()
    print(jax.jit(kernel)(*tuple(_d.values())))

</pallas_src>

<mosaic_0001>
#map = affine_map<(d0, d1) -> (0, 0)>
module attributes {stable_mosaic.version = 14 : i64} {
  func.func @_sc_router(%arg0: i32, %arg1: i32, %arg2: memref<8192x16xf32, #tpu.memory_space<hbm>>, %arg3: memref<16x16xf32, #tpu.memory_space<hbm>>, %arg4: memref<512x16xf32, #tpu.memory_space<vmem>>, %arg5: memref<4x16xf32, #tpu.memory_space<vmem>>, %arg6: memref<16x4x16xf32, #tpu.memory_space<vmem>>, %arg7: memref<16x16xf32, #tpu.memory_space<vmem>>, %arg8: memref<16x4x16xf32, #tpu.memory_space<vmem_shared>>) attributes {dimension_semantics = [#tpu.dimension_semantics<core_parallel>, #tpu.dimension_semantics<subcore_parallel>], iteration_bounds = array<i64: 2, 16>, scalar_prefetch = 0 : i64, scratch_operands = 5 : i64, tpu.core_type = #tpu.core_type<sc_vector_subcore>, window_params = [{transform_indices = #map}, {transform_indices = #map}]} {
    %iota3A = tpu.iota {dimensions = array<i32: 0>} : vector<16xi32>
    %eq3A = arith.constant 0 : i32
    %eq3A_0 = arith.cmpi eq, %arg0, %eq3A : i32
    %convert_element_type3A = arith.extui %eq3A_0 : i1 to i32
    %cond3A = arith.constant 0 : i32
    %cond3A_1 = arith.cmpi ne, %convert_element_type3A, %cond3A : i32
    scf.if %cond3A_1 {
      %mul3A = arith.constant 512 : i32
      %mul3A_9 = arith.muli %arg1, %mul3A : i32
      "tpu.region"() ({
        %run_scoped3A = tpu.sem_alloc : memref<!tpu.dma_semaphore, #tpu.memory_space<semaphore_mem>>
        %dma_start3A = arith.constant 0 : i32
        %dma_start3A_31 = tpu.memref_slice %arg2[%mul3A_9, %dma_start3A] : memref<8192x16xf32, #tpu.memory_space<hbm>> -> memref<512x16xf32, #tpu.memory_space<hbm>>
        %dma_start3A_32 = arith.constant 0 : i32
        %dma_start3A_33 = tpu.memref_slice %arg2[%mul3A_9, %dma_start3A_32] : memref<8192x16xf32, #tpu.memory_space<hbm>> -> memref<512x16xf32, #tpu.memory_space<hbm>>
        tpu.enqueue_dma source(%dma_start3A_33 : memref<512x16xf32, #tpu.memory_space<hbm>>) target(%arg4 : memref<512x16xf32, #tpu.memory_space<vmem>>) target_semaphore(%run_scoped3A : memref<!tpu.dma_semaphore, #tpu.memory_space<semaphore_mem>>)
        %dma_wait3A = arith.constant 0 : i32
        %dma_wait3A_34 = tpu.memref_slice %arg2[%mul3A_9, %dma_wait3A] : memref<8192x16xf32, #tpu.memory_space<hbm>> -> memref<512x16xf32, #tpu.memory_space<hbm>>
        %dma_wait3A_35 = arith.constant 0 : i32
        %dma_wait3A_36 = tpu.memref_slice %arg2[%mul3A_9, %dma_wait3A_35] : memref<8192x16xf32, #tpu.memory_space<hbm>> -> memref<512x16xf32, #tpu.memory_space<hbm>>
        tpu.wait_dma2 semaphore(%run_scoped3A : memref<!tpu.dma_semaphore, #tpu.memory_space<semaphore_mem>>) src(%dma_wait3A_36 : memref<512x16xf32, #tpu.memory_space<hbm>>) dst(%arg4 : memref<512x16xf32, #tpu.memory_space<vmem>>)
        tpu.yield
      }) : () -> ()
      %broadcast_in_dim3A = arith.constant -1.000000e+09 : f32
      %broadcast_in_dim3A_10 = vector.broadcast %broadcast_in_dim3A : f32 to vector<16xf32>
      %broadcast_in_dim3A_11 = arith.constant -1.000000e+00 : f32
      %broadcast_in_dim3A_12 = vector.broadcast %broadcast_in_dim3A_11 : f32 to vector<16xf32>
      %parallel_loop3A = arith.constant 0 : i32
      %parallel_loop3A_13 = arith.constant 512 : i32
      %parallel_loop3A_14 = arith.constant 1 : i32
      %parallel_loop3A_15:4 = scf.for %parallel_loop3A_31 = %parallel_loop3A to %parallel_loop3A_13 step %parallel_loop3A_14 iter_args(%parallel_loop3A_32 = %broadcast_in_dim3A_10, %parallel_loop3A_33 = %broadcast_in_dim3A_12, %parallel_loop3A_34 = %broadcast_in_dim3A_10, %parallel_loop3A_35 = %broadcast_in_dim3A_12) -> (vector<16xf32>, vector<16xf32>, vector<16xf32>, vector<16xf32>)  : i32 {
        %parallel_loop3A_36 = arith.index_cast %parallel_loop3A_31 : i32 to index
        %parallel_loop3A_37 = arith.constant 0 : index
        %parallel_loop3A_38 = tpu.vector_load %arg4[%parallel_loop3A_36, %parallel_loop3A_37] {strides = array<i32>} : memref<512x16xf32, #tpu.memory_space<vmem>>, vector<16xf32>,
        %parallel_loop3A_39 = arith.constant true
        %parallel_loop3A_40 = vector.broadcast %parallel_loop3A_39 : i1 to vector<16xi1>
        %parallel_loop3A_41 = tpu.scan <max>, %parallel_loop3A_38 masked %parallel_loop3A_40 : vector<16xf32>, vector<16xi1> -> vector<16xf32>
        %parallel_loop3A_42 = vector.extract %parallel_loop3A_41[15] : f32 from vector<16xf32>
        %parallel_loop3A_43 = vector.broadcast %parallel_loop3A_42 : f32 to vector<16xf32>
        %parallel_loop3A_44 = arith.cmpf oeq, %parallel_loop3A_38, %parallel_loop3A_43 : vector<16xf32>
        %parallel_loop3A_45 = arith.constant 16 : i32
        %parallel_loop3A_46 = vector.broadcast %parallel_loop3A_45 : i32 to vector<16xi32>
        %parallel_loop3A_47 = arith.select %parallel_loop3A_44, %iota3A, %parallel_loop3A_46 : vector<16xi1>, vector<16xi32>
        %parallel_loop3A_48 = arith.constant true
        %parallel_loop3A_49 = vector.broadcast %parallel_loop3A_48 : i1 to vector<16xi1>
        %parallel_loop3A_50 = arith.constant -2147483648 : i32
        %parallel_loop3A_51 = vector.broadcast %parallel_loop3A_50 : i32 to vector<16xi32>
        %parallel_loop3A_52 = arith.xori %parallel_loop3A_47, %parallel_loop3A_51 : vector<16xi32>
        %parallel_loop3A_53 = tpu.scan <min>, %parallel_loop3A_52 masked %parallel_loop3A_49 : vector<16xi32>, vector<16xi1> -> vector<16xi32>
        %parallel_loop3A_54 = arith.xori %parallel_loop3A_53, %parallel_loop3A_51 : vector<16xi32>
        %parallel_loop3A_55 = vector.extract %parallel_loop3A_54[15] : i32 from vector<16xi32>
        %parallel_loop3A_56 = vector.broadcast %parallel_loop3A_55 : i32 to vector<16xi32>
        %parallel_loop3A_57 = arith.cmpi eq, %iota3A, %parallel_loop3A_56 : vector<16xi32>
        %parallel_loop3A_58 = arith.constant -3.000000e+38 : f32
        %parallel_loop3A_59 = vector.broadcast %parallel_loop3A_58 : f32 to vector<16xf32>
        %parallel_loop3A_60 = arith.select %parallel_loop3A_57, %parallel_loop3A_59, %parallel_loop3A_38 : vector<16xi1>, vector<16xf32>
        %parallel_loop3A_61 = arith.constant true
        %parallel_loop3A_62 = vector.broadcast %parallel_loop3A_61 : i1 to vector<16xi1>
        %parallel_loop3A_63 = tpu.scan <max>, %parallel_loop3A_60 masked %parallel_loop3A_62 : vector<16xf32>, vector<16xi1> -> vector<16xf32>
        %parallel_loop3A_64 = vector.extract %parallel_loop3A_63[15] : f32 from vector<16xf32>
        %parallel_loop3A_65 = vector.broadcast %parallel_loop3A_64 : f32 to vector<16xf32>
        %parallel_loop3A_66 = arith.cmpf oeq, %parallel_loop3A_60, %parallel_loop3A_65 : vector<16xf32>
        %parallel_loop3A_67 = arith.constant 16 : i32
        %parallel_loop3A_68 = vector.broadcast %parallel_loop3A_67 : i32 to vector<16xi32>
        %parallel_loop3A_69 = arith.select %parallel_loop3A_66, %iota3A, %parallel_loop3A_68 : vector<16xi1>, vector<16xi32>
        %parallel_loop3A_70 = arith.constant true
        %parallel_loop3A_71 = vector.broadcast %parallel_loop3A_70 : i1 to vector<16xi1>
        %parallel_loop3A_72 = arith.constant -2147483648 : i32
        %parallel_loop3A_73 = vector.broadcast %parallel_loop3A_72 : i32 to vector<16xi32>
        %parallel_loop3A_74 = arith.xori %parallel_loop3A_69, %parallel_loop3A_73 : vector<16xi32>
        %parallel_loop3A_75 = tpu.scan <min>, %parallel_loop3A_74 masked %parallel_loop3A_71 : vector<16xi32>, vector<16xi1> -> vector<16xi32>
        %parallel_loop3A_76 = arith.xori %parallel_loop3A_75, %parallel_loop3A_73 : vector<16xi32>
        %parallel_loop3A_77 = vector.extract %parallel_loop3A_76[15] : i32 from vector<16xi32>
        %parallel_loop3A_78 = arith.addi %mul3A_9, %parallel_loop3A_31 : i32
        %parallel_loop3A_79 = arith.sitofp %parallel_loop3A_78 : i32 to f32
        %parallel_loop3A_80 = vector.broadcast %parallel_loop3A_55 : i32 to vector<16xi32>
        %parallel_loop3A_81 = arith.cmpi eq, %iota3A, %parallel_loop3A_80 : vector<16xi32>
        %parallel_loop3A_82 = vector.broadcast %parallel_loop3A_77 : i32 to vector<16xi32>
        %parallel_loop3A_83 = arith.cmpi eq, %iota3A, %parallel_loop3A_82 : vector<16xi32>
        %parallel_loop3A_84 = vector.broadcast %parallel_loop3A_42 : f32 to vector<16xf32>
        %parallel_loop3A_85 = arith.select %parallel_loop3A_81, %parallel_loop3A_84, %parallel_loop3A_32 : vector<16xi1>, vector<16xf32>
        %parallel_loop3A_86 = vector.broadcast %parallel_loop3A_79 : f32 to vector<16xf32>
        %parallel_loop3A_87 = arith.select %parallel_loop3A_81, %parallel_loop3A_86, %parallel_loop3A_33 : vector<16xi1>, vector<16xf32>
        %parallel_loop3A_88 = vector.broadcast %parallel_loop3A_64 : f32 to vector<16xf32>
        %parallel_loop3A_89 = arith.select %parallel_loop3A_83, %parallel_loop3A_88, %parallel_loop3A_34 : vector<16xi1>, vector<16xf32>
        %parallel_loop3A_90 = vector.broadcast %parallel_loop3A_79 : f32 to vector<16xf32>
        %parallel_loop3A_91 = arith.select %parallel_loop3A_83, %parallel_loop3A_90, %parallel_loop3A_35 : vector<16xi1>, vector<16xf32>
        scf.yield %parallel_loop3A_85, %parallel_loop3A_87, %parallel_loop3A_89, %parallel_loop3A_91 : vector<16xf32>, vector<16xf32>, vector<16xf32>, vector<16xf32>
      } {sc.loop_unroll_factor = 8 : i64, sc.parallel_access}
      %swap3A = arith.constant 0 : i32
      %swap3A_16 = arith.index_cast %swap3A : i32 to index
      %swap3A_17 = arith.constant 0 : index
      %swap3A_18 = tpu.vector_load %arg5[%swap3A_16, %swap3A_17] {strides = array<i32>} : memref<4x16xf32, #tpu.memory_space<vmem>>, vector<16xf32>,
      tpu.vector_store %arg5[%swap3A_16, %swap3A_17], %parallel_loop3A_15#0 {strides = array<i32>} : memref<4x16xf32, #tpu.memory_space<vmem>>, vector<16xf32>,
      %swap3A_19 = arith.constant 1 : i32
      %swap3A_20 = arith.index_cast %swap3A_19 : i32 to index
      %swap3A_21 = arith.constant 0 : index
      %swap3A_22 = tpu.vector_load %arg5[%swap3A_20, %swap3A_21] {strides = array<i32>} : memref<4x16xf32, #tpu.memory_space<vmem>>, vector<16xf32>,
      tpu.vector_store %arg5[%swap3A_20, %swap3A_21], %parallel_loop3A_15#1 {strides = array<i32>} : memref<4x16xf32, #tpu.memory_space<vmem>>, vector<16xf32>,
      %swap3A_23 = arith.constant 2 : i32
      %swap3A_24 = arith.index_cast %swap3A_23 : i32 to index
      %swap3A_25 = arith.constant 0 : index
      %swap3A_26 = tpu.vector_load %arg5[%swap3A_24, %swap3A_25] {strides = array<i32>} : memref<4x16xf32, #tpu.memory_space<vmem>>, vector<16xf32>,
      tpu.vector_store %arg5[%swap3A_24, %swap3A_25], %parallel_loop3A_15#2 {strides = array<i32>} : memref<4x16xf32, #tpu.memory_space<vmem>>, vector<16xf32>,
      %swap3A_27 = arith.constant 3 : i32
      %swap3A_28 = arith.index_cast %swap3A_27 : i32 to index
      %swap3A_29 = arith.constant 0 : index
      %swap3A_30 = tpu.vector_load %arg5[%swap3A_28, %swap3A_29] {strides = array<i32>} : memref<4x16xf32, #tpu.memory_space<vmem>>, vector<16xf32>,
      tpu.vector_store %arg5[%swap3A_28, %swap3A_29], %parallel_loop3A_15#3 {strides = array<i32>} : memref<4x16xf32, #tpu.memory_space<vmem>>, vector<16xf32>,
      "tpu.region"() ({
        %run_scoped3A = tpu.sem_alloc : memref<!tpu.dma_semaphore, #tpu.memory_space<semaphore_mem>>
        %dma_start3A = arith.constant 0 : i32
        %dma_start3A_31 = arith.constant 0 : i32
        %dma_start3A_32 = tpu.memref_slice %arg8[%arg1, %dma_start3A, %dma_start3A_31] : memref<16x4x16xf32, #tpu.memory_space<vmem_shared>> -> memref<1x4x16xf32, #tpu.memory_space<vmem_shared>>
        %dma_start3A_33 = tpu.memref_squeeze %dma_start3A_32 : memref<1x4x16xf32, #tpu.memory_space<vmem_shared>> -> memref<4x16xf32, #tpu.memory_space<vmem_shared>>
        %dma_start3A_34 = arith.constant 0 : i32
        %dma_start3A_35 = arith.constant 0 : i32
        %dma_start3A_36 = tpu.memref_slice %arg8[%arg1, %dma_start3A_34, %dma_start3A_35] : memref<16x4x16xf32, #tpu.memory_space<vmem_shared>> -> memref<1x4x16xf32, #tpu.memory_space<vmem_shared>>
        %dma_start3A_37 = tpu.memref_squeeze %dma_start3A_36 : memref<1x4x16xf32, #tpu.memory_space<vmem_shared>> -> memref<4x16xf32, #tpu.memory_space<vmem_shared>>
        tpu.enqueue_dma source(%arg5 : memref<4x16xf32, #tpu.memory_space<vmem>>) target(%dma_start3A_37 : memref<4x16xf32, #tpu.memory_space<vmem_shared>>) target_semaphore(%run_scoped3A : memref<!tpu.dma_semaphore, #tpu.memory_space<semaphore_mem>>)
        %dma_wait3A = arith.constant 0 : i32
        %dma_wait3A_38 = arith.constant 0 : i32
        %dma_wait3A_39 = tpu.memref_slice %arg8[%arg1, %dma_wait3A, %dma_wait3A_38] : memref<16x4x16xf32, #tpu.memory_space<vmem_shared>> -> memref<1x4x16xf32, #tpu.memory_space<vmem_shared>>
        %dma_wait3A_40 = tpu.memref_squeeze %dma_wait3A_39 : memref<1x4x16xf32, #tpu.memory_space<vmem_shared>> -> memref<4x16xf32, #tpu.memory_space<vmem_shared>>
        %dma_wait3A_41 = arith.constant 0 : i32
        %dma_wait3A_42 = arith.constant 0 : i32
        %dma_wait3A_43 = tpu.memref_slice %arg8[%arg1, %dma_wait3A_41, %dma_wait3A_42] : memref<16x4x16xf32, #tpu.memory_space<vmem_shared>> -> memref<1x4x16xf32, #tpu.memory_space<vmem_shared>>
        %dma_wait3A_44 = tpu.memref_squeeze %dma_wait3A_43 : memref<1x4x16xf32, #tpu.memory_space<vmem_shared>> -> memref<4x16xf32, #tpu.memory_space<vmem_shared>>
        tpu.wait_dma2 semaphore(%run_scoped3A : memref<!tpu.dma_semaphore, #tpu.memory_space<semaphore_mem>>) src(%arg5 : memref<4x16xf32, #tpu.memory_space<vmem>>) dst(%dma_wait3A_44 : memref<4x16xf32, #tpu.memory_space<vmem_shared>>)
        tpu.yield
      }) : () -> ()
    } else {
    }
    %barrier3A = arith.constant 0 : index
    tpu.barrier barrier_id(%barrier3A)
    %eq3A_2 = arith.constant 0 : i32
    %eq3A_3 = arith.cmpi eq, %arg0, %eq3A_2 : i32
    %eq3A_4 = arith.constant 0 : i32
    %eq3A_5 = arith.cmpi eq, %arg1, %eq3A_4 : i32
    %and3A = arith.andi %eq3A_3, %eq3A_5 : i1
    %convert_element_type3A_6 = arith.extui %and3A : i1 to i32
    %cond3A_7 = arith.constant 0 : i32
    %cond3A_8 = arith.cmpi ne, %convert_element_type3A_6, %cond3A_7 : i32
    scf.if %cond3A_8 {
      "tpu.region"() ({
        %run_scoped3A = tpu.sem_alloc : memref<!tpu.dma_semaphore, #tpu.memory_space<semaphore_mem>>
        tpu.enqueue_dma source(%arg8 : memref<16x4x16xf32, #tpu.memory_space<vmem_shared>>) target(%arg6 : memref<16x4x16xf32, #tpu.memory_space<vmem>>) target_semaphore(%run_scoped3A : memref<!tpu.dma_semaphore, #tpu.memory_space<semaphore_mem>>)
        tpu.wait_dma2 semaphore(%run_scoped3A : memref<!tpu.dma_semaphore, #tpu.memory_space<semaphore_mem>>) src(%arg8 : memref<16x4x16xf32, #tpu.memory_space<vmem_shared>>) dst(%arg6 : memref<16x4x16xf32, #tpu.memory_space<vmem>>)
        tpu.yield
      }) : () -> ()
      %broadcast_in_dim3A = arith.constant -1.000000e+09 : f32
      %broadcast_in_dim3A_9 = vector.broadcast %broadcast_in_dim3A : f32 to vector<16xf32>
      %broadcast_in_dim3A_10 = arith.constant -1.000000e+00 : f32
      %broadcast_in_dim3A_11 = vector.broadcast %broadcast_in_dim3A_10 : f32 to vector<16xf32>
      %get3A = arith.constant 0 : i32
      %get3A_12 = arith.constant 1 : i32
      %get3A_13 = arith.index_cast %get3A : i32 to index
      %get3A_14 = arith.index_cast %get3A_12 : i32 to index
      %get3A_15 = arith.constant 0 : index
      %get3A_16 = tpu.vector_load %arg6[%get3A_13, %get3A_14, %get3A_15] {strides = array<i32>} : memref<16x4x16xf32, #tpu.memory_space<vmem>>, vector<16xf32>,
      %gt3A = arith.cmpf ogt, %get3A_16, %broadcast_in_dim3A_11 : vector<16xf32>
      %get3A_17 = arith.constant 0 : i32
      %get3A_18 = arith.constant 0 : i32
      %get3A_19 = arith.index_cast %get3A_17 : i32 to index
      %get3A_20 = arith.index_cast %get3A_18 : i32 to index
      %get3A_21 = arith.constant 0 : index
      %get3A_22 = tpu.vector_load %arg6[%get3A_19, %get3A_20, %get3A_21] {strides = array<i32>} : memref<16x4x16xf32, #tpu.memory_space<vmem>>, vector<16xf32>,
      %select_n3A = arith.select %gt3A, %get3A_22, %broadcast_in_dim3A_9 : vector<16xi1>, vector<16xf32>
      %get3A_23 = arith.constant 0 : i32
      %get3A_24 = arith.constant 1 : i32
      %get3A_25 = arith.index_cast %get3A_23 : i32 to index
      %get3A_26 = arith.index_cast %get3A_24 : i32 to index
      %get3A_27 = arith.constant 0 : index
      %get3A_28 = tpu.vector_load %arg6[%get3A_25, %get3A_26, %get3A_27] {strides = array<i32>} : memref<16x4x16xf32, #tpu.memory_space<vmem>>, vector<16xf32>,
      %select_n3A_29 = arith.select %gt3A, %get3A_28, %broadcast_in_dim3A_11 : vector<16xi1>, vector<16xf32>
      %get3A_30 = arith.constant 0 : i32
      %get3A_31 = arith.constant 3 : i32
      %get3A_32 = arith.index_cast %get3A_30 : i32 to index
      %get3A_33 = arith.index_cast %get3A_31 : i32 to index
      %get3A_34 = arith.constant 0 : index
      %get3A_35 = tpu.vector_load %arg6[%get3A_32, %get3A_33, %get3A_34] {strides = array<i32>} : memref<16x4x16xf32, #tpu.memory_space<vmem>>, vector<16xf32>,
      %gt3A_36 = arith.cmpf ogt, %get3A_35, %broadcast_in_dim3A_11 : vector<16xf32>
      %get3A_37 = arith.constant 0 : i32
      %get3A_38 = arith.constant 2 : i32
      %get3A_39 = arith.index_cast %get3A_37 : i32 to index
      %get3A_40 = arith.index_cast %get3A_38 : i32 to index
      %get3A_41 = arith.constant 0 : index
      %get3A_42 = tpu.vector_load %arg6[%get3A_39, %get3A_40, %get3A_41] {strides = array<i32>} : memref<16x4x16xf32, #tpu.memory_space<vmem>>, vector<16xf32>,
      %select_n3A_43 = arith.select %gt3A_36, %get3A_42, %broadcast_in_dim3A_9 : vector<16xi1>, vector<16xf32>
      %get3A_44 = arith.constant 0 : i32
      %get3A_45 = arith.constant 3 : i32
      %get3A_46 = arith.index_cast %get3A_44 : i32 to index
      %get3A_47 = arith.index_cast %get3A_45 : i32 to index
      %get3A_48 = arith.constant 0 : index
      %get3A_49 = tpu.vector_load %arg6[%get3A_46, %get3A_47, %get3A_48] {strides = array<i32>} : memref<16x4x16xf32, #tpu.memory_space<vmem>>, vector<16xf32>,
      %select_n3A_50 = arith.select %gt3A_36, %get3A_49, %broadcast_in_dim3A_11 : vector<16xi1>, vector<16xf32>
      %get3A_51 = arith.constant 1 : i32
      %get3A_52 = arith.constant 1 : i32
      %get3A_53 = arith.index_cast %get3A_51 : i32 to index
      %get3A_54 = arith.index_cast %get3A_52 : i32 to index
      %get3A_55 = arith.constant 0 : index
      %get3A_56 = tpu.vector_load %arg6[%get3A_53, %get3A_54, %get3A_55] {strides = array<i32>} : memref<16x4x16xf32, #tpu.memory_space<vmem>>, vector<16xf32>,
      %gt3A_57 = arith.cmpf ogt, %get3A_56, %select_n3A_29 : vector<16xf32>
      %get3A_58 = arith.constant 1 : i32
      %get3A_59 = arith.constant 0 : i32
      %get3A_60 = arith.index_cast %get3A_58 : i32 to index
      %get3A_61 = arith.index_cast %get3A_59 : i32 to index
      %get3A_62 = arith.constant 0 : index
      %get3A_63 = tpu.vector_load %arg6[%get3A_60, %get3A_61, %get3A_62] {strides = array<i32>} : memref<16x4x16xf32, #tpu.memory_space<vmem>>, vector<16xf32>,
      %select_n3A_64 = arith.select %gt3A_57, %get3A_63, %select_n3A : vector<16xi1>, vector<16xf32>
      %get3A_65 = arith.constant 1 : i32
      %get3A_66 = arith.constant 1 : i32
      %get3A_67 = arith.index_cast %get3A_65 : i32 to index
      %get3A_68 = arith.index_cast %get3A_66 : i32 to index
      %get3A_69 = arith.constant 0 : index
      %get3A_70 = tpu.vector_load %arg6[%get3A_67, %get3A_68, %get3A_69] {strides = array<i32>} : memref<16x4x16xf32, #tpu.memory_space<vmem>>, vector<16xf32>,
      %select_n3A_71 = arith.select %gt3A_57, %get3A_70, %select_n3A_29 : vector<16xi1>, vector<16xf32>
      %get3A_72 = arith.constant 1 : i32
      %get3A_73 = arith.constant 3 : i32
      %get3A_74 = arith.index_cast %get3A_72 : i32 to index
      %get3A_75 = arith.index_cast %get3A_73 : i32 to index
      %get3A_76 = arith.constant 0 : index
      %get3A_77 = tpu.vector_load %arg6[%get3A_74, %get3A_75, %get3A_76] {strides = array<i32>} : memref<16x4x16xf32, #tpu.memory_space<vmem>>, vector<16xf32>,
      %gt3A_78 = arith.cmpf ogt, %get3A_77, %select_n3A_50 : vector<16xf32>
      %get3A_79 = arith.constant 1 : i32
      %get3A_80 = arith.constant 2 : i32
      %get3A_81 = arith.index_cast %get3A_79 : i32 to index
      %get3A_82 = arith.index_cast %get3A_80 : i32 to index
      %get3A_83 = arith.constant 0 : index
      %get3A_84 = tpu.vector_load %arg6[%get3A_81, %get3A_82, %get3A_83] {strides = array<i32>} : memref<16x4x16xf32, #tpu.memory_space<vmem>>, vector<16xf32>,
      %select_n3A_85 = arith.select %gt3A_78, %get3A_84, %select_n3A_43 : vector<16xi1>, vector<16xf32>
      %get3A_86 = arith.constant 1 : i32
      %get3A_87 = arith.constant 3 : i32
      %get3A_88 = arith.index_cast %get3A_86 : i32 to index
      %get3A_89 = arith.index_cast %get3A_87 : i32 to index
      %get3A_90 = arith.constant 0 : index
      %get3A_91 = tpu.vector_load %arg6[%get3A_88, %get3A_89, %get3A_90] {strides = array<i32>} : memref<16x4x16xf32, #tpu.memory_space<vmem>>, vector<16xf32>,
      %select_n3A_92 = arith.select %gt3A_78, %get3A_91, %select_n3A_50 : vector<16xi1>, vector<16xf32>
      %get3A_93 = arith.constant 2 : i32
      %get3A_94 = arith.constant 1 : i32
      %get3A_95 = arith.index_cast %get3A_93 : i32 to index
      %get3A_96 = arith.index_cast %get3A_94 : i32 to index
      %get3A_97 = arith.constant 0 : index
      %get3A_98 = tpu.vector_load %arg6[%get3A_95, %get3A_96, %get3A_97] {strides = array<i32>} : memref<16x4x16xf32, #tpu.memory_space<vmem>>, vector<16xf32>,
      %gt3A_99 = arith.cmpf ogt, %get3A_98, %select_n3A_71 : vector<16xf32>
      %get3A_100 = arith.constant 2 : i32
      %get3A_101 = arith.constant 0 : i32
      %get3A_102 = arith.index_cast %get3A_100 : i32 to index
      %get3A_103 = arith.index_cast %get3A_101 : i32 to index
      %get3A_104 = arith.constant 0 : index
      %get3A_105 = tpu.vector_load %arg6[%get3A_102, %get3A_103, %get3A_104] {strides = array<i32>} : memref<16x4x16xf32, #tpu.memory_space<vmem>>, vector<16xf32>,
      %select_n3A_106 = arith.select %gt3A_99, %get3A_105, %select_n3A_64 : vector<16xi1>, vector<16xf32>
      %get3A_107 = arith.constant 2 : i32
      %get3A_108 = arith.constant 1 : i32
      %get3A_109 = arith.index_cast %get3A_107 : i32 to index
      %get3A_110 = arith.index_cast %get3A_108 : i32 to index
      %get3A_111 = arith.constant 0 : index
      %get3A_112 = tpu.vector_load %arg6[%get3A_109, %get3A_110, %get3A_111] {strides = array<i32>} : memref<16x4x16xf32, #tpu.memory_space<vmem>>, vector<16xf32>,
      %select_n3A_113 = arith.select %gt3A_99, %get3A_112, %select_n3A_71 : vector<16xi1>, vector<16xf32>
      %get3A_114 = arith.constant 2 : i32
      %get3A_115 = arith.constant 3 : i32
      %get3A_116 = arith.index_cast %get3A_114 : i32 to index
      %get3A_117 = arith.index_cast %get3A_115 : i32 to index
      %get3A_118 = arith.constant 0 : index
      %get3A_119 = tpu.vector_load %arg6[%get3A_116, %get3A_117, %get3A_118] {strides = array<i32>} : memref<16x4x16xf32, #tpu.memory_space<vmem>>, vector<16xf32>,
      %gt3A_120 = arith.cmpf ogt, %get3A_119, %select_n3A_92 : vector<16xf32>
      %get3A_121 = arith.constant 2 : i32
      %get3A_122 = arith.constant 2 : i32
      %get3A_123 = arith.index_cast %get3A_121 : i32 to index
      %get3A_124 = arith.index_cast %get3A_122 : i32 to index
      %get3A_125 = arith.constant 0 : index
      %get3A_126 = tpu.vector_load %arg6[%get3A_123, %get3A_124, %get3A_125] {strides = array<i32>} : memref<16x4x16xf32, #tpu.memory_space<vmem>>, vector<16xf32>,
      %select_n3A_127 = arith.select %gt3A_120, %get3A_126, %select_n3A_85 : vector<16xi1>, vector<16xf32>
      %get3A_128 = arith.constant 2 : i32
      %get3A_129 = arith.constant 3 : i32
      %get3A_130 = arith.index_cast %get3A_128 : i32 to index
      %get3A_131 = arith.index_cast %get3A_129 : i32 to index
      %get3A_132 = arith.constant 0 : index
      %get3A_133 = tpu.vector_load %arg6[%get3A_130, %get3A_131, %get3A_132] {strides = array<i32>} : memref<16x4x16xf32, #tpu.memory_space<vmem>>, vector<16xf32>,
      %select_n3A_134 = arith.select %gt3A_120, %get3A_133, %select_n3A_92 : vector<16xi1>, vector<16xf32>
      %get3A_135 = arith.constant 3 : i32
      %get3A_136 = arith.constant 1 : i32
      %get3A_137 = arith.index_cast %get3A_135 : i32 to index
      %get3A_138 = arith.index_cast %get3A_136 : i32 to index
      %get3A_139 = arith.constant 0 : index
      %get3A_140 = tpu.vector_load %arg6[%get3A_137, %get3A_138, %get3A_139] {strides = array<i32>} : memref<16x4x16xf32, #tpu.memory_space<vmem>>, vector<16xf32>,
      %gt3A_141 = arith.cmpf ogt, %get3A_140, %select_n3A_113 : vector<16xf32>
      %get3A_142 = arith.constant 3 : i32
      %get3A_143 = arith.constant 0 : i32
      %get3A_144 = arith.index_cast %get3A_142 : i32 to index
      %get3A_145 = arith.index_cast %get3A_143 : i32 to index
      %get3A_146 = arith.constant 0 : index
      %get3A_147 = tpu.vector_load %arg6[%get3A_144, %get3A_145, %get3A_146] {strides = array<i32>} : memref<16x4x16xf32, #tpu.memory_space<vmem>>, vector<16xf32>,
      %select_n3A_148 = arith.select %gt3A_141, %get3A_147, %select_n3A_106 : vector<16xi1>, vector<16xf32>
      %get3A_149 = arith.constant 3 : i32
      %get3A_150 = arith.constant 1 : i32
      %get3A_151 = arith.index_cast %get3A_149 : i32 to index
      %get3A_152 = arith.index_cast %get3A_150 : i32 to index
      %get3A_153 = arith.constant 0 : index
      %get3A_154 = tpu.vector_load %arg6[%get3A_151, %get3A_152, %get3A_153] {strides = array<i32>} : memref<16x4x16xf32, #tpu.memory_space<vmem>>, vector<16xf32>,
      %select_n3A_155 = arith.select %gt3A_141, %get3A_154, %select_n3A_113 : vector<16xi1>, vector<16xf32>
      %get3A_156 = arith.constant 3 : i32
      %get3A_157 = arith.constant 3 : i32
      %get3A_158 = arith.index_cast %get3A_156 : i32 to index
      %get3A_159 = arith.index_cast %get3A_157 : i32 to index
      %get3A_160 = arith.constant 0 : index
      %get3A_161 = tpu.vector_load %arg6[%get3A_158, %get3A_159, %get3A_160] {strides = array<i32>} : memref<16x4x16xf32, #tpu.memory_space<vmem>>, vector<16xf32>,
      %gt3A_162 = arith.cmpf ogt, %get3A_161, %select_n3A_134 : vector<16xf32>
      %get3A_163 = arith.constant 3 : i32
      %get3A_164 = arith.constant 2 : i32
      %get3A_165 = arith.index_cast %get3A_163 : i32 to index
      %get3A_166 = arith.index_cast %get3A_164 : i32 to index
      %get3A_167 = arith.constant 0 : index
      %get3A_168 = tpu.vector_load %arg6[%get3A_165, %get3A_166, %get3A_167] {strides = array<i32>} : memref<16x4x16xf32, #tpu.memory_space<vmem>>, vector<16xf32>,
      %select_n3A_169 = arith.select %gt3A_162, %get3A_168, %select_n3A_127 : vector<16xi1>, vector<16xf32>
      %get3A_170 = arith.constant 3 : i32
      %get3A_171 = arith.constant 3 : i32
      %get3A_172 = arith.index_cast %get3A_170 : i32 to index
      %get3A_173 = arith.index_cast %get3A_171 : i32 to index
      %get3A_174 = arith.constant 0 : index
      %get3A_175 = tpu.vector_load %arg6[%get3A_172, %get3A_173, %get3A_174] {strides = array<i32>} : memref<16x4x16xf32, #tpu.memory_space<vmem>>, vector<16xf32>,
      %select_n3A_176 = arith.select %gt3A_162, %get3A_175, %select_n3A_134 : vector<16xi1>, vector<16xf32>
      %get3A_177 = arith.constant 4 : i32
      %get3A_178 = arith.constant 1 : i32
      %get3A_179 = arith.index_cast %get3A_177 : i32 to index
      %get3A_180 = arith.index_cast %get3A_178 : i32 to index
      %get3A_181 = arith.constant 0 : index
      %get3A_182 = tpu.vector_load %arg6[%get3A_179, %get3A_180, %get3A_181] {strides = array<i32>} : memref<16x4x16xf32, #tpu.memory_space<vmem>>, vector<16xf32>,
      %gt3A_183 = arith.cmpf ogt, %get3A_182, %select_n3A_155 : vector<16xf32>
      %get3A_184 = arith.constant 4 : i32
      %get3A_185 = arith.constant 0 : i32
      %get3A_186 = arith.index_cast %get3A_184 : i32 to index
      %get3A_187 = arith.index_cast %get3A_185 : i32 to index
      %get3A_188 = arith.constant 0 : index
      %get3A_189 = tpu.vector_load %arg6[%get3A_186, %get3A_187, %get3A_188] {strides = array<i32>} : memref<16x4x16xf32, #tpu.memory_space<vmem>>, vector<16xf32>,
      %select_n3A_190 = arith.select %gt3A_183, %get3A_189, %select_n3A_148 : vector<16xi1>, vector<16xf32>
      %get3A_191 = arith.constant 4 : i32
      %get3A_192 = arith.constant 1 : i32
      %get3A_193 = arith.index_cast %get3A_191 : i32 to index
      %get3A_194 = arith.index_cast %get3A_192 : i32 to index
      %get3A_195 = arith.constant 0 : index
      %get3A_196 = tpu.vector_load %arg6[%get3A_193, %get3A_194, %get3A_195] {strides = array<i32>} : memref<16x4x16xf32, #tpu.memory_space<vmem>>, vector<16xf32>,
      %select_n3A_197 = arith.select %gt3A_183, %get3A_196, %select_n3A_155 : vector<16xi1>, vector<16xf32>
      %get3A_198 = arith.constant 4 : i32
      %get3A_199 = arith.constant 3 : i32
      %get3A_200 = arith.index_cast %get3A_198 : i32 to index
      %get3A_201 = arith.index_cast %get3A_199 : i32 to index
      %get3A_202 = arith.constant 0 : index
      %get3A_203 = tpu.vector_load %arg6[%get3A_200, %get3A_201, %get3A_202] {strides = array<i32>} : memref<16x4x16xf32, #tpu.memory_space<vmem>>, vector<16xf32>,
      %gt3A_204 = arith.cmpf ogt, %get3A_203, %select_n3A_176 : vector<16xf32>
      %get3A_205 = arith.constant 4 : i32
      %get3A_206 = arith.constant 2 : i32
      %get3A_207 = arith.index_cast %get3A_205 : i32 to index
      %get3A_208 = arith.index_cast %get3A_206 : i32 to index
      %get3A_209 = arith.constant 0 : index
      %get3A_210 = tpu.vector_load %arg6[%get3A_207, %get3A_208, %get3A_209] {strides = array<i32>} : memref<16x4x16xf32, #tpu.memory_space<vmem>>, vector<16xf32>,
      %select_n3A_211 = arith.select %gt3A_204, %get3A_210, %select_n3A_169 : vector<16xi1>, vector<16xf32>
      %get3A_212 = arith.constant 4 : i32
      %get3A_213 = arith.constant 3 : i32
      %get3A_214 = arith.index_cast %get3A_212 : i32 to index
      %get3A_215 = arith.index_cast %get3A_213 : i32 to index
      %get3A_216 = arith.constant 0 : index
      %get3A_217 = tpu.vector_load %arg6[%get3A_214, %get3A_215, %get3A_216] {strides = array<i32>} : memref<16x4x16xf32, #tpu.memory_space<vmem>>, vector<16xf32>,
      %select_n3A_218 = arith.select %gt3A_204, %get3A_217, %select_n3A_176 : vector<16xi1>, vector<16xf32>
      %get3A_219 = arith.constant 5 : i32
      %get3A_220 = arith.constant 1 : i32
      %get3A_221 = arith.index_cast %get3A_219 : i32 to index
      %get3A_222 = arith.index_cast %get3A_220 : i32 to index
      %get3A_223 = arith.constant 0 : index
      %get3A_224 = tpu.vector_load %arg6[%get3A_221, %get3A_222, %get3A_223] {strides = array<i32>} : memref<16x4x16xf32, #tpu.memory_space<vmem>>, vector<16xf32>,
      %gt3A_225 = arith.cmpf ogt, %get3A_224, %select_n3A_197 : vector<16xf32>
      %get3A_226 = arith.constant 5 : i32
      %get3A_227 = arith.constant 0 : i32
      %get3A_228 = arith.index_cast %get3A_226 : i32 to index
      %get3A_229 = arith.index_cast %get3A_227 : i32 to index
      %get3A_230 = arith.constant 0 : index
      %get3A_231 = tpu.vector_load %arg6[%get3A_228, %get3A_229, %get3A_230] {strides = array<i32>} : memref<16x4x16xf32, #tpu.memory_space<vmem>>, vector<16xf32>,
      %select_n3A_232 = arith.select %gt3A_225, %get3A_231, %select_n3A_190 : vector<16xi1>, vector<16xf32>
      %get3A_233 = arith.constant 5 : i32
      %get3A_234 = arith.constant 1 : i32
      %get3A_235 = arith.index_cast %get3A_233 : i32 to index
      %get3A_236 = arith.index_cast %get3A_234 : i32 to index
      %get3A_237 = arith.constant 0 : index
      %get3A_238 = tpu.vector_load %arg6[%get3A_235, %get3A_236, %get3A_237] {strides = array<i32>} : memref<16x4x16xf32, #tpu.memory_space<vmem>>, vector<16xf32>,
      %select_n3A_239 = arith.select %gt3A_225, %get3A_238, %select_n3A_197 : vector<16xi1>, vector<16xf32>
      %get3A_240 = arith.constant 5 : i32
      %get3A_241 = arith.constant 3 : i32
      %get3A_242 = arith.index_cast %get3A_240 : i32 to index
      %get3A_243 = arith.index_cast %get3A_241 : i32 to index
      %get3A_244 = arith.constant 0 : index
      %get3A_245 = tpu.vector_load %arg6[%get3A_242, %get3A_243, %get3A_244] {strides = array<i32>} : memref<16x4x16xf32, #tpu.memory_space<vmem>>, vector<16xf32>,
      %gt3A_246 = arith.cmpf ogt, %get3A_245, %select_n3A_218 : vector<16xf32>
      %get3A_247 = arith.constant 5 : i32
      %get3A_248 = arith.constant 2 : i32
      %get3A_249 = arith.index_cast %get3A_247 : i32 to index
      %get3A_250 = arith.index_cast %get3A_248 : i32 to index
      %get3A_251 = arith.constant 0 : index
      %get3A_252 = tpu.vector_load %arg6[%get3A_249, %get3A_250, %get3A_251] {strides = array<i32>} : memref<16x4x16xf32, #tpu.memory_space<vmem>>, vector<16xf32>,
      %select_n3A_253 = arith.select %gt3A_246, %get3A_252, %select_n3A_211 : vector<16xi1>, vector<16xf32>
      %get3A_254 = arith.constant 5 : i32
      %get3A_255 = arith.constant 3 : i32
      %get3A_256 = arith.index_cast %get3A_254 : i32 to index
      %get3A_257 = arith.index_cast %get3A_255 : i32 to index
      %get3A_258 = arith.constant 0 : index
      %get3A_259 = tpu.vector_load %arg6[%get3A_256, %get3A_257, %get3A_258] {strides = array<i32>} : memref<16x4x16xf32, #tpu.memory_space<vmem>>, vector<16xf32>,
      %select_n3A_260 = arith.select %gt3A_246, %get3A_259, %select_n3A_218 : vector<16xi1>, vector<16xf32>
      %get3A_261 = arith.constant 6 : i32
      %get3A_262 = arith.constant 1 : i32
      %get3A_263 = arith.index_cast %get3A_261 : i32 to index
      %get3A_264 = arith.index_cast %get3A_262 : i32 to index
      %get3A_265 = arith.constant 0 : index
      %get3A_266 = tpu.vector_load %arg6[%get3A_263, %get3A_264, %get3A_265] {strides = array<i32>} : memref<16x4x16xf32, #tpu.memory_space<vmem>>, vector<16xf32>,
      %gt3A_267 = arith.cmpf ogt, %get3A_266, %select_n3A_239 : vector<16xf32>
      %get3A_268 = arith.constant 6 : i32
      %get3A_269 = arith.constant 0 : i32
      %get3A_270 = arith.index_cast %get3A_268 : i32 to index
      %get3A_271 = arith.index_cast %get3A_269 : i32 to index
      %get3A_272 = arith.constant 0 : index
      %get3A_273 = tpu.vector_load %arg6[%get3A_270, %get3A_271, %get3A_272] {strides = array<i32>} : memref<16x4x16xf32, #tpu.memory_space<vmem>>, vector<16xf32>,
      %select_n3A_274 = arith.select %gt3A_267, %get3A_273, %select_n3A_232 : vector<16xi1>, vector<16xf32>
      %get3A_275 = arith.constant 6 : i32
      %get3A_276 = arith.constant 1 : i32
      %get3A_277 = arith.index_cast %get3A_275 : i32 to index
      %get3A_278 = arith.index_cast %get3A_276 : i32 to index
      %get3A_279 = arith.constant 0 : index
      %get3A_280 = tpu.vector_load %arg6[%get3A_277, %get3A_278, %get3A_279] {strides = array<i32>} : memref<16x4x16xf32, #tpu.memory_space<vmem>>, vector<16xf32>,
      %select_n3A_281 = arith.select %gt3A_267, %get3A_280, %select_n3A_239 : vector<16xi1>, vector<16xf32>
      %get3A_282 = arith.constant 6 : i32
      %get3A_283 = arith.constant 3 : i32
      %get3A_284 = arith.index_cast %get3A_282 : i32 to index
      %get3A_285 = arith.index_cast %get3A_283 : i32 to index
      %get3A_286 = arith.constant 0 : index
      %get3A_287 = tpu.vector_load %arg6[%get3A_284, %get3A_285, %get3A_286] {strides = array<i32>} : memref<16x4x16xf32, #tpu.memory_space<vmem>>, vector<16xf32>,
      %gt3A_288 = arith.cmpf ogt, %get3A_287, %select_n3A_260 : vector<16xf32>
      %get3A_289 = arith.constant 6 : i32
      %get3A_290 = arith.constant 2 : i32
      %get3A_291 = arith.index_cast %get3A_289 : i32 to index
      %get3A_292 = arith.index_cast %get3A_290 : i32 to index
      %get3A_293 = arith.constant 0 : index
      %get3A_294 = tpu.vector_load %arg6[%get3A_291, %get3A_292, %get3A_293] {strides = array<i32>} : memref<16x4x16xf32, #tpu.memory_space<vmem>>, vector<16xf32>,
      %select_n3A_295 = arith.select %gt3A_288, %get3A_294, %select_n3A_253 : vector<16xi1>, vector<16xf32>
      %get3A_296 = arith.constant 6 : i32
      %get3A_297 = arith.constant 3 : i32
      %get3A_298 = arith.index_cast %get3A_296 : i32 to index
      %get3A_299 = arith.index_cast %get3A_297 : i32 to index
      %get3A_300 = arith.constant 0 : index
      %get3A_301 = tpu.vector_load %arg6[%get3A_298, %get3A_299, %get3A_300] {strides = array<i32>} : memref<16x4x16xf32, #tpu.memory_space<vmem>>, vector<16xf32>,
      %select_n3A_302 = arith.select %gt3A_288, %get3A_301, %select_n3A_260 : vector<16xi1>, vector<16xf32>
      %get3A_303 = arith.constant 7 : i32
      %get3A_304 = arith.constant 1 : i32
      %get3A_305 = arith.index_cast %get3A_303 : i32 to index
      %get3A_306 = arith.index_cast %get3A_304 : i32 to index
      %get3A_307 = arith.constant 0 : index
      %get3A_308 = tpu.vector_load %arg6[%get3A_305, %get3A_306, %get3A_307] {strides = array<i32>} : memref<16x4x16xf32, #tpu.memory_space<vmem>>, vector<16xf32>,
      %gt3A_309 = arith.cmpf ogt, %get3A_308, %select_n3A_281 : vector<16xf32>
      %get3A_310 = arith.constant 7 : i32
      %get3A_311 = arith.constant 0 : i32
      %get3A_312 = arith.index_cast %get3A_310 : i32 to index
      %get3A_313 = arith.index_cast %get3A_311 : i32 to index
      %get3A_314 = arith.constant 0 : index
      %get3A_315 = tpu.vector_load %arg6[%get3A_312, %get3A_313, %get3A_314] {strides = array<i32>} : memref<16x4x16xf32, #tpu.memory_space<vmem>>, vector<16xf32>,
      %select_n3A_316 = arith.select %gt3A_309, %get3A_315, %select_n3A_274 : vector<16xi1>, vector<16xf32>
      %get3A_317 = arith.constant 7 : i32
      %get3A_318 = arith.constant 1 : i32
      %get3A_319 = arith.index_cast %get3A_317 : i32 to index
      %get3A_320 = arith.index_cast %get3A_318 : i32 to index
      %get3A_321 = arith.constant 0 : index
      %get3A_322 = tpu.vector_load %arg6[%get3A_319, %get3A_320, %get3A_321] {strides = array<i32>} : memref<16x4x16xf32, #tpu.memory_space<vmem>>, vector<16xf32>,
      %select_n3A_323 = arith.select %gt3A_309, %get3A_322, %select_n3A_281 : vector<16xi1>, vector<16xf32>
      %get3A_324 = arith.constant 7 : i32
      %get3A_325 = arith.constant 3 : i32
      %get3A_326 = arith.index_cast %get3A_324 : i32 to index
      %get3A_327 = arith.index_cast %get3A_325 : i32 to index
      %get3A_328 = arith.constant 0 : index
      %get3A_329 = tpu.vector_load %arg6[%get3A_326, %get3A_327, %get3A_328] {strides = array<i32>} : memref<16x4x16xf32, #tpu.memory_space<vmem>>, vector<16xf32>,
      %gt3A_330 = arith.cmpf ogt, %get3A_329, %select_n3A_302 : vector<16xf32>
      %get3A_331 = arith.constant 7 : i32
      %get3A_332 = arith.constant 2 : i32
      %get3A_333 = arith.index_cast %get3A_331 : i32 to index
      %get3A_334 = arith.index_cast %get3A_332 : i32 to index
      %get3A_335 = arith.constant 0 : index
      %get3A_336 = tpu.vector_load %arg6[%get3A_333, %get3A_334, %get3A_335] {strides = array<i32>} : memref<16x4x16xf32, #tpu.memory_space<vmem>>, vector<16xf32>,
      %select_n3A_337 = arith.select %gt3A_330, %get3A_336, %select_n3A_295 : vector<16xi1>, vector<16xf32>
      %get3A_338 = arith.constant 7 : i32
      %get3A_339 = arith.constant 3 : i32
      %get3A_340 = arith.index_cast %get3A_338 : i32 to index
      %get3A_341 = arith.index_cast %get3A_339 : i32 to index
      %get3A_342 = arith.constant 0 : index
      %get3A_343 = tpu.vector_load %arg6[%get3A_340, %get3A_341, %get3A_342] {strides = array<i32>} : memref<16x4x16xf32, #tpu.memory_space<vmem>>, vector<16xf32>,
      %select_n3A_344 = arith.select %gt3A_330, %get3A_343, %select_n3A_302 : vector<16xi1>, vector<16xf32>
      %get3A_345 = arith.constant 8 : i32
      %get3A_346 = arith.constant 1 : i32
      %get3A_347 = arith.index_cast %get3A_345 : i32 to index
      %get3A_348 = arith.index_cast %get3A_346 : i32 to index
      %get3A_349 = arith.constant 0 : index
      %get3A_350 = tpu.vector_load %arg6[%get3A_347, %get3A_348, %get3A_349] {strides = array<i32>} : memref<16x4x16xf32, #tpu.memory_space<vmem>>, vector<16xf32>,
      %gt3A_351 = arith.cmpf ogt, %get3A_350, %select_n3A_323 : vector<16xf32>
      %get3A_352 = arith.constant 8 : i32
      %get3A_353 = arith.constant 0 : i32
      %get3A_354 = arith.index_cast %get3A_352 : i32 to index
      %get3A_355 = arith.index_cast %get3A_353 : i32 to index
      %get3A_356 = arith.constant 0 : index
      %get3A_357 = tpu.vector_load %arg6[%get3A_354, %get3A_355, %get3A_356] {strides = array<i32>} : memref<16x4x16xf32, #tpu.memory_space<vmem>>, vector<16xf32>,
      %select_n3A_358 = arith.select %gt3A_351, %get3A_357, %select_n3A_316 : vector<16xi1>, vector<16xf32>
      %get3A_359 = arith.constant 8 : i32
      %get3A_360 = arith.constant 1 : i32
      %get3A_361 = arith.index_cast %get3A_359 : i32 to index
      %get3A_362 = arith.index_cast %get3A_360 : i32 to index
      %get3A_363 = arith.constant 0 : index
      %get3A_364 = tpu.vector_load %arg6[%get3A_361, %get3A_362, %get3A_363] {strides = array<i32>} : memref<16x4x16xf32, #tpu.memory_space<vmem>>, vector<16xf32>,
      %select_n3A_365 = arith.select %gt3A_351, %get3A_364, %select_n3A_323 : vector<16xi1>, vector<16xf32>
      %get3A_366 = arith.constant 8 : i32
      %get3A_367 = arith.constant 3 : i32
      %get3A_368 = arith.index_cast %get3A_366 : i32 to index
      %get3A_369 = arith.index_cast %get3A_367 : i32 to index
      %get3A_370 = arith.constant 0 : index
      %get3A_371 = tpu.vector_load %arg6[%get3A_368, %get3A_369, %get3A_370] {strides = array<i32>} : memref<16x4x16xf32, #tpu.memory_space<vmem>>, vector<16xf32>,
      %gt3A_372 = arith.cmpf ogt, %get3A_371, %select_n3A_344 : vector<16xf32>
      %get3A_373 = arith.constant 8 : i32
      %get3A_374 = arith.constant 2 : i32
      %get3A_375 = arith.index_cast %get3A_373 : i32 to index
      %get3A_376 = arith.index_cast %get3A_374 : i32 to index
      %get3A_377 = arith.constant 0 : index
      %get3A_378 = tpu.vector_load %arg6[%get3A_375, %get3A_376, %get3A_377] {strides = array<i32>} : memref<16x4x16xf32, #tpu.memory_space<vmem>>, vector<16xf32>,
      %select_n3A_379 = arith.select %gt3A_372, %get3A_378, %select_n3A_337 : vector<16xi1>, vector<16xf32>
      %get3A_380 = arith.constant 8 : i32
      %get3A_381 = arith.constant 3 : i32
      %get3A_382 = arith.index_cast %get3A_380 : i32 to index
      %get3A_383 = arith.index_cast %get3A_381 : i32 to index
      %get3A_384 = arith.constant 0 : index
      %get3A_385 = tpu.vector_load %arg6[%get3A_382, %get3A_383, %get3A_384] {strides = array<i32>} : memref<16x4x16xf32, #tpu.memory_space<vmem>>, vector<16xf32>,
      %select_n3A_386 = arith.select %gt3A_372, %get3A_385, %select_n3A_344 : vector<16xi1>, vector<16xf32>
      %get3A_387 = arith.constant 9 : i32
      %get3A_388 = arith.constant 1 : i32
      %get3A_389 = arith.index_cast %get3A_387 : i32 to index
      %get3A_390 = arith.index_cast %get3A_388 : i32 to index
      %get3A_391 = arith.constant 0 : index
      %get3A_392 = tpu.vector_load %arg6[%get3A_389, %get3A_390, %get3A_391] {strides = array<i32>} : memref<16x4x16xf32, #tpu.memory_space<vmem>>, vector<16xf32>,
      %gt3A_393 = arith.cmpf ogt, %get3A_392, %select_n3A_365 : vector<16xf32>
      %get3A_394 = arith.constant 9 : i32
      %get3A_395 = arith.constant 0 : i32
      %get3A_396 = arith.index_cast %get3A_394 : i32 to index
      %get3A_397 = arith.index_cast %get3A_395 : i32 to index
      %get3A_398 = arith.constant 0 : index
      %get3A_399 = tpu.vector_load %arg6[%get3A_396, %get3A_397, %get3A_398] {strides = array<i32>} : memref<16x4x16xf32, #tpu.memory_space<vmem>>, vector<16xf32>,
      %select_n3A_400 = arith.select %gt3A_393, %get3A_399, %select_n3A_358 : vector<16xi1>, vector<16xf32>
      %get3A_401 = arith.constant 9 : i32
      %get3A_402 = arith.constant 1 : i32
      %get3A_403 = arith.index_cast %get3A_401 : i32 to index
      %get3A_404 = arith.index_cast %get3A_402 : i32 to index
      %get3A_405 = arith.constant 0 : index
      %get3A_406 = tpu.vector_load %arg6[%get3A_403, %get3A_404, %get3A_405] {strides = array<i32>} : memref<16x4x16xf32, #tpu.memory_space<vmem>>, vector<16xf32>,
      %select_n3A_407 = arith.select %gt3A_393, %get3A_406, %select_n3A_365 : vector<16xi1>, vector<16xf32>
      %get3A_408 = arith.constant 9 : i32
      %get3A_409 = arith.constant 3 : i32
      %get3A_410 = arith.index_cast %get3A_408 : i32 to index
      %get3A_411 = arith.index_cast %get3A_409 : i32 to index
      %get3A_412 = arith.constant 0 : index
      %get3A_413 = tpu.vector_load %arg6[%get3A_410, %get3A_411, %get3A_412] {strides = array<i32>} : memref<16x4x16xf32, #tpu.memory_space<vmem>>, vector<16xf32>,
      %gt3A_414 = arith.cmpf ogt, %get3A_413, %select_n3A_386 : vector<16xf32>
      %get3A_415 = arith.constant 9 : i32
      %get3A_416 = arith.constant 2 : i32
      %get3A_417 = arith.index_cast %get3A_415 : i32 to index
      %get3A_418 = arith.index_cast %get3A_416 : i32 to index
      %get3A_419 = arith.constant 0 : index
      %get3A_420 = tpu.vector_load %arg6[%get3A_417, %get3A_418, %get3A_419] {strides = array<i32>} : memref<16x4x16xf32, #tpu.memory_space<vmem>>, vector<16xf32>,
      %select_n3A_421 = arith.select %gt3A_414, %get3A_420, %select_n3A_379 : vector<16xi1>, vector<16xf32>
      %get3A_422 = arith.constant 9 : i32
      %get3A_423 = arith.constant 3 : i32
      %get3A_424 = arith.index_cast %get3A_422 : i32 to index
      %get3A_425 = arith.index_cast %get3A_423 : i32 to index
      %get3A_426 = arith.constant 0 : index
      %get3A_427 = tpu.vector_load %arg6[%get3A_424, %get3A_425, %get3A_426] {strides = array<i32>} : memref<16x4x16xf32, #tpu.memory_space<vmem>>, vector<16xf32>,
      %select_n3A_428 = arith.select %gt3A_414, %get3A_427, %select_n3A_386 : vector<16xi1>, vector<16xf32>
      %get3A_429 = arith.constant 10 : i32
      %get3A_430 = arith.constant 1 : i32
      %get3A_431 = arith.index_cast %get3A_429 : i32 to index
      %get3A_432 = arith.index_cast %get3A_430 : i32 to index
      %get3A_433 = arith.constant 0 : index
      %get3A_434 = tpu.vector_load %arg6[%get3A_431, %get3A_432, %get3A_433] {strides = array<i32>} : memref<16x4x16xf32, #tpu.memory_space<vmem>>, vector<16xf32>,
      %gt3A_435 = arith.cmpf ogt, %get3A_434, %select_n3A_407 : vector<16xf32>
      %get3A_436 = arith.constant 10 : i32
      %get3A_437 = arith.constant 0 : i32
      %get3A_438 = arith.index_cast %get3A_436 : i32 to index
      %get3A_439 = arith.index_cast %get3A_437 : i32 to index
      %get3A_440 = arith.constant 0 : index
      %get3A_441 = tpu.vector_load %arg6[%get3A_438, %get3A_439, %get3A_440] {strides = array<i32>} : memref<16x4x16xf32, #tpu.memory_space<vmem>>, vector<16xf32>,
      %select_n3A_442 = arith.select %gt3A_435, %get3A_441, %select_n3A_400 : vector<16xi1>, vector<16xf32>
      %get3A_443 = arith.constant 10 : i32
      %get3A_444 = arith.constant 1 : i32
      %get3A_445 = arith.index_cast %get3A_443 : i32 to index
      %get3A_446 = arith.index_cast %get3A_444 : i32 to index
      %get3A_447 = arith.constant 0 : index
      %get3A_448 = tpu.vector_load %arg6[%get3A_445, %get3A_446, %get3A_447] {strides = array<i32>} : memref<16x4x16xf32, #tpu.memory_space<vmem>>, vector<16xf32>,
      %select_n3A_449 = arith.select %gt3A_435, %get3A_448, %select_n3A_407 : vector<16xi1>, vector<16xf32>
      %get3A_450 = arith.constant 10 : i32
      %get3A_451 = arith.constant 3 : i32
      %get3A_452 = arith.index_cast %get3A_450 : i32 to index
      %get3A_453 = arith.index_cast %get3A_451 : i32 to index
      %get3A_454 = arith.constant 0 : index
      %get3A_455 = tpu.vector_load %arg6[%get3A_452, %get3A_453, %get3A_454] {strides = array<i32>} : memref<16x4x16xf32, #tpu.memory_space<vmem>>, vector<16xf32>,
      %gt3A_456 = arith.cmpf ogt, %get3A_455, %select_n3A_428 : vector<16xf32>
      %get3A_457 = arith.constant 10 : i32
      %get3A_458 = arith.constant 2 : i32
      %get3A_459 = arith.index_cast %get3A_457 : i32 to index
      %get3A_460 = arith.index_cast %get3A_458 : i32 to index
      %get3A_461 = arith.constant 0 : index
      %get3A_462 = tpu.vector_load %arg6[%get3A_459, %get3A_460, %get3A_461] {strides = array<i32>} : memref<16x4x16xf32, #tpu.memory_space<vmem>>, vector<16xf32>,
      %select_n3A_463 = arith.select %gt3A_456, %get3A_462, %select_n3A_421 : vector<16xi1>, vector<16xf32>
      %get3A_464 = arith.constant 10 : i32
      %get3A_465 = arith.constant 3 : i32
      %get3A_466 = arith.index_cast %get3A_464 : i32 to index
      %get3A_467 = arith.index_cast %get3A_465 : i32 to index
      %get3A_468 = arith.constant 0 : index
      %get3A_469 = tpu.vector_load %arg6[%get3A_466, %get3A_467, %get3A_468] {strides = array<i32>} : memref<16x4x16xf32, #tpu.memory_space<vmem>>, vector<16xf32>,
      %select_n3A_470 = arith.select %gt3A_456, %get3A_469, %select_n3A_428 : vector<16xi1>, vector<16xf32>
      %get3A_471 = arith.constant 11 : i32
      %get3A_472 = arith.constant 1 : i32
      %get3A_473 = arith.index_cast %get3A_471 : i32 to index
      %get3A_474 = arith.index_cast %get3A_472 : i32 to index
      %get3A_475 = arith.constant 0 : index
      %get3A_476 = tpu.vector_load %arg6[%get3A_473, %get3A_474, %get3A_475] {strides = array<i32>} : memref<16x4x16xf32, #tpu.memory_space<vmem>>, vector<16xf32>,
      %gt3A_477 = arith.cmpf ogt, %get3A_476, %select_n3A_449 : vector<16xf32>
      %get3A_478 = arith.constant 11 : i32
      %get3A_479 = arith.constant 0 : i32
      %get3A_480 = arith.index_cast %get3A_478 : i32 to index
      %get3A_481 = arith.index_cast %get3A_479 : i32 to index
      %get3A_482 = arith.constant 0 : index
      %get3A_483 = tpu.vector_load %arg6[%get3A_480, %get3A_481, %get3A_482] {strides = array<i32>} : memref<16x4x16xf32, #tpu.memory_space<vmem>>, vector<16xf32>,
      %select_n3A_484 = arith.select %gt3A_477, %get3A_483, %select_n3A_442 : vector<16xi1>, vector<16xf32>
      %get3A_485 = arith.constant 11 : i32
      %get3A_486 = arith.constant 1 : i32
      %get3A_487 = arith.index_cast %get3A_485 : i32 to index
      %get3A_488 = arith.index_cast %get3A_486 : i32 to index
      %get3A_489 = arith.constant 0 : index
      %get3A_490 = tpu.vector_load %arg6[%get3A_487, %get3A_488, %get3A_489] {strides = array<i32>} : memref<16x4x16xf32, #tpu.memory_space<vmem>>, vector<16xf32>,
      %select_n3A_491 = arith.select %gt3A_477, %get3A_490, %select_n3A_449 : vector<16xi1>, vector<16xf32>
      %get3A_492 = arith.constant 11 : i32
      %get3A_493 = arith.constant 3 : i32
      %get3A_494 = arith.index_cast %get3A_492 : i32 to index
      %get3A_495 = arith.index_cast %get3A_493 : i32 to index
      %get3A_496 = arith.constant 0 : index
      %get3A_497 = tpu.vector_load %arg6[%get3A_494, %get3A_495, %get3A_496] {strides = array<i32>} : memref<16x4x16xf32, #tpu.memory_space<vmem>>, vector<16xf32>,
      %gt3A_498 = arith.cmpf ogt, %get3A_497, %select_n3A_470 : vector<16xf32>
      %get3A_499 = arith.constant 11 : i32
      %get3A_500 = arith.constant 2 : i32
      %get3A_501 = arith.index_cast %get3A_499 : i32 to index
      %get3A_502 = arith.index_cast %get3A_500 : i32 to index
      %get3A_503 = arith.constant 0 : index
      %get3A_504 = tpu.vector_load %arg6[%get3A_501, %get3A_502, %get3A_503] {strides = array<i32>} : memref<16x4x16xf32, #tpu.memory_space<vmem>>, vector<16xf32>,
      %select_n3A_505 = arith.select %gt3A_498, %get3A_504, %select_n3A_463 : vector<16xi1>, vector<16xf32>
      %get3A_506 = arith.constant 11 : i32
      %get3A_507 = arith.constant 3 : i32
      %get3A_508 = arith.index_cast %get3A_506 : i32 to index
      %get3A_509 = arith.index_cast %get3A_507 : i32 to index
      %get3A_510 = arith.constant 0 : index
      %get3A_511 = tpu.vector_load %arg6[%get3A_508, %get3A_509, %get3A_510] {strides = array<i32>} : memref<16x4x16xf32, #tpu.memory_space<vmem>>, vector<16xf32>,
      %select_n3A_512 = arith.select %gt3A_498, %get3A_511, %select_n3A_470 : vector<16xi1>, vector<16xf32>
      %get3A_513 = arith.constant 12 : i32
      %get3A_514 = arith.constant 1 : i32
      %get3A_515 = arith.index_cast %get3A_513 : i32 to index
      %get3A_516 = arith.index_cast %get3A_514 : i32 to index
      %get3A_517 = arith.constant 0 : index
      %get3A_518 = tpu.vector_load %arg6[%get3A_515, %get3A_516, %get3A_517] {strides = array<i32>} : memref<16x4x16xf32, #tpu.memory_space<vmem>>, vector<16xf32>,
      %gt3A_519 = arith.cmpf ogt, %get3A_518, %select_n3A_491 : vector<16xf32>
      %get3A_520 = arith.constant 12 : i32
      %get3A_521 = arith.constant 0 : i32
      %get3A_522 = arith.index_cast %get3A_520 : i32 to index
      %get3A_523 = arith.index_cast %get3A_521 : i32 to index
      %get3A_524 = arith.constant 0 : index
      %get3A_525 = tpu.vector_load %arg6[%get3A_522, %get3A_523, %get3A_524] {strides = array<i32>} : memref<16x4x16xf32, #tpu.memory_space<vmem>>, vector<16xf32>,
      %select_n3A_526 = arith.select %gt3A_519, %get3A_525, %select_n3A_484 : vector<16xi1>, vector<16xf32>
      %get3A_527 = arith.constant 12 : i32
      %get3A_528 = arith.constant 1 : i32
      %get3A_529 = arith.index_cast %get3A_527 : i32 to index
      %get3A_530 = arith.index_cast %get3A_528 : i32 to index
      %get3A_531 = arith.constant 0 : index
      %get3A_532 = tpu.vector_load %arg6[%get3A_529, %get3A_530, %get3A_531] {strides = array<i32>} : memref<16x4x16xf32, #tpu.memory_space<vmem>>, vector<16xf32>,
      %select_n3A_533 = arith.select %gt3A_519, %get3A_532, %select_n3A_491 : vector<16xi1>, vector<16xf32>
      %get3A_534 = arith.constant 12 : i32
      %get3A_535 = arith.constant 3 : i32
      %get3A_536 = arith.index_cast %get3A_534 : i32 to index
      %get3A_537 = arith.index_cast %get3A_535 : i32 to index
      %get3A_538 = arith.constant 0 : index
      %get3A_539 = tpu.vector_load %arg6[%get3A_536, %get3A_537, %get3A_538] {strides = array<i32>} : memref<16x4x16xf32, #tpu.memory_space<vmem>>, vector<16xf32>,
      %gt3A_540 = arith.cmpf ogt, %get3A_539, %select_n3A_512 : vector<16xf32>
      %get3A_541 = arith.constant 12 : i32
      %get3A_542 = arith.constant 2 : i32
      %get3A_543 = arith.index_cast %get3A_541 : i32 to index
      %get3A_544 = arith.index_cast %get3A_542 : i32 to index
      %get3A_545 = arith.constant 0 : index
      %get3A_546 = tpu.vector_load %arg6[%get3A_543, %get3A_544, %get3A_545] {strides = array<i32>} : memref<16x4x16xf32, #tpu.memory_space<vmem>>, vector<16xf32>,
      %select_n3A_547 = arith.select %gt3A_540, %get3A_546, %select_n3A_505 : vector<16xi1>, vector<16xf32>
      %get3A_548 = arith.constant 12 : i32
      %get3A_549 = arith.constant 3 : i32
      %get3A_550 = arith.index_cast %get3A_548 : i32 to index
      %get3A_551 = arith.index_cast %get3A_549 : i32 to index
      %get3A_552 = arith.constant 0 : index
      %get3A_553 = tpu.vector_load %arg6[%get3A_550, %get3A_551, %get3A_552] {strides = array<i32>} : memref<16x4x16xf32, #tpu.memory_space<vmem>>, vector<16xf32>,
      %select_n3A_554 = arith.select %gt3A_540, %get3A_553, %select_n3A_512 : vector<16xi1>, vector<16xf32>
      %get3A_555 = arith.constant 13 : i32
      %get3A_556 = arith.constant 1 : i32
      %get3A_557 = arith.index_cast %get3A_555 : i32 to index
      %get3A_558 = arith.index_cast %get3A_556 : i32 to index
      %get3A_559 = arith.constant 0 : index
      %get3A_560 = tpu.vector_load %arg6[%get3A_557, %get3A_558, %get3A_559] {strides = array<i32>} : memref<16x4x16xf32, #tpu.memory_space<vmem>>, vector<16xf32>,
      %gt3A_561 = arith.cmpf ogt, %get3A_560, %select_n3A_533 : vector<16xf32>
      %get3A_562 = arith.constant 13 : i32
      %get3A_563 = arith.constant 0 : i32
      %get3A_564 = arith.index_cast %get3A_562 : i32 to index
      %get3A_565 = arith.index_cast %get3A_563 : i32 to index
      %get3A_566 = arith.constant 0 : index
      %get3A_567 = tpu.vector_load %arg6[%get3A_564, %get3A_565, %get3A_566] {strides = array<i32>} : memref<16x4x16xf32, #tpu.memory_space<vmem>>, vector<16xf32>,
      %select_n3A_568 = arith.select %gt3A_561, %get3A_567, %select_n3A_526 : vector<16xi1>, vector<16xf32>
      %get3A_569 = arith.constant 13 : i32
      %get3A_570 = arith.constant 1 : i32
      %get3A_571 = arith.index_cast %get3A_569 : i32 to index
      %get3A_572 = arith.index_cast %get3A_570 : i32 to index
      %get3A_573 = arith.constant 0 : index
      %get3A_574 = tpu.vector_load %arg6[%get3A_571, %get3A_572, %get3A_573] {strides = array<i32>} : memref<16x4x16xf32, #tpu.memory_space<vmem>>, vector<16xf32>,
      %select_n3A_575 = arith.select %gt3A_561, %get3A_574, %select_n3A_533 : vector<16xi1>, vector<16xf32>
      %get3A_576 = arith.constant 13 : i32
      %get3A_577 = arith.constant 3 : i32
      %get3A_578 = arith.index_cast %get3A_576 : i32 to index
      %get3A_579 = arith.index_cast %get3A_577 : i32 to index
      %get3A_580 = arith.constant 0 : index
      %get3A_581 = tpu.vector_load %arg6[%get3A_578, %get3A_579, %get3A_580] {strides = array<i32>} : memref<16x4x16xf32, #tpu.memory_space<vmem>>, vector<16xf32>,
      %gt3A_582 = arith.cmpf ogt, %get3A_581, %select_n3A_554 : vector<16xf32>
      %get3A_583 = arith.constant 13 : i32
      %get3A_584 = arith.constant 2 : i32
      %get3A_585 = arith.index_cast %get3A_583 : i32 to index
      %get3A_586 = arith.index_cast %get3A_584 : i32 to index
      %get3A_587 = arith.constant 0 : index
      %get3A_588 = tpu.vector_load %arg6[%get3A_585, %get3A_586, %get3A_587] {strides = array<i32>} : memref<16x4x16xf32, #tpu.memory_space<vmem>>, vector<16xf32>,
      %select_n3A_589 = arith.select %gt3A_582, %get3A_588, %select_n3A_547 : vector<16xi1>, vector<16xf32>
      %get3A_590 = arith.constant 13 : i32
      %get3A_591 = arith.constant 3 : i32
      %get3A_592 = arith.index_cast %get3A_590 : i32 to index
      %get3A_593 = arith.index_cast %get3A_591 : i32 to index
      %get3A_594 = arith.constant 0 : index
      %get3A_595 = tpu.vector_load %arg6[%get3A_592, %get3A_593, %get3A_594] {strides = array<i32>} : memref<16x4x16xf32, #tpu.memory_space<vmem>>, vector<16xf32>,
      %select_n3A_596 = arith.select %gt3A_582, %get3A_595, %select_n3A_554 : vector<16xi1>, vector<16xf32>
      %get3A_597 = arith.constant 14 : i32
      %get3A_598 = arith.constant 1 : i32
      %get3A_599 = arith.index_cast %get3A_597 : i32 to index
      %get3A_600 = arith.index_cast %get3A_598 : i32 to index
      %get3A_601 = arith.constant 0 : index
      %get3A_602 = tpu.vector_load %arg6[%get3A_599, %get3A_600, %get3A_601] {strides = array<i32>} : memref<16x4x16xf32, #tpu.memory_space<vmem>>, vector<16xf32>,
      %gt3A_603 = arith.cmpf ogt, %get3A_602, %select_n3A_575 : vector<16xf32>
      %get3A_604 = arith.constant 14 : i32
      %get3A_605 = arith.constant 0 : i32
      %get3A_606 = arith.index_cast %get3A_604 : i32 to index
      %get3A_607 = arith.index_cast %get3A_605 : i32 to index
      %get3A_608 = arith.constant 0 : index
      %get3A_609 = tpu.vector_load %arg6[%get3A_606, %get3A_607, %get3A_608] {strides = array<i32>} : memref<16x4x16xf32, #tpu.memory_space<vmem>>, vector<16xf32>,
      %select_n3A_610 = arith.select %gt3A_603, %get3A_609, %select_n3A_568 : vector<16xi1>, vector<16xf32>
      %get3A_611 = arith.constant 14 : i32
      %get3A_612 = arith.constant 1 : i32
      %get3A_613 = arith.index_cast %get3A_611 : i32 to index
      %get3A_614 = arith.index_cast %get3A_612 : i32 to index
      %get3A_615 = arith.constant 0 : index
      %get3A_616 = tpu.vector_load %arg6[%get3A_613, %get3A_614, %get3A_615] {strides = array<i32>} : memref<16x4x16xf32, #tpu.memory_space<vmem>>, vector<16xf32>,
      %select_n3A_617 = arith.select %gt3A_603, %get3A_616, %select_n3A_575 : vector<16xi1>, vector<16xf32>
      %get3A_618 = arith.constant 14 : i32
      %get3A_619 = arith.constant 3 : i32
      %get3A_620 = arith.index_cast %get3A_618 : i32 to index
      %get3A_621 = arith.index_cast %get3A_619 : i32 to index
      %get3A_622 = arith.constant 0 : index
      %get3A_623 = tpu.vector_load %arg6[%get3A_620, %get3A_621, %get3A_622] {strides = array<i32>} : memref<16x4x16xf32, #tpu.memory_space<vmem>>, vector<16xf32>,
      %gt3A_624 = arith.cmpf ogt, %get3A_623, %select_n3A_596 : vector<16xf32>
      %get3A_625 = arith.constant 14 : i32
      %get3A_626 = arith.constant 2 : i32
      %get3A_627 = arith.index_cast %get3A_625 : i32 to index
      %get3A_628 = arith.index_cast %get3A_626 : i32 to index
      %get3A_629 = arith.constant 0 : index
      %get3A_630 = tpu.vector_load %arg6[%get3A_627, %get3A_628, %get3A_629] {strides = array<i32>} : memref<16x4x16xf32, #tpu.memory_space<vmem>>, vector<16xf32>,
      %select_n3A_631 = arith.select %gt3A_624, %get3A_630, %select_n3A_589 : vector<16xi1>, vector<16xf32>
      %get3A_632 = arith.constant 14 : i32
      %get3A_633 = arith.constant 3 : i32
      %get3A_634 = arith.index_cast %get3A_632 : i32 to index
      %get3A_635 = arith.index_cast %get3A_633 : i32 to index
      %get3A_636 = arith.constant 0 : index
      %get3A_637 = tpu.vector_load %arg6[%get3A_634, %get3A_635, %get3A_636] {strides = array<i32>} : memref<16x4x16xf32, #tpu.memory_space<vmem>>, vector<16xf32>,
      %select_n3A_638 = arith.select %gt3A_624, %get3A_637, %select_n3A_596 : vector<16xi1>, vector<16xf32>
      %get3A_639 = arith.constant 15 : i32
      %get3A_640 = arith.constant 1 : i32
      %get3A_641 = arith.index_cast %get3A_639 : i32 to index
      %get3A_642 = arith.index_cast %get3A_640 : i32 to index
      %get3A_643 = arith.constant 0 : index
      %get3A_644 = tpu.vector_load %arg6[%get3A_641, %get3A_642, %get3A_643] {strides = array<i32>} : memref<16x4x16xf32, #tpu.memory_space<vmem>>, vector<16xf32>,
      %gt3A_645 = arith.cmpf ogt, %get3A_644, %select_n3A_617 : vector<16xf32>
      %get3A_646 = arith.constant 15 : i32
      %get3A_647 = arith.constant 0 : i32
      %get3A_648 = arith.index_cast %get3A_646 : i32 to index
      %get3A_649 = arith.index_cast %get3A_647 : i32 to index
      %get3A_650 = arith.constant 0 : index
      %get3A_651 = tpu.vector_load %arg6[%get3A_648, %get3A_649, %get3A_650] {strides = array<i32>} : memref<16x4x16xf32, #tpu.memory_space<vmem>>, vector<16xf32>,
      %select_n3A_652 = arith.select %gt3A_645, %get3A_651, %select_n3A_610 : vector<16xi1>, vector<16xf32>
      %get3A_653 = arith.constant 15 : i32
      %get3A_654 = arith.constant 1 : i32
      %get3A_655 = arith.index_cast %get3A_653 : i32 to index
      %get3A_656 = arith.index_cast %get3A_654 : i32 to index
      %get3A_657 = arith.constant 0 : index
      %get3A_658 = tpu.vector_load %arg6[%get3A_655, %get3A_656, %get3A_657] {strides = array<i32>} : memref<16x4x16xf32, #tpu.memory_space<vmem>>, vector<16xf32>,
      %select_n3A_659 = arith.select %gt3A_645, %get3A_658, %select_n3A_617 : vector<16xi1>, vector<16xf32>
      %get3A_660 = arith.constant 15 : i32
      %get3A_661 = arith.constant 3 : i32
      %get3A_662 = arith.index_cast %get3A_660 : i32 to index
      %get3A_663 = arith.index_cast %get3A_661 : i32 to index
      %get3A_664 = arith.constant 0 : index
      %get3A_665 = tpu.vector_load %arg6[%get3A_662, %get3A_663, %get3A_664] {strides = array<i32>} : memref<16x4x16xf32, #tpu.memory_space<vmem>>, vector<16xf32>,
      %gt3A_666 = arith.cmpf ogt, %get3A_665, %select_n3A_638 : vector<16xf32>
      %get3A_667 = arith.constant 15 : i32
      %get3A_668 = arith.constant 2 : i32
      %get3A_669 = arith.index_cast %get3A_667 : i32 to index
      %get3A_670 = arith.index_cast %get3A_668 : i32 to index
      %get3A_671 = arith.constant 0 : index
      %get3A_672 = tpu.vector_load %arg6[%get3A_669, %get3A_670, %get3A_671] {strides = array<i32>} : memref<16x4x16xf32, #tpu.memory_space<vmem>>, vector<16xf32>,
      %select_n3A_673 = arith.select %gt3A_666, %get3A_672, %select_n3A_631 : vector<16xi1>, vector<16xf32>
      %get3A_674 = arith.constant 15 : i32
      %get3A_675 = arith.constant 3 : i32
      %get3A_676 = arith.index_cast %get3A_674 : i32 to index
      %get3A_677 = arith.index_cast %get3A_675 : i32 to index
      %get3A_678 = arith.constant 0 : index
      %get3A_679 = tpu.vector_load %arg6[%get3A_676, %get3A_677, %get3A_678] {strides = array<i32>} : memref<16x4x16xf32, #tpu.memory_space<vmem>>, vector<16xf32>,
      %select_n3A_680 = arith.select %gt3A_666, %get3A_679, %select_n3A_638 : vector<16xi1>, vector<16xf32>
      %eq3A_681 = arith.constant 0 : i32
      %eq3A_682 = vector.broadcast %eq3A_681 : i32 to vector<16xi32>
      %eq3A_683 = arith.cmpi eq, %iota3A, %eq3A_682 : vector<16xi32>
      %jit3A = arith.constant -3.000000e+38 : f32
      %broadcast_in_dim3A_684 = vector.broadcast %jit3A : f32 to vector<16xf32>
      %select_n3A_685 = arith.select %eq3A_683, %select_n3A_652, %broadcast_in_dim3A_684 : vector<16xi1>, vector<16xf32>
      %reduce_max3A = arith.constant true
      %reduce_max3A_686 = vector.broadcast %reduce_max3A : i1 to vector<16xi1>
      %reduce_max3A_687 = tpu.scan <max>, %select_n3A_685 masked %reduce_max3A_686 : vector<16xf32>, vector<16xi1> -> vector<16xf32>
      %reduce_max3A_688 = vector.extract %reduce_max3A_687[15] : f32 from vector<16xf32>
      %jit3A_689 = arith.constant -1.000000e+00 : f32
      %broadcast_in_dim3A_690 = vector.broadcast %jit3A_689 : f32 to vector<16xf32>
      %select_n3A_691 = arith.select %eq3A_683, %select_n3A_659, %broadcast_in_dim3A_690 : vector<16xi1>, vector<16xf32>
      %reduce_max3A_692 = arith.constant true
      %reduce_max3A_693 = vector.broadcast %reduce_max3A_692 : i1 to vector<16xi1>
      %reduce_max3A_694 = tpu.scan <max>, %select_n3A_691 masked %reduce_max3A_693 : vector<16xf32>, vector<16xi1> -> vector<16xf32>
      %reduce_max3A_695 = vector.extract %reduce_max3A_694[15] : f32 from vector<16xf32>
      %jit3A_696 = arith.constant -3.000000e+38 : f32
      %broadcast_in_dim3A_697 = vector.broadcast %jit3A_696 : f32 to vector<16xf32>
      %select_n3A_698 = arith.select %eq3A_683, %select_n3A_673, %broadcast_in_dim3A_697 : vector<16xi1>, vector<16xf32>
      %reduce_max3A_699 = arith.constant true
      %reduce_max3A_700 = vector.broadcast %reduce_max3A_699 : i1 to vector<16xi1>
      %reduce_max3A_701 = tpu.scan <max>, %select_n3A_698 masked %reduce_max3A_700 : vector<16xf32>, vector<16xi1> -> vector<16xf32>
      %reduce_max3A_702 = vector.extract %reduce_max3A_701[15] : f32 from vector<16xf32>
      %jit3A_703 = arith.constant -1.000000e+00 : f32
      %broadcast_in_dim3A_704 = vector.broadcast %jit3A_703 : f32 to vector<16xf32>
      %select_n3A_705 = arith.select %eq3A_683, %select_n3A_680, %broadcast_in_dim3A_704 : vector<16xi1>, vector<16xf32>
      %reduce_max3A_706 = arith.constant true
      %reduce_max3A_707 = vector.broadcast %reduce_max3A_706 : i1 to vector<16xi1>
      %reduce_max3A_708 = tpu.scan <max>, %select_n3A_705 masked %reduce_max3A_707 : vector<16xf32>, vector<16xi1> -> vector<16xf32>
      %reduce_max3A_709 = vector.extract %reduce_max3A_708[15] : f32 from vector<16xf32>
      %ge3A = arith.constant 0.000000e+00 : f32
      %ge3A_710 = arith.cmpf oge, %reduce_max3A_695, %ge3A : f32
      %jit3A_711 = arith.constant -1.000000e+09 : f32
      %select_n3A_712 = arith.select %ge3A_710, %reduce_max3A_688, %jit3A_711 : f32
      %ge3A_713 = arith.constant 0.000000e+00 : f32
      %ge3A_714 = arith.cmpf oge, %reduce_max3A_709, %ge3A_713 : f32
      %jit3A_715 = arith.constant -1.000000e+09 : f32
      %select_n3A_716 = arith.select %ge3A_714, %reduce_max3A_702, %jit3A_715 : f32
      %eq3A_717 = arith.constant 0 : i32
      %eq3A_718 = vector.broadcast %eq3A_717 : i32 to vector<16xi32>
      %eq3A_719 = arith.cmpi eq, %iota3A, %eq3A_718 : vector<16xi32>
      %eq3A_720 = arith.constant 1 : i32
      %eq3A_721 = vector.broadcast %eq3A_720 : i32 to vector<16xi32>
      %eq3A_722 = arith.cmpi eq, %iota3A, %eq3A_721 : vector<16xi32>
      %jit3A_723 = arith.constant -1.000000e+09 : f32
      %broadcast_in_dim3A_724 = vector.broadcast %select_n3A_716 : f32 to vector<16xf32>
      %broadcast_in_dim3A_725 = vector.broadcast %jit3A_723 : f32 to vector<16xf32>
      %select_n3A_726 = arith.select %eq3A_722, %broadcast_in_dim3A_724, %broadcast_in_dim3A_725 : vector<16xi1>, vector<16xf32>
      %broadcast_in_dim3A_727 = vector.broadcast %select_n3A_712 : f32 to vector<16xf32>
      %select_n3A_728 = arith.select %eq3A_719, %broadcast_in_dim3A_727, %select_n3A_726 : vector<16xi1>, vector<16xf32>
      %reduce_max3A_729 = arith.constant true
      %reduce_max3A_730 = vector.broadcast %reduce_max3A_729 : i1 to vector<16xi1>
      %reduce_max3A_731 = tpu.scan <max>, %select_n3A_728 masked %reduce_max3A_730 : vector<16xf32>, vector<16xi1> -> vector<16xf32>
      %reduce_max3A_732 = vector.extract %reduce_max3A_731[15] : f32 from vector<16xf32>
      %sub3A = vector.broadcast %reduce_max3A_732 : f32 to vector<16xf32>
      %sub3A_733 = arith.subf %select_n3A_728, %sub3A : vector<16xf32>
      %exp3A = math.exp %sub3A_733 : vector<16xf32>
      %reduce_sum3A = arith.constant true
      %reduce_sum3A_734 = vector.broadcast %reduce_sum3A : i1 to vector<16xi1>
      %reduce_sum3A_735 = tpu.scan <sum>, %exp3A masked %reduce_sum3A_734 : vector<16xf32>, vector<16xi1> -> vector<16xf32>
      %reduce_sum3A_736 = vector.extract %reduce_sum3A_735[15] : f32 from vector<16xf32>
      %div3A = vector.broadcast %reduce_sum3A_736 : f32 to vector<16xf32>
      %div3A_737 = arith.divf %exp3A, %div3A : vector<16xf32>
      %swap3A = arith.constant 0 : i32
      %swap3A_738 = arith.index_cast %swap3A : i32 to index
      %swap3A_739 = arith.constant 0 : index
      %swap3A_740 = tpu.vector_load %arg7[%swap3A_738, %swap3A_739] {strides = array<i32>} : memref<16x16xf32, #tpu.memory_space<vmem>>, vector<16xf32>,
      tpu.vector_store %arg7[%swap3A_738, %swap3A_739], %div3A_737 {strides = array<i32>} : memref<16x16xf32, #tpu.memory_space<vmem>>, vector<16xf32>,
      %eq3A_741 = arith.constant 1 : i32
      %eq3A_742 = vector.broadcast %eq3A_741 : i32 to vector<16xi32>
      %eq3A_743 = arith.cmpi eq, %iota3A, %eq3A_742 : vector<16xi32>
      %jit3A_744 = arith.constant -3.000000e+38 : f32
      %broadcast_in_dim3A_745 = vector.broadcast %jit3A_744 : f32 to vector<16xf32>
      %select_n3A_746 = arith.select %eq3A_743, %select_n3A_652, %broadcast_in_dim3A_745 : vector<16xi1>, vector<16xf32>
      %reduce_max3A_747 = arith.constant true
      %reduce_max3A_748 = vector.broadcast %reduce_max3A_747 : i1 to vector<16xi1>
      %reduce_max3A_749 = tpu.scan <max>, %select_n3A_746 masked %reduce_max3A_748 : vector<16xf32>, vector<16xi1> -> vector<16xf32>
      %reduce_max3A_750 = vector.extract %reduce_max3A_749[15] : f32 from vector<16xf32>
      %jit3A_751 = arith.constant -1.000000e+00 : f32
      %broadcast_in_dim3A_752 = vector.broadcast %jit3A_751 : f32 to vector<16xf32>
      %select_n3A_753 = arith.select %eq3A_743, %select_n3A_659, %broadcast_in_dim3A_752 : vector<16xi1>, vector<16xf32>
      %reduce_max3A_754 = arith.constant true
      %reduce_max3A_755 = vector.broadcast %reduce_max3A_754 : i1 to vector<16xi1>
      %reduce_max3A_756 = tpu.scan <max>, %select_n3A_753 masked %reduce_max3A_755 : vector<16xf32>, vector<16xi1> -> vector<16xf32>
      %reduce_max3A_757 = vector.extract %reduce_max3A_756[15] : f32 from vector<16xf32>
      %jit3A_758 = arith.constant -3.000000e+38 : f32
      %broadcast_in_dim3A_759 = vector.broadcast %jit3A_758 : f32 to vector<16xf32>
      %select_n3A_760 = arith.select %eq3A_743, %select_n3A_673, %broadcast_in_dim3A_759 : vector<16xi1>, vector<16xf32>
      %reduce_max3A_761 = arith.constant true
      %reduce_max3A_762 = vector.broadcast %reduce_max3A_761 : i1 to vector<16xi1>
      %reduce_max3A_763 = tpu.scan <max>, %select_n3A_760 masked %reduce_max3A_762 : vector<16xf32>, vector<16xi1> -> vector<16xf32>
      %reduce_max3A_764 = vector.extract %reduce_max3A_763[15] : f32 from vector<16xf32>
      %jit3A_765 = arith.constant -1.000000e+00 : f32
      %broadcast_in_dim3A_766 = vector.broadcast %jit3A_765 : f32 to vector<16xf32>
      %select_n3A_767 = arith.select %eq3A_743, %select_n3A_680, %broadcast_in_dim3A_766 : vector<16xi1>, vector<16xf32>
      %reduce_max3A_768 = arith.constant true
      %reduce_max3A_769 = vector.broadcast %reduce_max3A_768 : i1 to vector<16xi1>
      %reduce_max3A_770 = tpu.scan <max>, %select_n3A_767 masked %reduce_max3A_769 : vector<16xf32>, vector<16xi1> -> vector<16xf32>
      %reduce_max3A_771 = vector.extract %reduce_max3A_770[15] : f32 from vector<16xf32>
      %ge3A_772 = arith.constant 0.000000e+00 : f32
      %ge3A_773 = arith.cmpf oge, %reduce_max3A_757, %ge3A_772 : f32
      %jit3A_774 = arith.constant -1.000000e+09 : f32
      %select_n3A_775 = arith.select %ge3A_773, %reduce_max3A_750, %jit3A_774 : f32
      %ge3A_776 = arith.constant 0.000000e+00 : f32
      %ge3A_777 = arith.cmpf oge, %reduce_max3A_771, %ge3A_776 : f32
      %jit3A_778 = arith.constant -1.000000e+09 : f32
      %select_n3A_779 = arith.select %ge3A_777, %reduce_max3A_764, %jit3A_778 : f32
      %eq3A_780 = arith.constant 0 : i32
      %eq3A_781 = vector.broadcast %eq3A_780 : i32 to vector<16xi32>
      %eq3A_782 = arith.cmpi eq, %iota3A, %eq3A_781 : vector<16xi32>
      %eq3A_783 = arith.constant 1 : i32
      %eq3A_784 = vector.broadcast %eq3A_783 : i32 to vector<16xi32>
      %eq3A_785 = arith.cmpi eq, %iota3A, %eq3A_784 : vector<16xi32>
      %jit3A_786 = arith.constant -1.000000e+09 : f32
      %broadcast_in_dim3A_787 = vector.broadcast %select_n3A_779 : f32 to vector<16xf32>
      %broadcast_in_dim3A_788 = vector.broadcast %jit3A_786 : f32 to vector<16xf32>
      %select_n3A_789 = arith.select %eq3A_785, %broadcast_in_dim3A_787, %broadcast_in_dim3A_788 : vector<16xi1>, vector<16xf32>
      %broadcast_in_dim3A_790 = vector.broadcast %select_n3A_775 : f32 to vector<16xf32>
      %select_n3A_791 = arith.select %eq3A_782, %broadcast_in_dim3A_790, %select_n3A_789 : vector<16xi1>, vector<16xf32>
      %reduce_max3A_792 = arith.constant true
      %reduce_max3A_793 = vector.broadcast %reduce_max3A_792 : i1 to vector<16xi1>
      %reduce_max3A_794 = tpu.scan <max>, %select_n3A_791 masked %reduce_max3A_793 : vector<16xf32>, vector<16xi1> -> vector<16xf32>
      %reduce_max3A_795 = vector.extract %reduce_max3A_794[15] : f32 from vector<16xf32>
      %sub3A_796 = vector.broadcast %reduce_max3A_795 : f32 to vector<16xf32>
      %sub3A_797 = arith.subf %select_n3A_791, %sub3A_796 : vector<16xf32>
      %exp3A_798 = math.exp %sub3A_797 : vector<16xf32>
      %reduce_sum3A_799 = arith.constant true
      %reduce_sum3A_800 = vector.broadcast %reduce_sum3A_799 : i1 to vector<16xi1>
      %reduce_sum3A_801 = tpu.scan <sum>, %exp3A_798 masked %reduce_sum3A_800 : vector<16xf32>, vector<16xi1> -> vector<16xf32>
      %reduce_sum3A_802 = vector.extract %reduce_sum3A_801[15] : f32 from vector<16xf32>
      %div3A_803 = vector.broadcast %reduce_sum3A_802 : f32 to vector<16xf32>
      %div3A_804 = arith.divf %exp3A_798, %div3A_803 : vector<16xf32>
      %swap3A_805 = arith.constant 1 : i32
      %swap3A_806 = arith.index_cast %swap3A_805 : i32 to index
      %swap3A_807 = arith.constant 0 : index
      %swap3A_808 = tpu.vector_load %arg7[%swap3A_806, %swap3A_807] {strides = array<i32>} : memref<16x16xf32, #tpu.memory_space<vmem>>, vector<16xf32>,
      tpu.vector_store %arg7[%swap3A_806, %swap3A_807], %div3A_804 {strides = array<i32>} : memref<16x16xf32, #tpu.memory_space<vmem>>, vector<16xf32>,
      %eq3A_809 = arith.constant 2 : i32
      %eq3A_810 = vector.broadcast %eq3A_809 : i32 to vector<16xi32>
      %eq3A_811 = arith.cmpi eq, %iota3A, %eq3A_810 : vector<16xi32>
      %jit3A_812 = arith.constant -3.000000e+38 : f32
      %broadcast_in_dim3A_813 = vector.broadcast %jit3A_812 : f32 to vector<16xf32>
      %select_n3A_814 = arith.select %eq3A_811, %select_n3A_652, %broadcast_in_dim3A_813 : vector<16xi1>, vector<16xf32>
      %reduce_max3A_815 = arith.constant true
      %reduce_max3A_816 = vector.broadcast %reduce_max3A_815 : i1 to vector<16xi1>
      %reduce_max3A_817 = tpu.scan <max>, %select_n3A_814 masked %reduce_max3A_816 : vector<16xf32>, vector<16xi1> -> vector<16xf32>
      %reduce_max3A_818 = vector.extract %reduce_max3A_817[15] : f32 from vector<16xf32>
      %jit3A_819 = arith.constant -1.000000e+00 : f32
      %broadcast_in_dim3A_820 = vector.broadcast %jit3A_819 : f32 to vector<16xf32>
      %select_n3A_821 = arith.select %eq3A_811, %select_n3A_659, %broadcast_in_dim3A_820 : vector<16xi1>, vector<16xf32>
      %reduce_max3A_822 = arith.constant true
      %reduce_max3A_823 = vector.broadcast %reduce_max3A_822 : i1 to vector<16xi1>
      %reduce_max3A_824 = tpu.scan <max>, %select_n3A_821 masked %reduce_max3A_823 : vector<16xf32>, vector<16xi1> -> vector<16xf32>
      %reduce_max3A_825 = vector.extract %reduce_max3A_824[15] : f32 from vector<16xf32>
      %jit3A_826 = arith.constant -3.000000e+38 : f32
      %broadcast_in_dim3A_827 = vector.broadcast %jit3A_826 : f32 to vector<16xf32>
      %select_n3A_828 = arith.select %eq3A_811, %select_n3A_673, %broadcast_in_dim3A_827 : vector<16xi1>, vector<16xf32>
      %reduce_max3A_829 = arith.constant true
      %reduce_max3A_830 = vector.broadcast %reduce_max3A_829 : i1 to vector<16xi1>
      %reduce_max3A_831 = tpu.scan <max>, %select_n3A_828 masked %reduce_max3A_830 : vector<16xf32>, vector<16xi1> -> vector<16xf32>
      %reduce_max3A_832 = vector.extract %reduce_max3A_831[15] : f32 from vector<16xf32>
      %jit3A_833 = arith.constant -1.000000e+00 : f32
      %broadcast_in_dim3A_834 = vector.broadcast %jit3A_833 : f32 to vector<16xf32>
      %select_n3A_835 = arith.select %eq3A_811, %select_n3A_680, %broadcast_in_dim3A_834 : vector<16xi1>, vector<16xf32>
      %reduce_max3A_836 = arith.constant true
      %reduce_max3A_837 = vector.broadcast %reduce_max3A_836 : i1 to vector<16xi1>
      %reduce_max3A_838 = tpu.scan <max>, %select_n3A_835 masked %reduce_max3A_837 : vector<16xf32>, vector<16xi1> -> vector<16xf32>
      %reduce_max3A_839 = vector.extract %reduce_max3A_838[15] : f32 from vector<16xf32>
      %ge3A_840 = arith.constant 0.000000e+00 : f32
      %ge3A_841 = arith.cmpf oge, %reduce_max3A_825, %ge3A_840 : f32
      %jit3A_842 = arith.constant -1.000000e+09 : f32
      %select_n3A_843 = arith.select %ge3A_841, %reduce_max3A_818, %jit3A_842 : f32
      %ge3A_844 = arith.constant 0.000000e+00 : f32
      %ge3A_845 = arith.cmpf oge, %reduce_max3A_839, %ge3A_844 : f32
      %jit3A_846 = arith.constant -1.000000e+09 : f32
      %select_n3A_847 = arith.select %ge3A_845, %reduce_max3A_832, %jit3A_846 : f32
      %eq3A_848 = arith.constant 0 : i32
      %eq3A_849 = vector.broadcast %eq3A_848 : i32 to vector<16xi32>
      %eq3A_850 = arith.cmpi eq, %iota3A, %eq3A_849 : vector<16xi32>
      %eq3A_851 = arith.constant 1 : i32
      %eq3A_852 = vector.broadcast %eq3A_851 : i32 to vector<16xi32>
      %eq3A_853 = arith.cmpi eq, %iota3A, %eq3A_852 : vector<16xi32>
      %jit3A_854 = arith.constant -1.000000e+09 : f32
      %broadcast_in_dim3A_855 = vector.broadcast %select_n3A_847 : f32 to vector<16xf32>
      %broadcast_in_dim3A_856 = vector.broadcast %jit3A_854 : f32 to vector<16xf32>
      %select_n3A_857 = arith.select %eq3A_853, %broadcast_in_dim3A_855, %broadcast_in_dim3A_856 : vector<16xi1>, vector<16xf32>
      %broadcast_in_dim3A_858 = vector.broadcast %select_n3A_843 : f32 to vector<16xf32>
      %select_n3A_859 = arith.select %eq3A_850, %broadcast_in_dim3A_858, %select_n3A_857 : vector<16xi1>, vector<16xf32>
      %reduce_max3A_860 = arith.constant true
      %reduce_max3A_861 = vector.broadcast %reduce_max3A_860 : i1 to vector<16xi1>
      %reduce_max3A_862 = tpu.scan <max>, %select_n3A_859 masked %reduce_max3A_861 : vector<16xf32>, vector<16xi1> -> vector<16xf32>
      %reduce_max3A_863 = vector.extract %reduce_max3A_862[15] : f32 from vector<16xf32>
      %sub3A_864 = vector.broadcast %reduce_max3A_863 : f32 to vector<16xf32>
      %sub3A_865 = arith.subf %select_n3A_859, %sub3A_864 : vector<16xf32>
      %exp3A_866 = math.exp %sub3A_865 : vector<16xf32>
      %reduce_sum3A_867 = arith.constant true
      %reduce_sum3A_868 = vector.broadcast %reduce_sum3A_867 : i1 to vector<16xi1>
      %reduce_sum3A_869 = tpu.scan <sum>, %exp3A_866 masked %reduce_sum3A_868 : vector<16xf32>, vector<16xi1> -> vector<16xf32>
      %reduce_sum3A_870 = vector.extract %reduce_sum3A_869[15] : f32 from vector<16xf32>
      %div3A_871 = vector.broadcast %reduce_sum3A_870 : f32 to vector<16xf32>
      %div3A_872 = arith.divf %exp3A_866, %div3A_871 : vector<16xf32>
      %swap3A_873 = arith.constant 2 : i32
      %swap3A_874 = arith.index_cast %swap3A_873 : i32 to index
      %swap3A_875 = arith.constant 0 : index
      %swap3A_876 = tpu.vector_load %arg7[%swap3A_874, %swap3A_875] {strides = array<i32>} : memref<16x16xf32, #tpu.memory_space<vmem>>, vector<16xf32>,
      tpu.vector_store %arg7[%swap3A_874, %swap3A_875], %div3A_872 {strides = array<i32>} : memref<16x16xf32, #tpu.memory_space<vmem>>, vector<16xf32>,
      %eq3A_877 = arith.constant 3 : i32
      %eq3A_878 = vector.broadcast %eq3A_877 : i32 to vector<16xi32>
      %eq3A_879 = arith.cmpi eq, %iota3A, %eq3A_878 : vector<16xi32>
      %jit3A_880 = arith.constant -3.000000e+38 : f32
      %broadcast_in_dim3A_881 = vector.broadcast %jit3A_880 : f32 to vector<16xf32>
      %select_n3A_882 = arith.select %eq3A_879, %select_n3A_652, %broadcast_in_dim3A_881 : vector<16xi1>, vector<16xf32>
      %reduce_max3A_883 = arith.constant true
      %reduce_max3A_884 = vector.broadcast %reduce_max3A_883 : i1 to vector<16xi1>
      %reduce_max3A_885 = tpu.scan <max>, %select_n3A_882 masked %reduce_max3A_884 : vector<16xf32>, vector<16xi1> -> vector<16xf32>
      %reduce_max3A_886 = vector.extract %reduce_max3A_885[15] : f32 from vector<16xf32>
      %jit3A_887 = arith.constant -1.000000e+00 : f32
      %broadcast_in_dim3A_888 = vector.broadcast %jit3A_887 : f32 to vector<16xf32>
      %select_n3A_889 = arith.select %eq3A_879, %select_n3A_659, %broadcast_in_dim3A_888 : vector<16xi1>, vector<16xf32>
      %reduce_max3A_890 = arith.constant true
      %reduce_max3A_891 = vector.broadcast %reduce_max3A_890 : i1 to vector<16xi1>
      %reduce_max3A_892 = tpu.scan <max>, %select_n3A_889 masked %reduce_max3A_891 : vector<16xf32>, vector<16xi1> -> vector<16xf32>
      %reduce_max3A_893 = vector.extract %reduce_max3A_892[15] : f32 from vector<16xf32>
      %jit3A_894 = arith.constant -3.000000e+38 : f32
      %broadcast_in_dim3A_895 = vector.broadcast %jit3A_894 : f32 to vector<16xf32>
      %select_n3A_896 = arith.select %eq3A_879, %select_n3A_673, %broadcast_in_dim3A_895 : vector<16xi1>, vector<16xf32>
      %reduce_max3A_897 = arith.constant true
      %reduce_max3A_898 = vector.broadcast %reduce_max3A_897 : i1 to vector<16xi1>
      %reduce_max3A_899 = tpu.scan <max>, %select_n3A_896 masked %reduce_max3A_898 : vector<16xf32>, vector<16xi1> -> vector<16xf32>
      %reduce_max3A_900 = vector.extract %reduce_max3A_899[15] : f32 from vector<16xf32>
      %jit3A_901 = arith.constant -1.000000e+00 : f32
      %broadcast_in_dim3A_902 = vector.broadcast %jit3A_901 : f32 to vector<16xf32>
      %select_n3A_903 = arith.select %eq3A_879, %select_n3A_680, %broadcast_in_dim3A_902 : vector<16xi1>, vector<16xf32>
      %reduce_max3A_904 = arith.constant true
      %reduce_max3A_905 = vector.broadcast %reduce_max3A_904 : i1 to vector<16xi1>
      %reduce_max3A_906 = tpu.scan <max>, %select_n3A_903 masked %reduce_max3A_905 : vector<16xf32>, vector<16xi1> -> vector<16xf32>
      %reduce_max3A_907 = vector.extract %reduce_max3A_906[15] : f32 from vector<16xf32>
      %ge3A_908 = arith.constant 0.000000e+00 : f32
      %ge3A_909 = arith.cmpf oge, %reduce_max3A_893, %ge3A_908 : f32
      %jit3A_910 = arith.constant -1.000000e+09 : f32
      %select_n3A_911 = arith.select %ge3A_909, %reduce_max3A_886, %jit3A_910 : f32
      %ge3A_912 = arith.constant 0.000000e+00 : f32
      %ge3A_913 = arith.cmpf oge, %reduce_max3A_907, %ge3A_912 : f32
      %jit3A_914 = arith.constant -1.000000e+09 : f32
      %select_n3A_915 = arith.select %ge3A_913, %reduce_max3A_900, %jit3A_914 : f32
      %eq3A_916 = arith.constant 0 : i32
      %eq3A_917 = vector.broadcast %eq3A_916 : i32 to vector<16xi32>
      %eq3A_918 = arith.cmpi eq, %iota3A, %eq3A_917 : vector<16xi32>
      %eq3A_919 = arith.constant 1 : i32
      %eq3A_920 = vector.broadcast %eq3A_919 : i32 to vector<16xi32>
      %eq3A_921 = arith.cmpi eq, %iota3A, %eq3A_920 : vector<16xi32>
      %jit3A_922 = arith.constant -1.000000e+09 : f32
      %broadcast_in_dim3A_923 = vector.broadcast %select_n3A_915 : f32 to vector<16xf32>
      %broadcast_in_dim3A_924 = vector.broadcast %jit3A_922 : f32 to vector<16xf32>
      %select_n3A_925 = arith.select %eq3A_921, %broadcast_in_dim3A_923, %broadcast_in_dim3A_924 : vector<16xi1>, vector<16xf32>
      %broadcast_in_dim3A_926 = vector.broadcast %select_n3A_911 : f32 to vector<16xf32>
      %select_n3A_927 = arith.select %eq3A_918, %broadcast_in_dim3A_926, %select_n3A_925 : vector<16xi1>, vector<16xf32>
      %reduce_max3A_928 = arith.constant true
      %reduce_max3A_929 = vector.broadcast %reduce_max3A_928 : i1 to vector<16xi1>
      %reduce_max3A_930 = tpu.scan <max>, %select_n3A_927 masked %reduce_max3A_929 : vector<16xf32>, vector<16xi1> -> vector<16xf32>
      %reduce_max3A_931 = vector.extract %reduce_max3A_930[15] : f32 from vector<16xf32>
      %sub3A_932 = vector.broadcast %reduce_max3A_931 : f32 to vector<16xf32>
      %sub3A_933 = arith.subf %select_n3A_927, %sub3A_932 : vector<16xf32>
      %exp3A_934 = math.exp %sub3A_933 : vector<16xf32>
      %reduce_sum3A_935 = arith.constant true
      %reduce_sum3A_936 = vector.broadcast %reduce_sum3A_935 : i1 to vector<16xi1>
      %reduce_sum3A_937 = tpu.scan <sum>, %exp3A_934 masked %reduce_sum3A_936 : vector<16xf32>, vector<16xi1> -> vector<16xf32>
      %reduce_sum3A_938 = vector.extract %reduce_sum3A_937[15] : f32 from vector<16xf32>
      %div3A_939 = vector.broadcast %reduce_sum3A_938 : f32 to vector<16xf32>
      %div3A_940 = arith.divf %exp3A_934, %div3A_939 : vector<16xf32>
      %swap3A_941 = arith.constant 3 : i32
      %swap3A_942 = arith.index_cast %swap3A_941 : i32 to index
      %swap3A_943 = arith.constant 0 : index
      %swap3A_944 = tpu.vector_load %arg7[%swap3A_942, %swap3A_943] {strides = array<i32>} : memref<16x16xf32, #tpu.memory_space<vmem>>, vector<16xf32>,
      tpu.vector_store %arg7[%swap3A_942, %swap3A_943], %div3A_940 {strides = array<i32>} : memref<16x16xf32, #tpu.memory_space<vmem>>, vector<16xf32>,
      %eq3A_945 = arith.constant 4 : i32
      %eq3A_946 = vector.broadcast %eq3A_945 : i32 to vector<16xi32>
      %eq3A_947 = arith.cmpi eq, %iota3A, %eq3A_946 : vector<16xi32>
      %jit3A_948 = arith.constant -3.000000e+38 : f32
      %broadcast_in_dim3A_949 = vector.broadcast %jit3A_948 : f32 to vector<16xf32>
      %select_n3A_950 = arith.select %eq3A_947, %select_n3A_652, %broadcast_in_dim3A_949 : vector<16xi1>, vector<16xf32>
      %reduce_max3A_951 = arith.constant true
      %reduce_max3A_952 = vector.broadcast %reduce_max3A_951 : i1 to vector<16xi1>
      %reduce_max3A_953 = tpu.scan <max>, %select_n3A_950 masked %reduce_max3A_952 : vector<16xf32>, vector<16xi1> -> vector<16xf32>
      %reduce_max3A_954 = vector.extract %reduce_max3A_953[15] : f32 from vector<16xf32>
      %jit3A_955 = arith.constant -1.000000e+00 : f32
      %broadcast_in_dim3A_956 = vector.broadcast %jit3A_955 : f32 to vector<16xf32>
      %select_n3A_957 = arith.select %eq3A_947, %select_n3A_659, %broadcast_in_dim3A_956 : vector<16xi1>, vector<16xf32>
      %reduce_max3A_958 = arith.constant true
      %reduce_max3A_959 = vector.broadcast %reduce_max3A_958 : i1 to vector<16xi1>
      %reduce_max3A_960 = tpu.scan <max>, %select_n3A_957 masked %reduce_max3A_959 : vector<16xf32>, vector<16xi1> -> vector<16xf32>
      %reduce_max3A_961 = vector.extract %reduce_max3A_960[15] : f32 from vector<16xf32>
      %jit3A_962 = arith.constant -3.000000e+38 : f32
      %broadcast_in_dim3A_963 = vector.broadcast %jit3A_962 : f32 to vector<16xf32>
      %select_n3A_964 = arith.select %eq3A_947, %select_n3A_673, %broadcast_in_dim3A_963 : vector<16xi1>, vector<16xf32>
      %reduce_max3A_965 = arith.constant true
      %reduce_max3A_966 = vector.broadcast %reduce_max3A_965 : i1 to vector<16xi1>
      %reduce_max3A_967 = tpu.scan <max>, %select_n3A_964 masked %reduce_max3A_966 : vector<16xf32>, vector<16xi1> -> vector<16xf32>
      %reduce_max3A_968 = vector.extract %reduce_max3A_967[15] : f32 from vector<16xf32>
      %jit3A_969 = arith.constant -1.000000e+00 : f32
      %broadcast_in_dim3A_970 = vector.broadcast %jit3A_969 : f32 to vector<16xf32>
      %select_n3A_971 = arith.select %eq3A_947, %select_n3A_680, %broadcast_in_dim3A_970 : vector<16xi1>, vector<16xf32>
      %reduce_max3A_972 = arith.constant true
      %reduce_max3A_973 = vector.broadcast %reduce_max3A_972 : i1 to vector<16xi1>
      %reduce_max3A_974 = tpu.scan <max>, %select_n3A_971 masked %reduce_max3A_973 : vector<16xf32>, vector<16xi1> -> vector<16xf32>
      %reduce_max3A_975 = vector.extract %reduce_max3A_974[15] : f32 from vector<16xf32>
      %ge3A_976 = arith.constant 0.000000e+00 : f32
      %ge3A_977 = arith.cmpf oge, %reduce_max3A_961, %ge3A_976 : f32
      %jit3A_978 = arith.constant -1.000000e+09 : f32
      %select_n3A_979 = arith.select %ge3A_977, %reduce_max3A_954, %jit3A_978 : f32
      %ge3A_980 = arith.constant 0.000000e+00 : f32
      %ge3A_981 = arith.cmpf oge, %reduce_max3A_975, %ge3A_980 : f32
      %jit3A_982 = arith.constant -1.000000e+09 : f32
      %select_n3A_983 = arith.select %ge3A_981, %reduce_max3A_968, %jit3A_982 : f32
      %eq3A_984 = arith.constant 0 : i32
      %eq3A_985 = vector.broadcast %eq3A_984 : i32 to vector<16xi32>
      %eq3A_986 = arith.cmpi eq, %iota3A, %eq3A_985 : vector<16xi32>
      %eq3A_987 = arith.constant 1 : i32
      %eq3A_988 = vector.broadcast %eq3A_987 : i32 to vector<16xi32>
      %eq3A_989 = arith.cmpi eq, %iota3A, %eq3A_988 : vector<16xi32>
      %jit3A_990 = arith.constant -1.000000e+09 : f32
      %broadcast_in_dim3A_991 = vector.broadcast %select_n3A_983 : f32 to vector<16xf32>
      %broadcast_in_dim3A_992 = vector.broadcast %jit3A_990 : f32 to vector<16xf32>
      %select_n3A_993 = arith.select %eq3A_989, %broadcast_in_dim3A_991, %broadcast_in_dim3A_992 : vector<16xi1>, vector<16xf32>
      %broadcast_in_dim3A_994 = vector.broadcast %select_n3A_979 : f32 to vector<16xf32>
      %select_n3A_995 = arith.select %eq3A_986, %broadcast_in_dim3A_994, %select_n3A_993 : vector<16xi1>, vector<16xf32>
      %reduce_max3A_996 = arith.constant true
      %reduce_max3A_997 = vector.broadcast %reduce_max3A_996 : i1 to vector<16xi1>
      %reduce_max3A_998 = tpu.scan <max>, %select_n3A_995 masked %reduce_max3A_997 : vector<16xf32>, vector<16xi1> -> vector<16xf32>
      %reduce_max3A_999 = vector.extract %reduce_max3A_998[15] : f32 from vector<16xf32>
      %sub3A_1000 = vector.broadcast %reduce_max3A_999 : f32 to vector<16xf32>
      %sub3A_1001 = arith.subf %select_n3A_995, %sub3A_1000 : vector<16xf32>
      %exp3A_1002 = math.exp %sub3A_1001 : vector<16xf32>
      %reduce_sum3A_1003 = arith.constant true
      %reduce_sum3A_1004 = vector.broadcast %reduce_sum3A_1003 : i1 to vector<16xi1>
      %reduce_sum3A_1005 = tpu.scan <sum>, %exp3A_1002 masked %reduce_sum3A_1004 : vector<16xf32>, vector<16xi1> -> vector<16xf32>
      %reduce_sum3A_1006 = vector.extract %reduce_sum3A_1005[15] : f32 from vector<16xf32>
      %div3A_1007 = vector.broadcast %reduce_sum3A_1006 : f32 to vector<16xf32>
      %div3A_1008 = arith.divf %exp3A_1002, %div3A_1007 : vector<16xf32>
      %swap3A_1009 = arith.constant 4 : i32
      %swap3A_1010 = arith.index_cast %swap3A_1009 : i32 to index
      %swap3A_1011 = arith.constant 0 : index
      %swap3A_1012 = tpu.vector_load %arg7[%swap3A_1010, %swap3A_1011] {strides = array<i32>} : memref<16x16xf32, #tpu.memory_space<vmem>>, vector<16xf32>,
      tpu.vector_store %arg7[%swap3A_1010, %swap3A_1011], %div3A_1008 {strides = array<i32>} : memref<16x16xf32, #tpu.memory_space<vmem>>, vector<16xf32>,
      %eq3A_1013 = arith.constant 5 : i32
      %eq3A_1014 = vector.broadcast %eq3A_1013 : i32 to vector<16xi32>
      %eq3A_1015 = arith.cmpi eq, %iota3A, %eq3A_1014 : vector<16xi32>
      %jit3A_1016 = arith.constant -3.000000e+38 : f32
      %broadcast_in_dim3A_1017 = vector.broadcast %jit3A_1016 : f32 to vector<16xf32>
      %select_n3A_1018 = arith.select %eq3A_1015, %select_n3A_652, %broadcast_in_dim3A_1017 : vector<16xi1>, vector<16xf32>
      %reduce_max3A_1019 = arith.constant true
      %reduce_max3A_1020 = vector.broadcast %reduce_max3A_1019 : i1 to vector<16xi1>
      %reduce_max3A_1021 = tpu.scan <max>, %select_n3A_1018 masked %reduce_max3A_1020 : vector<16xf32>, vector<16xi1> -> vector<16xf32>
      %reduce_max3A_1022 = vector.extract %reduce_max3A_1021[15] : f32 from vector<16xf32>
      %jit3A_1023 = arith.constant -1.000000e+00 : f32
      %broadcast_in_dim3A_1024 = vector.broadcast %jit3A_1023 : f32 to vector<16xf32>
      %select_n3A_1025 = arith.select %eq3A_1015, %select_n3A_659, %broadcast_in_dim3A_1024 : vector<16xi1>, vector<16xf32>
      %reduce_max3A_1026 = arith.constant true
      %reduce_max3A_1027 = vector.broadcast %reduce_max3A_1026 : i1 to vector<16xi1>
      %reduce_max3A_1028 = tpu.scan <max>, %select_n3A_1025 masked %reduce_max3A_1027 : vector<16xf32>, vector<16xi1> -> vector<16xf32>
      %reduce_max3A_1029 = vector.extract %reduce_max3A_1028[15] : f32 from vector<16xf32>
      %jit3A_1030 = arith.constant -3.000000e+38 : f32
      %broadcast_in_dim3A_1031 = vector.broadcast %jit3A_1030 : f32 to vector<16xf32>
      %select_n3A_1032 = arith.select %eq3A_1015, %select_n3A_673, %broadcast_in_dim3A_1031 : vector<16xi1>, vector<16xf32>
      %reduce_max3A_1033 = arith.constant true
      %reduce_max3A_1034 = vector.broadcast %reduce_max3A_1033 : i1 to vector<16xi1>
      %reduce_max3A_1035 = tpu.scan <max>, %select_n3A_1032 masked %reduce_max3A_1034 : vector<16xf32>, vector<16xi1> -> vector<16xf32>
      %reduce_max3A_1036 = vector.extract %reduce_max3A_1035[15] : f32 from vector<16xf32>
      %jit3A_1037 = arith.constant -1.000000e+00 : f32
      %broadcast_in_dim3A_1038 = vector.broadcast %jit3A_1037 : f32 to vector<16xf32>
      %select_n3A_1039 = arith.select %eq3A_1015, %select_n3A_680, %broadcast_in_dim3A_1038 : vector<16xi1>, vector<16xf32>
      %reduce_max3A_1040 = arith.constant true
      %reduce_max3A_1041 = vector.broadcast %reduce_max3A_1040 : i1 to vector<16xi1>
      %reduce_max3A_1042 = tpu.scan <max>, %select_n3A_1039 masked %reduce_max3A_1041 : vector<16xf32>, vector<16xi1> -> vector<16xf32>
      %reduce_max3A_1043 = vector.extract %reduce_max3A_1042[15] : f32 from vector<16xf32>
      %ge3A_1044 = arith.constant 0.000000e+00 : f32
      %ge3A_1045 = arith.cmpf oge, %reduce_max3A_1029, %ge3A_1044 : f32
      %jit3A_1046 = arith.constant -1.000000e+09 : f32
      %select_n3A_1047 = arith.select %ge3A_1045, %reduce_max3A_1022, %jit3A_1046 : f32
      %ge3A_1048 = arith.constant 0.000000e+00 : f32
      %ge3A_1049 = arith.cmpf oge, %reduce_max3A_1043, %ge3A_1048 : f32
      %jit3A_1050 = arith.constant -1.000000e+09 : f32
      %select_n3A_1051 = arith.select %ge3A_1049, %reduce_max3A_1036, %jit3A_1050 : f32
      %eq3A_1052 = arith.constant 0 : i32
      %eq3A_1053 = vector.broadcast %eq3A_1052 : i32 to vector<16xi32>
      %eq3A_1054 = arith.cmpi eq, %iota3A, %eq3A_1053 : vector<16xi32>
      %eq3A_1055 = arith.constant 1 : i32
      %eq3A_1056 = vector.broadcast %eq3A_1055 : i32 to vector<16xi32>
      %eq3A_1057 = arith.cmpi eq, %iota3A, %eq3A_1056 : vector<16xi32>
      %jit3A_1058 = arith.constant -1.000000e+09 : f32
      %broadcast_in_dim3A_1059 = vector.broadcast %select_n3A_1051 : f32 to vector<16xf32>
      %broadcast_in_dim3A_1060 = vector.broadcast %jit3A_1058 : f32 to vector<16xf32>
      %select_n3A_1061 = arith.select %eq3A_1057, %broadcast_in_dim3A_1059, %broadcast_in_dim3A_1060 : vector<16xi1>, vector<16xf32>
      %broadcast_in_dim3A_1062 = vector.broadcast %select_n3A_1047 : f32 to vector<16xf32>
      %select_n3A_1063 = arith.select %eq3A_1054, %broadcast_in_dim3A_1062, %select_n3A_1061 : vector<16xi1>, vector<16xf32>
      %reduce_max3A_1064 = arith.constant true
      %reduce_max3A_1065 = vector.broadcast %reduce_max3A_1064 : i1 to vector<16xi1>
      %reduce_max3A_1066 = tpu.scan <max>, %select_n3A_1063 masked %reduce_max3A_1065 : vector<16xf32>, vector<16xi1> -> vector<16xf32>
      %reduce_max3A_1067 = vector.extract %reduce_max3A_1066[15] : f32 from vector<16xf32>
      %sub3A_1068 = vector.broadcast %reduce_max3A_1067 : f32 to vector<16xf32>
      %sub3A_1069 = arith.subf %select_n3A_1063, %sub3A_1068 : vector<16xf32>
      %exp3A_1070 = math.exp %sub3A_1069 : vector<16xf32>
      %reduce_sum3A_1071 = arith.constant true
      %reduce_sum3A_1072 = vector.broadcast %reduce_sum3A_1071 : i1 to vector<16xi1>
      %reduce_sum3A_1073 = tpu.scan <sum>, %exp3A_1070 masked %reduce_sum3A_1072 : vector<16xf32>, vector<16xi1> -> vector<16xf32>
      %reduce_sum3A_1074 = vector.extract %reduce_sum3A_1073[15] : f32 from vector<16xf32>
      %div3A_1075 = vector.broadcast %reduce_sum3A_1074 : f32 to vector<16xf32>
      %div3A_1076 = arith.divf %exp3A_1070, %div3A_1075 : vector<16xf32>
      %swap3A_1077 = arith.constant 5 : i32
      %swap3A_1078 = arith.index_cast %swap3A_1077 : i32 to index
      %swap3A_1079 = arith.constant 0 : index
      %swap3A_1080 = tpu.vector_load %arg7[%swap3A_1078, %swap3A_1079] {strides = array<i32>} : memref<16x16xf32, #tpu.memory_space<vmem>>, vector<16xf32>,
      tpu.vector_store %arg7[%swap3A_1078, %swap3A_1079], %div3A_1076 {strides = array<i32>} : memref<16x16xf32, #tpu.memory_space<vmem>>, vector<16xf32>,
      %eq3A_1081 = arith.constant 6 : i32
      %eq3A_1082 = vector.broadcast %eq3A_1081 : i32 to vector<16xi32>
      %eq3A_1083 = arith.cmpi eq, %iota3A, %eq3A_1082 : vector<16xi32>
      %jit3A_1084 = arith.constant -3.000000e+38 : f32
      %broadcast_in_dim3A_1085 = vector.broadcast %jit3A_1084 : f32 to vector<16xf32>
      %select_n3A_1086 = arith.select %eq3A_1083, %select_n3A_652, %broadcast_in_dim3A_1085 : vector<16xi1>, vector<16xf32>
      %reduce_max3A_1087 = arith.constant true
      %reduce_max3A_1088 = vector.broadcast %reduce_max3A_1087 : i1 to vector<16xi1>
      %reduce_max3A_1089 = tpu.scan <max>, %select_n3A_1086 masked %reduce_max3A_1088 : vector<16xf32>, vector<16xi1> -> vector<16xf32>
      %reduce_max3A_1090 = vector.extract %reduce_max3A_1089[15] : f32 from vector<16xf32>
      %jit3A_1091 = arith.constant -1.000000e+00 : f32
      %broadcast_in_dim3A_1092 = vector.broadcast %jit3A_1091 : f32 to vector<16xf32>
      %select_n3A_1093 = arith.select %eq3A_1083, %select_n3A_659, %broadcast_in_dim3A_1092 : vector<16xi1>, vector<16xf32>
      %reduce_max3A_1094 = arith.constant true
      %reduce_max3A_1095 = vector.broadcast %reduce_max3A_1094 : i1 to vector<16xi1>
      %reduce_max3A_1096 = tpu.scan <max>, %select_n3A_1093 masked %reduce_max3A_1095 : vector<16xf32>, vector<16xi1> -> vector<16xf32>
      %reduce_max3A_1097 = vector.extract %reduce_max3A_1096[15] : f32 from vector<16xf32>
      %jit3A_1098 = arith.constant -3.000000e+38 : f32
      %broadcast_in_dim3A_1099 = vector.broadcast %jit3A_1098 : f32 to vector<16xf32>
      %select_n3A_1100 = arith.select %eq3A_1083, %select_n3A_673, %broadcast_in_dim3A_1099 : vector<16xi1>, vector<16xf32>
      %reduce_max3A_1101 = arith.constant true
      %reduce_max3A_1102 = vector.broadcast %reduce_max3A_1101 : i1 to vector<16xi1>
      %reduce_max3A_1103 = tpu.scan <max>, %select_n3A_1100 masked %reduce_max3A_1102 : vector<16xf32>, vector<16xi1> -> vector<16xf32>
      %reduce_max3A_1104 = vector.extract %reduce_max3A_1103[15] : f32 from vector<16xf32>
      %jit3A_1105 = arith.constant -1.000000e+00 : f32
      %broadcast_in_dim3A_1106 = vector.broadcast %jit3A_1105 : f32 to vector<16xf32>
      %select_n3A_1107 = arith.select %eq3A_1083, %select_n3A_680, %broadcast_in_dim3A_1106 : vector<16xi1>, vector<16xf32>
      %reduce_max3A_1108 = arith.constant true
      %reduce_max3A_1109 = vector.broadcast %reduce_max3A_1108 : i1 to vector<16xi1>
      %reduce_max3A_1110 = tpu.scan <max>, %select_n3A_1107 masked %reduce_max3A_1109 : vector<16xf32>, vector<16xi1> -> vector<16xf32>
      %reduce_max3A_1111 = vector.extract %reduce_max3A_1110[15] : f32 from vector<16xf32>
      %ge3A_1112 = arith.constant 0.000000e+00 : f32
      %ge3A_1113 = arith.cmpf oge, %reduce_max3A_1097, %ge3A_1112 : f32
      %jit3A_1114 = arith.constant -1.000000e+09 : f32
      %select_n3A_1115 = arith.select %ge3A_1113, %reduce_max3A_1090, %jit3A_1114 : f32
      %ge3A_1116 = arith.constant 0.000000e+00 : f32
      %ge3A_1117 = arith.cmpf oge, %reduce_max3A_1111, %ge3A_1116 : f32
      %jit3A_1118 = arith.constant -1.000000e+09 : f32
      %select_n3A_1119 = arith.select %ge3A_1117, %reduce_max3A_1104, %jit3A_1118 : f32
      %eq3A_1120 = arith.constant 0 : i32
      %eq3A_1121 = vector.broadcast %eq3A_1120 : i32 to vector<16xi32>
      %eq3A_1122 = arith.cmpi eq, %iota3A, %eq3A_1121 : vector<16xi32>
      %eq3A_1123 = arith.constant 1 : i32
      %eq3A_1124 = vector.broadcast %eq3A_1123 : i32 to vector<16xi32>
      %eq3A_1125 = arith.cmpi eq, %iota3A, %eq3A_1124 : vector<16xi32>
      %jit3A_1126 = arith.constant -1.000000e+09 : f32
      %broadcast_in_dim3A_1127 = vector.broadcast %select_n3A_1119 : f32 to vector<16xf32>
      %broadcast_in_dim3A_1128 = vector.broadcast %jit3A_1126 : f32 to vector<16xf32>
      %select_n3A_1129 = arith.select %eq3A_1125, %broadcast_in_dim3A_1127, %broadcast_in_dim3A_1128 : vector<16xi1>, vector<16xf32>
      %broadcast_in_dim3A_1130 = vector.broadcast %select_n3A_1115 : f32 to vector<16xf32>
      %select_n3A_1131 = arith.select %eq3A_1122, %broadcast_in_dim3A_1130, %select_n3A_1129 : vector<16xi1>, vector<16xf32>
      %reduce_max3A_1132 = arith.constant true
      %reduce_max3A_1133 = vector.broadcast %reduce_max3A_1132 : i1 to vector<16xi1>
      %reduce_max3A_1134 = tpu.scan <max>, %select_n3A_1131 masked %reduce_max3A_1133 : vector<16xf32>, vector<16xi1> -> vector<16xf32>
      %reduce_max3A_1135 = vector.extract %reduce_max3A_1134[15] : f32 from vector<16xf32>
      %sub3A_1136 = vector.broadcast %reduce_max3A_1135 : f32 to vector<16xf32>
      %sub3A_1137 = arith.subf %select_n3A_1131, %sub3A_1136 : vector<16xf32>
      %exp3A_1138 = math.exp %sub3A_1137 : vector<16xf32>
      %reduce_sum3A_1139 = arith.constant true
      %reduce_sum3A_1140 = vector.broadcast %reduce_sum3A_1139 : i1 to vector<16xi1>
      %reduce_sum3A_1141 = tpu.scan <sum>, %exp3A_1138 masked %reduce_sum3A_1140 : vector<16xf32>, vector<16xi1> -> vector<16xf32>
      %reduce_sum3A_1142 = vector.extract %reduce_sum3A_1141[15] : f32 from vector<16xf32>
      %div3A_1143 = vector.broadcast %reduce_sum3A_1142 : f32 to vector<16xf32>
      %div3A_1144 = arith.divf %exp3A_1138, %div3A_1143 : vector<16xf32>
      %swap3A_1145 = arith.constant 6 : i32
      %swap3A_1146 = arith.index_cast %swap3A_1145 : i32 to index
      %swap3A_1147 = arith.constant 0 : index
      %swap3A_1148 = tpu.vector_load %arg7[%swap3A_1146, %swap3A_1147] {strides = array<i32>} : memref<16x16xf32, #tpu.memory_space<vmem>>, vector<16xf32>,
      tpu.vector_store %arg7[%swap3A_1146, %swap3A_1147], %div3A_1144 {strides = array<i32>} : memref<16x16xf32, #tpu.memory_space<vmem>>, vector<16xf32>,
      %eq3A_1149 = arith.constant 7 : i32
      %eq3A_1150 = vector.broadcast %eq3A_1149 : i32 to vector<16xi32>
      %eq3A_1151 = arith.cmpi eq, %iota3A, %eq3A_1150 : vector<16xi32>
      %jit3A_1152 = arith.constant -3.000000e+38 : f32
      %broadcast_in_dim3A_1153 = vector.broadcast %jit3A_1152 : f32 to vector<16xf32>
      %select_n3A_1154 = arith.select %eq3A_1151, %select_n3A_652, %broadcast_in_dim3A_1153 : vector<16xi1>, vector<16xf32>
      %reduce_max3A_1155 = arith.constant true
      %reduce_max3A_1156 = vector.broadcast %reduce_max3A_1155 : i1 to vector<16xi1>
      %reduce_max3A_1157 = tpu.scan <max>, %select_n3A_1154 masked %reduce_max3A_1156 : vector<16xf32>, vector<16xi1> -> vector<16xf32>
      %reduce_max3A_1158 = vector.extract %reduce_max3A_1157[15] : f32 from vector<16xf32>
      %jit3A_1159 = arith.constant -1.000000e+00 : f32
      %broadcast_in_dim3A_1160 = vector.broadcast %jit3A_1159 : f32 to vector<16xf32>
      %select_n3A_1161 = arith.select %eq3A_1151, %select_n3A_659, %broadcast_in_dim3A_1160 : vector<16xi1>, vector<16xf32>
      %reduce_max3A_1162 = arith.constant true
      %reduce_max3A_1163 = vector.broadcast %reduce_max3A_1162 : i1 to vector<16xi1>
      %reduce_max3A_1164 = tpu.scan <max>, %select_n3A_1161 masked %reduce_max3A_1163 : vector<16xf32>, vector<16xi1> -> vector<16xf32>
      %reduce_max3A_1165 = vector.extract %reduce_max3A_1164[15] : f32 from vector<16xf32>
      %jit3A_1166 = arith.constant -3.000000e+38 : f32
      %broadcast_in_dim3A_1167 = vector.broadcast %jit3A_1166 : f32 to vector<16xf32>
      %select_n3A_1168 = arith.select %eq3A_1151, %select_n3A_673, %broadcast_in_dim3A_1167 : vector<16xi1>, vector<16xf32>
      %reduce_max3A_1169 = arith.constant true
      %reduce_max3A_1170 = vector.broadcast %reduce_max3A_1169 : i1 to vector<16xi1>
      %reduce_max3A_1171 = tpu.scan <max>, %select_n3A_1168 masked %reduce_max3A_1170 : vector<16xf32>, vector<16xi1> -> vector<16xf32>
      %reduce_max3A_1172 = vector.extract %reduce_max3A_1171[15] : f32 from vector<16xf32>
      %jit3A_1173 = arith.constant -1.000000e+00 : f32
      %broadcast_in_dim3A_1174 = vector.broadcast %jit3A_1173 : f32 to vector<16xf32>
      %select_n3A_1175 = arith.select %eq3A_1151, %select_n3A_680, %broadcast_in_dim3A_1174 : vector<16xi1>, vector<16xf32>
      %reduce_max3A_1176 = arith.constant true
      %reduce_max3A_1177 = vector.broadcast %reduce_max3A_1176 : i1 to vector<16xi1>
      %reduce_max3A_1178 = tpu.scan <max>, %select_n3A_1175 masked %reduce_max3A_1177 : vector<16xf32>, vector<16xi1> -> vector<16xf32>
      %reduce_max3A_1179 = vector.extract %reduce_max3A_1178[15] : f32 from vector<16xf32>
      %ge3A_1180 = arith.constant 0.000000e+00 : f32
      %ge3A_1181 = arith.cmpf oge, %reduce_max3A_1165, %ge3A_1180 : f32
      %jit3A_1182 = arith.constant -1.000000e+09 : f32
      %select_n3A_1183 = arith.select %ge3A_1181, %reduce_max3A_1158, %jit3A_1182 : f32
      %ge3A_1184 = arith.constant 0.000000e+00 : f32
      %ge3A_1185 = arith.cmpf oge, %reduce_max3A_1179, %ge3A_1184 : f32
      %jit3A_1186 = arith.constant -1.000000e+09 : f32
      %select_n3A_1187 = arith.select %ge3A_1185, %reduce_max3A_1172, %jit3A_1186 : f32
      %eq3A_1188 = arith.constant 0 : i32
      %eq3A_1189 = vector.broadcast %eq3A_1188 : i32 to vector<16xi32>
      %eq3A_1190 = arith.cmpi eq, %iota3A, %eq3A_1189 : vector<16xi32>
      %eq3A_1191 = arith.constant 1 : i32
      %eq3A_1192 = vector.broadcast %eq3A_1191 : i32 to vector<16xi32>
      %eq3A_1193 = arith.cmpi eq, %iota3A, %eq3A_1192 : vector<16xi32>
      %jit3A_1194 = arith.constant -1.000000e+09 : f32
      %broadcast_in_dim3A_1195 = vector.broadcast %select_n3A_1187 : f32 to vector<16xf32>
      %broadcast_in_dim3A_1196 = vector.broadcast %jit3A_1194 : f32 to vector<16xf32>
      %select_n3A_1197 = arith.select %eq3A_1193, %broadcast_in_dim3A_1195, %broadcast_in_dim3A_1196 : vector<16xi1>, vector<16xf32>
      %broadcast_in_dim3A_1198 = vector.broadcast %select_n3A_1183 : f32 to vector<16xf32>
      %select_n3A_1199 = arith.select %eq3A_1190, %broadcast_in_dim3A_1198, %select_n3A_1197 : vector<16xi1>, vector<16xf32>
      %reduce_max3A_1200 = arith.constant true
      %reduce_max3A_1201 = vector.broadcast %reduce_max3A_1200 : i1 to vector<16xi1>
      %reduce_max3A_1202 = tpu.scan <max>, %select_n3A_1199 masked %reduce_max3A_1201 : vector<16xf32>, vector<16xi1> -> vector<16xf32>
      %reduce_max3A_1203 = vector.extract %reduce_max3A_1202[15] : f32 from vector<16xf32>
      %sub3A_1204 = vector.broadcast %reduce_max3A_1203 : f32 to vector<16xf32>
      %sub3A_1205 = arith.subf %select_n3A_1199, %sub3A_1204 : vector<16xf32>
      %exp3A_1206 = math.exp %sub3A_1205 : vector<16xf32>
      %reduce_sum3A_1207 = arith.constant true
      %reduce_sum3A_1208 = vector.broadcast %reduce_sum3A_1207 : i1 to vector<16xi1>
      %reduce_sum3A_1209 = tpu.scan <sum>, %exp3A_1206 masked %reduce_sum3A_1208 : vector<16xf32>, vector<16xi1> -> vector<16xf32>
      %reduce_sum3A_1210 = vector.extract %reduce_sum3A_1209[15] : f32 from vector<16xf32>
      %div3A_1211 = vector.broadcast %reduce_sum3A_1210 : f32 to vector<16xf32>
      %div3A_1212 = arith.divf %exp3A_1206, %div3A_1211 : vector<16xf32>
      %swap3A_1213 = arith.constant 7 : i32
      %swap3A_1214 = arith.index_cast %swap3A_1213 : i32 to index
      %swap3A_1215 = arith.constant 0 : index
      %swap3A_1216 = tpu.vector_load %arg7[%swap3A_1214, %swap3A_1215] {strides = array<i32>} : memref<16x16xf32, #tpu.memory_space<vmem>>, vector<16xf32>,
      tpu.vector_store %arg7[%swap3A_1214, %swap3A_1215], %div3A_1212 {strides = array<i32>} : memref<16x16xf32, #tpu.memory_space<vmem>>, vector<16xf32>,
      %eq3A_1217 = arith.constant 8 : i32
      %eq3A_1218 = vector.broadcast %eq3A_1217 : i32 to vector<16xi32>
      %eq3A_1219 = arith.cmpi eq, %iota3A, %eq3A_1218 : vector<16xi32>
      %jit3A_1220 = arith.constant -3.000000e+38 : f32
      %broadcast_in_dim3A_1221 = vector.broadcast %jit3A_1220 : f32 to vector<16xf32>
      %select_n3A_1222 = arith.select %eq3A_1219, %select_n3A_652, %broadcast_in_dim3A_1221 : vector<16xi1>, vector<16xf32>
      %reduce_max3A_1223 = arith.constant true
      %reduce_max3A_1224 = vector.broadcast %reduce_max3A_1223 : i1 to vector<16xi1>
      %reduce_max3A_1225 = tpu.scan <max>, %select_n3A_1222 masked %reduce_max3A_1224 : vector<16xf32>, vector<16xi1> -> vector<16xf32>
      %reduce_max3A_1226 = vector.extract %reduce_max3A_1225[15] : f32 from vector<16xf32>
      %jit3A_1227 = arith.constant -1.000000e+00 : f32
      %broadcast_in_dim3A_1228 = vector.broadcast %jit3A_1227 : f32 to vector<16xf32>
      %select_n3A_1229 = arith.select %eq3A_1219, %select_n3A_659, %broadcast_in_dim3A_1228 : vector<16xi1>, vector<16xf32>
      %reduce_max3A_1230 = arith.constant true
      %reduce_max3A_1231 = vector.broadcast %reduce_max3A_1230 : i1 to vector<16xi1>
      %reduce_max3A_1232 = tpu.scan <max>, %select_n3A_1229 masked %reduce_max3A_1231 : vector<16xf32>, vector<16xi1> -> vector<16xf32>
      %reduce_max3A_1233 = vector.extract %reduce_max3A_1232[15] : f32 from vector<16xf32>
      %jit3A_1234 = arith.constant -3.000000e+38 : f32
      %broadcast_in_dim3A_1235 = vector.broadcast %jit3A_1234 : f32 to vector<16xf32>
      %select_n3A_1236 = arith.select %eq3A_1219, %select_n3A_673, %broadcast_in_dim3A_1235 : vector<16xi1>, vector<16xf32>
      %reduce_max3A_1237 = arith.constant true
      %reduce_max3A_1238 = vector.broadcast %reduce_max3A_1237 : i1 to vector<16xi1>
      %reduce_max3A_1239 = tpu.scan <max>, %select_n3A_1236 masked %reduce_max3A_1238 : vector<16xf32>, vector<16xi1> -> vector<16xf32>
      %reduce_max3A_1240 = vector.extract %reduce_max3A_1239[15] : f32 from vector<16xf32>
      %jit3A_1241 = arith.constant -1.000000e+00 : f32
      %broadcast_in_dim3A_1242 = vector.broadcast %jit3A_1241 : f32 to vector<16xf32>
      %select_n3A_1243 = arith.select %eq3A_1219, %select_n3A_680, %broadcast_in_dim3A_1242 : vector<16xi1>, vector<16xf32>
      %reduce_max3A_1244 = arith.constant true
      %reduce_max3A_1245 = vector.broadcast %reduce_max3A_1244 : i1 to vector<16xi1>
      %reduce_max3A_1246 = tpu.scan <max>, %select_n3A_1243 masked %reduce_max3A_1245 : vector<16xf32>, vector<16xi1> -> vector<16xf32>
      %reduce_max3A_1247 = vector.extract %reduce_max3A_1246[15] : f32 from vector<16xf32>
      %ge3A_1248 = arith.constant 0.000000e+00 : f32
      %ge3A_1249 = arith.cmpf oge, %reduce_max3A_1233, %ge3A_1248 : f32
      %jit3A_1250 = arith.constant -1.000000e+09 : f32
      %select_n3A_1251 = arith.select %ge3A_1249, %reduce_max3A_1226, %jit3A_1250 : f32
      %ge3A_1252 = arith.constant 0.000000e+00 : f32
      %ge3A_1253 = arith.cmpf oge, %reduce_max3A_1247, %ge3A_1252 : f32
      %jit3A_1254 = arith.constant -1.000000e+09 : f32
      %select_n3A_1255 = arith.select %ge3A_1253, %reduce_max3A_1240, %jit3A_1254 : f32
      %eq3A_1256 = arith.constant 0 : i32
      %eq3A_1257 = vector.broadcast %eq3A_1256 : i32 to vector<16xi32>
      %eq3A_1258 = arith.cmpi eq, %iota3A, %eq3A_1257 : vector<16xi32>
      %eq3A_1259 = arith.constant 1 : i32
      %eq3A_1260 = vector.broadcast %eq3A_1259 : i32 to vector<16xi32>
      %eq3A_1261 = arith.cmpi eq, %iota3A, %eq3A_1260 : vector<16xi32>
      %jit3A_1262 = arith.constant -1.000000e+09 : f32
      %broadcast_in_dim3A_1263 = vector.broadcast %select_n3A_1255 : f32 to vector<16xf32>
      %broadcast_in_dim3A_1264 = vector.broadcast %jit3A_1262 : f32 to vector<16xf32>
      %select_n3A_1265 = arith.select %eq3A_1261, %broadcast_in_dim3A_1263, %broadcast_in_dim3A_1264 : vector<16xi1>, vector<16xf32>
      %broadcast_in_dim3A_1266 = vector.broadcast %select_n3A_1251 : f32 to vector<16xf32>
      %select_n3A_1267 = arith.select %eq3A_1258, %broadcast_in_dim3A_1266, %select_n3A_1265 : vector<16xi1>, vector<16xf32>
      %reduce_max3A_1268 = arith.constant true
      %reduce_max3A_1269 = vector.broadcast %reduce_max3A_1268 : i1 to vector<16xi1>
      %reduce_max3A_1270 = tpu.scan <max>, %select_n3A_1267 masked %reduce_max3A_1269 : vector<16xf32>, vector<16xi1> -> vector<16xf32>
      %reduce_max3A_1271 = vector.extract %reduce_max3A_1270[15] : f32 from vector<16xf32>
      %sub3A_1272 = vector.broadcast %reduce_max3A_1271 : f32 to vector<16xf32>
      %sub3A_1273 = arith.subf %select_n3A_1267, %sub3A_1272 : vector<16xf32>
      %exp3A_1274 = math.exp %sub3A_1273 : vector<16xf32>
      %reduce_sum3A_1275 = arith.constant true
      %reduce_sum3A_1276 = vector.broadcast %reduce_sum3A_1275 : i1 to vector<16xi1>
      %reduce_sum3A_1277 = tpu.scan <sum>, %exp3A_1274 masked %reduce_sum3A_1276 : vector<16xf32>, vector<16xi1> -> vector<16xf32>
      %reduce_sum3A_1278 = vector.extract %reduce_sum3A_1277[15] : f32 from vector<16xf32>
      %div3A_1279 = vector.broadcast %reduce_sum3A_1278 : f32 to vector<16xf32>
      %div3A_1280 = arith.divf %exp3A_1274, %div3A_1279 : vector<16xf32>
      %swap3A_1281 = arith.constant 8 : i32
      %swap3A_1282 = arith.index_cast %swap3A_1281 : i32 to index
      %swap3A_1283 = arith.constant 0 : index
      %swap3A_1284 = tpu.vector_load %arg7[%swap3A_1282, %swap3A_1283] {strides = array<i32>} : memref<16x16xf32, #tpu.memory_space<vmem>>, vector<16xf32>,
      tpu.vector_store %arg7[%swap3A_1282, %swap3A_1283], %div3A_1280 {strides = array<i32>} : memref<16x16xf32, #tpu.memory_space<vmem>>, vector<16xf32>,
      %eq3A_1285 = arith.constant 9 : i32
      %eq3A_1286 = vector.broadcast %eq3A_1285 : i32 to vector<16xi32>
      %eq3A_1287 = arith.cmpi eq, %iota3A, %eq3A_1286 : vector<16xi32>
      %jit3A_1288 = arith.constant -3.000000e+38 : f32
      %broadcast_in_dim3A_1289 = vector.broadcast %jit3A_1288 : f32 to vector<16xf32>
      %select_n3A_1290 = arith.select %eq3A_1287, %select_n3A_652, %broadcast_in_dim3A_1289 : vector<16xi1>, vector<16xf32>
      %reduce_max3A_1291 = arith.constant true
      %reduce_max3A_1292 = vector.broadcast %reduce_max3A_1291 : i1 to vector<16xi1>
      %reduce_max3A_1293 = tpu.scan <max>, %select_n3A_1290 masked %reduce_max3A_1292 : vector<16xf32>, vector<16xi1> -> vector<16xf32>
      %reduce_max3A_1294 = vector.extract %reduce_max3A_1293[15] : f32 from vector<16xf32>
      %jit3A_1295 = arith.constant -1.000000e+00 : f32
      %broadcast_in_dim3A_1296 = vector.broadcast %jit3A_1295 : f32 to vector<16xf32>
      %select_n3A_1297 = arith.select %eq3A_1287, %select_n3A_659, %broadcast_in_dim3A_1296 : vector<16xi1>, vector<16xf32>
      %reduce_max3A_1298 = arith.constant true
      %reduce_max3A_1299 = vector.broadcast %reduce_max3A_1298 : i1 to vector<16xi1>
      %reduce_max3A_1300 = tpu.scan <max>, %select_n3A_1297 masked %reduce_max3A_1299 : vector<16xf32>, vector<16xi1> -> vector<16xf32>
      %reduce_max3A_1301 = vector.extract %reduce_max3A_1300[15] : f32 from vector<16xf32>
      %jit3A_1302 = arith.constant -3.000000e+38 : f32
      %broadcast_in_dim3A_1303 = vector.broadcast %jit3A_1302 : f32 to vector<16xf32>
      %select_n3A_1304 = arith.select %eq3A_1287, %select_n3A_673, %broadcast_in_dim3A_1303 : vector<16xi1>, vector<16xf32>
      %reduce_max3A_1305 = arith.constant true
      %reduce_max3A_1306 = vector.broadcast %reduce_max3A_1305 : i1 to vector<16xi1>
      %reduce_max3A_1307 = tpu.scan <max>, %select_n3A_1304 masked %reduce_max3A_1306 : vector<16xf32>, vector<16xi1> -> vector<16xf32>
      %reduce_max3A_1308 = vector.extract %reduce_max3A_1307[15] : f32 from vector<16xf32>
      %jit3A_1309 = arith.constant -1.000000e+00 : f32
      %broadcast_in_dim3A_1310 = vector.broadcast %jit3A_1309 : f32 to vector<16xf32>
      %select_n3A_1311 = arith.select %eq3A_1287, %select_n3A_680, %broadcast_in_dim3A_1310 : vector<16xi1>, vector<16xf32>
      %reduce_max3A_1312 = arith.constant true
      %reduce_max3A_1313 = vector.broadcast %reduce_max3A_1312 : i1 to vector<16xi1>
      %reduce_max3A_1314 = tpu.scan <max>, %select_n3A_1311 masked %reduce_max3A_1313 : vector<16xf32>, vector<16xi1> -> vector<16xf32>
      %reduce_max3A_1315 = vector.extract %reduce_max3A_1314[15] : f32 from vector<16xf32>
      %ge3A_1316 = arith.constant 0.000000e+00 : f32
      %ge3A_1317 = arith.cmpf oge, %reduce_max3A_1301, %ge3A_1316 : f32
      %jit3A_1318 = arith.constant -1.000000e+09 : f32
      %select_n3A_1319 = arith.select %ge3A_1317, %reduce_max3A_1294, %jit3A_1318 : f32
      %ge3A_1320 = arith.constant 0.000000e+00 : f32
      %ge3A_1321 = arith.cmpf oge, %reduce_max3A_1315, %ge3A_1320 : f32
      %jit3A_1322 = arith.constant -1.000000e+09 : f32
      %select_n3A_1323 = arith.select %ge3A_1321, %reduce_max3A_1308, %jit3A_1322 : f32
      %eq3A_1324 = arith.constant 0 : i32
      %eq3A_1325 = vector.broadcast %eq3A_1324 : i32 to vector<16xi32>
      %eq3A_1326 = arith.cmpi eq, %iota3A, %eq3A_1325 : vector<16xi32>
      %eq3A_1327 = arith.constant 1 : i32
      %eq3A_1328 = vector.broadcast %eq3A_1327 : i32 to vector<16xi32>
      %eq3A_1329 = arith.cmpi eq, %iota3A, %eq3A_1328 : vector<16xi32>
      %jit3A_1330 = arith.constant -1.000000e+09 : f32
      %broadcast_in_dim3A_1331 = vector.broadcast %select_n3A_1323 : f32 to vector<16xf32>
      %broadcast_in_dim3A_1332 = vector.broadcast %jit3A_1330 : f32 to vector<16xf32>
      %select_n3A_1333 = arith.select %eq3A_1329, %broadcast_in_dim3A_1331, %broadcast_in_dim3A_1332 : vector<16xi1>, vector<16xf32>
      %broadcast_in_dim3A_1334 = vector.broadcast %select_n3A_1319 : f32 to vector<16xf32>
      %select_n3A_1335 = arith.select %eq3A_1326, %broadcast_in_dim3A_1334, %select_n3A_1333 : vector<16xi1>, vector<16xf32>
      %reduce_max3A_1336 = arith.constant true
      %reduce_max3A_1337 = vector.broadcast %reduce_max3A_1336 : i1 to vector<16xi1>
      %reduce_max3A_1338 = tpu.scan <max>, %select_n3A_1335 masked %reduce_max3A_1337 : vector<16xf32>, vector<16xi1> -> vector<16xf32>
      %reduce_max3A_1339 = vector.extract %reduce_max3A_1338[15] : f32 from vector<16xf32>
      %sub3A_1340 = vector.broadcast %reduce_max3A_1339 : f32 to vector<16xf32>
      %sub3A_1341 = arith.subf %select_n3A_1335, %sub3A_1340 : vector<16xf32>
      %exp3A_1342 = math.exp %sub3A_1341 : vector<16xf32>
      %reduce_sum3A_1343 = arith.constant true
      %reduce_sum3A_1344 = vector.broadcast %reduce_sum3A_1343 : i1 to vector<16xi1>
      %reduce_sum3A_1345 = tpu.scan <sum>, %exp3A_1342 masked %reduce_sum3A_1344 : vector<16xf32>, vector<16xi1> -> vector<16xf32>
      %reduce_sum3A_1346 = vector.extract %reduce_sum3A_1345[15] : f32 from vector<16xf32>
      %div3A_1347 = vector.broadcast %reduce_sum3A_1346 : f32 to vector<16xf32>
      %div3A_1348 = arith.divf %exp3A_1342, %div3A_1347 : vector<16xf32>
      %swap3A_1349 = arith.constant 9 : i32
      %swap3A_1350 = arith.index_cast %swap3A_1349 : i32 to index
      %swap3A_1351 = arith.constant 0 : index
      %swap3A_1352 = tpu.vector_load %arg7[%swap3A_1350, %swap3A_1351] {strides = array<i32>} : memref<16x16xf32, #tpu.memory_space<vmem>>, vector<16xf32>,
      tpu.vector_store %arg7[%swap3A_1350, %swap3A_1351], %div3A_1348 {strides = array<i32>} : memref<16x16xf32, #tpu.memory_space<vmem>>, vector<16xf32>,
      %eq3A_1353 = arith.constant 10 : i32
      %eq3A_1354 = vector.broadcast %eq3A_1353 : i32 to vector<16xi32>
      %eq3A_1355 = arith.cmpi eq, %iota3A, %eq3A_1354 : vector<16xi32>
      %jit3A_1356 = arith.constant -3.000000e+38 : f32
      %broadcast_in_dim3A_1357 = vector.broadcast %jit3A_1356 : f32 to vector<16xf32>
      %select_n3A_1358 = arith.select %eq3A_1355, %select_n3A_652, %broadcast_in_dim3A_1357 : vector<16xi1>, vector<16xf32>
      %reduce_max3A_1359 = arith.constant true
      %reduce_max3A_1360 = vector.broadcast %reduce_max3A_1359 : i1 to vector<16xi1>
      %reduce_max3A_1361 = tpu.scan <max>, %select_n3A_1358 masked %reduce_max3A_1360 : vector<16xf32>, vector<16xi1> -> vector<16xf32>
      %reduce_max3A_1362 = vector.extract %reduce_max3A_1361[15] : f32 from vector<16xf32>
      %jit3A_1363 = arith.constant -1.000000e+00 : f32
      %broadcast_in_dim3A_1364 = vector.broadcast %jit3A_1363 : f32 to vector<16xf32>
      %select_n3A_1365 = arith.select %eq3A_1355, %select_n3A_659, %broadcast_in_dim3A_1364 : vector<16xi1>, vector<16xf32>
      %reduce_max3A_1366 = arith.constant true
      %reduce_max3A_1367 = vector.broadcast %reduce_max3A_1366 : i1 to vector<16xi1>
      %reduce_max3A_1368 = tpu.scan <max>, %select_n3A_1365 masked %reduce_max3A_1367 : vector<16xf32>, vector<16xi1> -> vector<16xf32>
      %reduce_max3A_1369 = vector.extract %reduce_max3A_1368[15] : f32 from vector<16xf32>
      %jit3A_1370 = arith.constant -3.000000e+38 : f32
      %broadcast_in_dim3A_1371 = vector.broadcast %jit3A_1370 : f32 to vector<16xf32>
      %select_n3A_1372 = arith.select %eq3A_1355, %select_n3A_673, %broadcast_in_dim3A_1371 : vector<16xi1>, vector<16xf32>
      %reduce_max3A_1373 = arith.constant true
      %reduce_max3A_1374 = vector.broadcast %reduce_max3A_1373 : i1 to vector<16xi1>
      %reduce_max3A_1375 = tpu.scan <max>, %select_n3A_1372 masked %reduce_max3A_1374 : vector<16xf32>, vector<16xi1> -> vector<16xf32>
      %reduce_max3A_1376 = vector.extract %reduce_max3A_1375[15] : f32 from vector<16xf32>
      %jit3A_1377 = arith.constant -1.000000e+00 : f32
      %broadcast_in_dim3A_1378 = vector.broadcast %jit3A_1377 : f32 to vector<16xf32>
      %select_n3A_1379 = arith.select %eq3A_1355, %select_n3A_680, %broadcast_in_dim3A_1378 : vector<16xi1>, vector<16xf32>
      %reduce_max3A_1380 = arith.constant true
      %reduce_max3A_1381 = vector.broadcast %reduce_max3A_1380 : i1 to vector<16xi1>
      %reduce_max3A_1382 = tpu.scan <max>, %select_n3A_1379 masked %reduce_max3A_1381 : vector<16xf32>, vector<16xi1> -> vector<16xf32>
      %reduce_max3A_1383 = vector.extract %reduce_max3A_1382[15] : f32 from vector<16xf32>
      %ge3A_1384 = arith.constant 0.000000e+00 : f32
      %ge3A_1385 = arith.cmpf oge, %reduce_max3A_1369, %ge3A_1384 : f32
      %jit3A_1386 = arith.constant -1.000000e+09 : f32
      %select_n3A_1387 = arith.select %ge3A_1385, %reduce_max3A_1362, %jit3A_1386 : f32
      %ge3A_1388 = arith.constant 0.000000e+00 : f32
      %ge3A_1389 = arith.cmpf oge, %reduce_max3A_1383, %ge3A_1388 : f32
      %jit3A_1390 = arith.constant -1.000000e+09 : f32
      %select_n3A_1391 = arith.select %ge3A_1389, %reduce_max3A_1376, %jit3A_1390 : f32
      %eq3A_1392 = arith.constant 0 : i32
      %eq3A_1393 = vector.broadcast %eq3A_1392 : i32 to vector<16xi32>
      %eq3A_1394 = arith.cmpi eq, %iota3A, %eq3A_1393 : vector<16xi32>
      %eq3A_1395 = arith.constant 1 : i32
      %eq3A_1396 = vector.broadcast %eq3A_1395 : i32 to vector<16xi32>
      %eq3A_1397 = arith.cmpi eq, %iota3A, %eq3A_1396 : vector<16xi32>
      %jit3A_1398 = arith.constant -1.000000e+09 : f32
      %broadcast_in_dim3A_1399 = vector.broadcast %select_n3A_1391 : f32 to vector<16xf32>
      %broadcast_in_dim3A_1400 = vector.broadcast %jit3A_1398 : f32 to vector<16xf32>
      %select_n3A_1401 = arith.select %eq3A_1397, %broadcast_in_dim3A_1399, %broadcast_in_dim3A_1400 : vector<16xi1>, vector<16xf32>
      %broadcast_in_dim3A_1402 = vector.broadcast %select_n3A_1387 : f32 to vector<16xf32>
      %select_n3A_1403 = arith.select %eq3A_1394, %broadcast_in_dim3A_1402, %select_n3A_1401 : vector<16xi1>, vector<16xf32>
      %reduce_max3A_1404 = arith.constant true
      %reduce_max3A_1405 = vector.broadcast %reduce_max3A_1404 : i1 to vector<16xi1>
      %reduce_max3A_1406 = tpu.scan <max>, %select_n3A_1403 masked %reduce_max3A_1405 : vector<16xf32>, vector<16xi1> -> vector<16xf32>
      %reduce_max3A_1407 = vector.extract %reduce_max3A_1406[15] : f32 from vector<16xf32>
      %sub3A_1408 = vector.broadcast %reduce_max3A_1407 : f32 to vector<16xf32>
      %sub3A_1409 = arith.subf %select_n3A_1403, %sub3A_1408 : vector<16xf32>
      %exp3A_1410 = math.exp %sub3A_1409 : vector<16xf32>
      %reduce_sum3A_1411 = arith.constant true
      %reduce_sum3A_1412 = vector.broadcast %reduce_sum3A_1411 : i1 to vector<16xi1>
      %reduce_sum3A_1413 = tpu.scan <sum>, %exp3A_1410 masked %reduce_sum3A_1412 : vector<16xf32>, vector<16xi1> -> vector<16xf32>
      %reduce_sum3A_1414 = vector.extract %reduce_sum3A_1413[15] : f32 from vector<16xf32>
      %div3A_1415 = vector.broadcast %reduce_sum3A_1414 : f32 to vector<16xf32>
      %div3A_1416 = arith.divf %exp3A_1410, %div3A_1415 : vector<16xf32>
      %swap3A_1417 = arith.constant 10 : i32
      %swap3A_1418 = arith.index_cast %swap3A_1417 : i32 to index
      %swap3A_1419 = arith.constant 0 : index
      %swap3A_1420 = tpu.vector_load %arg7[%swap3A_1418, %swap3A_1419] {strides = array<i32>} : memref<16x16xf32, #tpu.memory_space<vmem>>, vector<16xf32>,
      tpu.vector_store %arg7[%swap3A_1418, %swap3A_1419], %div3A_1416 {strides = array<i32>} : memref<16x16xf32, #tpu.memory_space<vmem>>, vector<16xf32>,
      %eq3A_1421 = arith.constant 11 : i32
      %eq3A_1422 = vector.broadcast %eq3A_1421 : i32 to vector<16xi32>
      %eq3A_1423 = arith.cmpi eq, %iota3A, %eq3A_1422 : vector<16xi32>
      %jit3A_1424 = arith.constant -3.000000e+38 : f32
      %broadcast_in_dim3A_1425 = vector.broadcast %jit3A_1424 : f32 to vector<16xf32>
      %select_n3A_1426 = arith.select %eq3A_1423, %select_n3A_652, %broadcast_in_dim3A_1425 : vector<16xi1>, vector<16xf32>
      %reduce_max3A_1427 = arith.constant true
      %reduce_max3A_1428 = vector.broadcast %reduce_max3A_1427 : i1 to vector<16xi1>
      %reduce_max3A_1429 = tpu.scan <max>, %select_n3A_1426 masked %reduce_max3A_1428 : vector<16xf32>, vector<16xi1> -> vector<16xf32>
      %reduce_max3A_1430 = vector.extract %reduce_max3A_1429[15] : f32 from vector<16xf32>
      %jit3A_1431 = arith.constant -1.000000e+00 : f32
      %broadcast_in_dim3A_1432 = vector.broadcast %jit3A_1431 : f32 to vector<16xf32>
      %select_n3A_1433 = arith.select %eq3A_1423, %select_n3A_659, %broadcast_in_dim3A_1432 : vector<16xi1>, vector<16xf32>
      %reduce_max3A_1434 = arith.constant true
      %reduce_max3A_1435 = vector.broadcast %reduce_max3A_1434 : i1 to vector<16xi1>
      %reduce_max3A_1436 = tpu.scan <max>, %select_n3A_1433 masked %reduce_max3A_1435 : vector<16xf32>, vector<16xi1> -> vector<16xf32>
      %reduce_max3A_1437 = vector.extract %reduce_max3A_1436[15] : f32 from vector<16xf32>
      %jit3A_1438 = arith.constant -3.000000e+38 : f32
      %broadcast_in_dim3A_1439 = vector.broadcast %jit3A_1438 : f32 to vector<16xf32>
      %select_n3A_1440 = arith.select %eq3A_1423, %select_n3A_673, %broadcast_in_dim3A_1439 : vector<16xi1>, vector<16xf32>
      %reduce_max3A_1441 = arith.constant true
      %reduce_max3A_1442 = vector.broadcast %reduce_max3A_1441 : i1 to vector<16xi1>
      %reduce_max3A_1443 = tpu.scan <max>, %select_n3A_1440 masked %reduce_max3A_1442 : vector<16xf32>, vector<16xi1> -> vector<16xf32>
      %reduce_max3A_1444 = vector.extract %reduce_max3A_1443[15] : f32 from vector<16xf32>
      %jit3A_1445 = arith.constant -1.000000e+00 : f32
      %broadcast_in_dim3A_1446 = vector.broadcast %jit3A_1445 : f32 to vector<16xf32>
      %select_n3A_1447 = arith.select %eq3A_1423, %select_n3A_680, %broadcast_in_dim3A_1446 : vector<16xi1>, vector<16xf32>
      %reduce_max3A_1448 = arith.constant true
      %reduce_max3A_1449 = vector.broadcast %reduce_max3A_1448 : i1 to vector<16xi1>
      %reduce_max3A_1450 = tpu.scan <max>, %select_n3A_1447 masked %reduce_max3A_1449 : vector<16xf32>, vector<16xi1> -> vector<16xf32>
      %reduce_max3A_1451 = vector.extract %reduce_max3A_1450[15] : f32 from vector<16xf32>
      %ge3A_1452 = arith.constant 0.000000e+00 : f32
      %ge3A_1453 = arith.cmpf oge, %reduce_max3A_1437, %ge3A_1452 : f32
      %jit3A_1454 = arith.constant -1.000000e+09 : f32
      %select_n3A_1455 = arith.select %ge3A_1453, %reduce_max3A_1430, %jit3A_1454 : f32
      %ge3A_1456 = arith.constant 0.000000e+00 : f32
      %ge3A_1457 = arith.cmpf oge, %reduce_max3A_1451, %ge3A_1456 : f32
      %jit3A_1458 = arith.constant -1.000000e+09 : f32
      %select_n3A_1459 = arith.select %ge3A_1457, %reduce_max3A_1444, %jit3A_1458 : f32
      %eq3A_1460 = arith.constant 0 : i32
      %eq3A_1461 = vector.broadcast %eq3A_1460 : i32 to vector<16xi32>
      %eq3A_1462 = arith.cmpi eq, %iota3A, %eq3A_1461 : vector<16xi32>
      %eq3A_1463 = arith.constant 1 : i32
      %eq3A_1464 = vector.broadcast %eq3A_1463 : i32 to vector<16xi32>
      %eq3A_1465 = arith.cmpi eq, %iota3A, %eq3A_1464 : vector<16xi32>
      %jit3A_1466 = arith.constant -1.000000e+09 : f32
      %broadcast_in_dim3A_1467 = vector.broadcast %select_n3A_1459 : f32 to vector<16xf32>
      %broadcast_in_dim3A_1468 = vector.broadcast %jit3A_1466 : f32 to vector<16xf32>
      %select_n3A_1469 = arith.select %eq3A_1465, %broadcast_in_dim3A_1467, %broadcast_in_dim3A_1468 : vector<16xi1>, vector<16xf32>
      %broadcast_in_dim3A_1470 = vector.broadcast %select_n3A_1455 : f32 to vector<16xf32>
      %select_n3A_1471 = arith.select %eq3A_1462, %broadcast_in_dim3A_1470, %select_n3A_1469 : vector<16xi1>, vector<16xf32>
      %reduce_max3A_1472 = arith.constant true
      %reduce_max3A_1473 = vector.broadcast %reduce_max3A_1472 : i1 to vector<16xi1>
      %reduce_max3A_1474 = tpu.scan <max>, %select_n3A_1471 masked %reduce_max3A_1473 : vector<16xf32>, vector<16xi1> -> vector<16xf32>
      %reduce_max3A_1475 = vector.extract %reduce_max3A_1474[15] : f32 from vector<16xf32>
      %sub3A_1476 = vector.broadcast %reduce_max3A_1475 : f32 to vector<16xf32>
      %sub3A_1477 = arith.subf %select_n3A_1471, %sub3A_1476 : vector<16xf32>
      %exp3A_1478 = math.exp %sub3A_1477 : vector<16xf32>
      %reduce_sum3A_1479 = arith.constant true
      %reduce_sum3A_1480 = vector.broadcast %reduce_sum3A_1479 : i1 to vector<16xi1>
      %reduce_sum3A_1481 = tpu.scan <sum>, %exp3A_1478 masked %reduce_sum3A_1480 : vector<16xf32>, vector<16xi1> -> vector<16xf32>
      %reduce_sum3A_1482 = vector.extract %reduce_sum3A_1481[15] : f32 from vector<16xf32>
      %div3A_1483 = vector.broadcast %reduce_sum3A_1482 : f32 to vector<16xf32>
      %div3A_1484 = arith.divf %exp3A_1478, %div3A_1483 : vector<16xf32>
      %swap3A_1485 = arith.constant 11 : i32
      %swap3A_1486 = arith.index_cast %swap3A_1485 : i32 to index
      %swap3A_1487 = arith.constant 0 : index
      %swap3A_1488 = tpu.vector_load %arg7[%swap3A_1486, %swap3A_1487] {strides = array<i32>} : memref<16x16xf32, #tpu.memory_space<vmem>>, vector<16xf32>,
      tpu.vector_store %arg7[%swap3A_1486, %swap3A_1487], %div3A_1484 {strides = array<i32>} : memref<16x16xf32, #tpu.memory_space<vmem>>, vector<16xf32>,
      %eq3A_1489 = arith.constant 12 : i32
      %eq3A_1490 = vector.broadcast %eq3A_1489 : i32 to vector<16xi32>
      %eq3A_1491 = arith.cmpi eq, %iota3A, %eq3A_1490 : vector<16xi32>
      %jit3A_1492 = arith.constant -3.000000e+38 : f32
      %broadcast_in_dim3A_1493 = vector.broadcast %jit3A_1492 : f32 to vector<16xf32>
      %select_n3A_1494 = arith.select %eq3A_1491, %select_n3A_652, %broadcast_in_dim3A_1493 : vector<16xi1>, vector<16xf32>
      %reduce_max3A_1495 = arith.constant true
      %reduce_max3A_1496 = vector.broadcast %reduce_max3A_1495 : i1 to vector<16xi1>
      %reduce_max3A_1497 = tpu.scan <max>, %select_n3A_1494 masked %reduce_max3A_1496 : vector<16xf32>, vector<16xi1> -> vector<16xf32>
      %reduce_max3A_1498 = vector.extract %reduce_max3A_1497[15] : f32 from vector<16xf32>
      %jit3A_1499 = arith.constant -1.000000e+00 : f32
      %broadcast_in_dim3A_1500 = vector.broadcast %jit3A_1499 : f32 to vector<16xf32>
      %select_n3A_1501 = arith.select %eq3A_1491, %select_n3A_659, %broadcast_in_dim3A_1500 : vector<16xi1>, vector<16xf32>
      %reduce_max3A_1502 = arith.constant true
      %reduce_max3A_1503 = vector.broadcast %reduce_max3A_1502 : i1 to vector<16xi1>
      %reduce_max3A_1504 = tpu.scan <max>, %select_n3A_1501 masked %reduce_max3A_1503 : vector<16xf32>, vector<16xi1> -> vector<16xf32>
      %reduce_max3A_1505 = vector.extract %reduce_max3A_1504[15] : f32 from vector<16xf32>
      %jit3A_1506 = arith.constant -3.000000e+38 : f32
      %broadcast_in_dim3A_1507 = vector.broadcast %jit3A_1506 : f32 to vector<16xf32>
      %select_n3A_1508 = arith.select %eq3A_1491, %select_n3A_673, %broadcast_in_dim3A_1507 : vector<16xi1>, vector<16xf32>
      %reduce_max3A_1509 = arith.constant true
      %reduce_max3A_1510 = vector.broadcast %reduce_max3A_1509 : i1 to vector<16xi1>
      %reduce_max3A_1511 = tpu.scan <max>, %select_n3A_1508 masked %reduce_max3A_1510 : vector<16xf32>, vector<16xi1> -> vector<16xf32>
      %reduce_max3A_1512 = vector.extract %reduce_max3A_1511[15] : f32 from vector<16xf32>
      %jit3A_1513 = arith.constant -1.000000e+00 : f32
      %broadcast_in_dim3A_1514 = vector.broadcast %jit3A_1513 : f32 to vector<16xf32>
      %select_n3A_1515 = arith.select %eq3A_1491, %select_n3A_680, %broadcast_in_dim3A_1514 : vector<16xi1>, vector<16xf32>
      %reduce_max3A_1516 = arith.constant true
      %reduce_max3A_1517 = vector.broadcast %reduce_max3A_1516 : i1 to vector<16xi1>
      %reduce_max3A_1518 = tpu.scan <max>, %select_n3A_1515 masked %reduce_max3A_1517 : vector<16xf32>, vector<16xi1> -> vector<16xf32>
      %reduce_max3A_1519 = vector.extract %reduce_max3A_1518[15] : f32 from vector<16xf32>
      %ge3A_1520 = arith.constant 0.000000e+00 : f32
      %ge3A_1521 = arith.cmpf oge, %reduce_max3A_1505, %ge3A_1520 : f32
      %jit3A_1522 = arith.constant -1.000000e+09 : f32
      %select_n3A_1523 = arith.select %ge3A_1521, %reduce_max3A_1498, %jit3A_1522 : f32
      %ge3A_1524 = arith.constant 0.000000e+00 : f32
      %ge3A_1525 = arith.cmpf oge, %reduce_max3A_1519, %ge3A_1524 : f32
      %jit3A_1526 = arith.constant -1.000000e+09 : f32
      %select_n3A_1527 = arith.select %ge3A_1525, %reduce_max3A_1512, %jit3A_1526 : f32
      %eq3A_1528 = arith.constant 0 : i32
      %eq3A_1529 = vector.broadcast %eq3A_1528 : i32 to vector<16xi32>
      %eq3A_1530 = arith.cmpi eq, %iota3A, %eq3A_1529 : vector<16xi32>
      %eq3A_1531 = arith.constant 1 : i32
      %eq3A_1532 = vector.broadcast %eq3A_1531 : i32 to vector<16xi32>
      %eq3A_1533 = arith.cmpi eq, %iota3A, %eq3A_1532 : vector<16xi32>
      %jit3A_1534 = arith.constant -1.000000e+09 : f32
      %broadcast_in_dim3A_1535 = vector.broadcast %select_n3A_1527 : f32 to vector<16xf32>
      %broadcast_in_dim3A_1536 = vector.broadcast %jit3A_1534 : f32 to vector<16xf32>
      %select_n3A_1537 = arith.select %eq3A_1533, %broadcast_in_dim3A_1535, %broadcast_in_dim3A_1536 : vector<16xi1>, vector<16xf32>
      %broadcast_in_dim3A_1538 = vector.broadcast %select_n3A_1523 : f32 to vector<16xf32>
      %select_n3A_1539 = arith.select %eq3A_1530, %broadcast_in_dim3A_1538, %select_n3A_1537 : vector<16xi1>, vector<16xf32>
      %reduce_max3A_1540 = arith.constant true
      %reduce_max3A_1541 = vector.broadcast %reduce_max3A_1540 : i1 to vector<16xi1>
      %reduce_max3A_1542 = tpu.scan <max>, %select_n3A_1539 masked %reduce_max3A_1541 : vector<16xf32>, vector<16xi1> -> vector<16xf32>
      %reduce_max3A_1543 = vector.extract %reduce_max3A_1542[15] : f32 from vector<16xf32>
      %sub3A_1544 = vector.broadcast %reduce_max3A_1543 : f32 to vector<16xf32>
      %sub3A_1545 = arith.subf %select_n3A_1539, %sub3A_1544 : vector<16xf32>
      %exp3A_1546 = math.exp %sub3A_1545 : vector<16xf32>
      %reduce_sum3A_1547 = arith.constant true
      %reduce_sum3A_1548 = vector.broadcast %reduce_sum3A_1547 : i1 to vector<16xi1>
      %reduce_sum3A_1549 = tpu.scan <sum>, %exp3A_1546 masked %reduce_sum3A_1548 : vector<16xf32>, vector<16xi1> -> vector<16xf32>
      %reduce_sum3A_1550 = vector.extract %reduce_sum3A_1549[15] : f32 from vector<16xf32>
      %div3A_1551 = vector.broadcast %reduce_sum3A_1550 : f32 to vector<16xf32>
      %div3A_1552 = arith.divf %exp3A_1546, %div3A_1551 : vector<16xf32>
      %swap3A_1553 = arith.constant 12 : i32
      %swap3A_1554 = arith.index_cast %swap3A_1553 : i32 to index
      %swap3A_1555 = arith.constant 0 : index
      %swap3A_1556 = tpu.vector_load %arg7[%swap3A_1554, %swap3A_1555] {strides = array<i32>} : memref<16x16xf32, #tpu.memory_space<vmem>>, vector<16xf32>,
      tpu.vector_store %arg7[%swap3A_1554, %swap3A_1555], %div3A_1552 {strides = array<i32>} : memref<16x16xf32, #tpu.memory_space<vmem>>, vector<16xf32>,
      %eq3A_1557 = arith.constant 13 : i32
      %eq3A_1558 = vector.broadcast %eq3A_1557 : i32 to vector<16xi32>
      %eq3A_1559 = arith.cmpi eq, %iota3A, %eq3A_1558 : vector<16xi32>
      %jit3A_1560 = arith.constant -3.000000e+38 : f32
      %broadcast_in_dim3A_1561 = vector.broadcast %jit3A_1560 : f32 to vector<16xf32>
      %select_n3A_1562 = arith.select %eq3A_1559, %select_n3A_652, %broadcast_in_dim3A_1561 : vector<16xi1>, vector<16xf32>
      %reduce_max3A_1563 = arith.constant true
      %reduce_max3A_1564 = vector.broadcast %reduce_max3A_1563 : i1 to vector<16xi1>
      %reduce_max3A_1565 = tpu.scan <max>, %select_n3A_1562 masked %reduce_max3A_1564 : vector<16xf32>, vector<16xi1> -> vector<16xf32>
      %reduce_max3A_1566 = vector.extract %reduce_max3A_1565[15] : f32 from vector<16xf32>
      %jit3A_1567 = arith.constant -1.000000e+00 : f32
      %broadcast_in_dim3A_1568 = vector.broadcast %jit3A_1567 : f32 to vector<16xf32>
      %select_n3A_1569 = arith.select %eq3A_1559, %select_n3A_659, %broadcast_in_dim3A_1568 : vector<16xi1>, vector<16xf32>
      %reduce_max3A_1570 = arith.constant true
      %reduce_max3A_1571 = vector.broadcast %reduce_max3A_1570 : i1 to vector<16xi1>
      %reduce_max3A_1572 = tpu.scan <max>, %select_n3A_1569 masked %reduce_max3A_1571 : vector<16xf32>, vector<16xi1> -> vector<16xf32>
      %reduce_max3A_1573 = vector.extract %reduce_max3A_1572[15] : f32 from vector<16xf32>
      %jit3A_1574 = arith.constant -3.000000e+38 : f32
      %broadcast_in_dim3A_1575 = vector.broadcast %jit3A_1574 : f32 to vector<16xf32>
      %select_n3A_1576 = arith.select %eq3A_1559, %select_n3A_673, %broadcast_in_dim3A_1575 : vector<16xi1>, vector<16xf32>
      %reduce_max3A_1577 = arith.constant true
      %reduce_max3A_1578 = vector.broadcast %reduce_max3A_1577 : i1 to vector<16xi1>
      %reduce_max3A_1579 = tpu.scan <max>, %select_n3A_1576 masked %reduce_max3A_1578 : vector<16xf32>, vector<16xi1> -> vector<16xf32>
      %reduce_max3A_1580 = vector.extract %reduce_max3A_1579[15] : f32 from vector<16xf32>
      %jit3A_1581 = arith.constant -1.000000e+00 : f32
      %broadcast_in_dim3A_1582 = vector.broadcast %jit3A_1581 : f32 to vector<16xf32>
      %select_n3A_1583 = arith.select %eq3A_1559, %select_n3A_680, %broadcast_in_dim3A_1582 : vector<16xi1>, vector<16xf32>
      %reduce_max3A_1584 = arith.constant true
      %reduce_max3A_1585 = vector.broadcast %reduce_max3A_1584 : i1 to vector<16xi1>
      %reduce_max3A_1586 = tpu.scan <max>, %select_n3A_1583 masked %reduce_max3A_1585 : vector<16xf32>, vector<16xi1> -> vector<16xf32>
      %reduce_max3A_1587 = vector.extract %reduce_max3A_1586[15] : f32 from vector<16xf32>
      %ge3A_1588 = arith.constant 0.000000e+00 : f32
      %ge3A_1589 = arith.cmpf oge, %reduce_max3A_1573, %ge3A_1588 : f32
      %jit3A_1590 = arith.constant -1.000000e+09 : f32
      %select_n3A_1591 = arith.select %ge3A_1589, %reduce_max3A_1566, %jit3A_1590 : f32
      %ge3A_1592 = arith.constant 0.000000e+00 : f32
      %ge3A_1593 = arith.cmpf oge, %reduce_max3A_1587, %ge3A_1592 : f32
      %jit3A_1594 = arith.constant -1.000000e+09 : f32
      %select_n3A_1595 = arith.select %ge3A_1593, %reduce_max3A_1580, %jit3A_1594 : f32
      %eq3A_1596 = arith.constant 0 : i32
      %eq3A_1597 = vector.broadcast %eq3A_1596 : i32 to vector<16xi32>
      %eq3A_1598 = arith.cmpi eq, %iota3A, %eq3A_1597 : vector<16xi32>
      %eq3A_1599 = arith.constant 1 : i32
      %eq3A_1600 = vector.broadcast %eq3A_1599 : i32 to vector<16xi32>
      %eq3A_1601 = arith.cmpi eq, %iota3A, %eq3A_1600 : vector<16xi32>
      %jit3A_1602 = arith.constant -1.000000e+09 : f32
      %broadcast_in_dim3A_1603 = vector.broadcast %select_n3A_1595 : f32 to vector<16xf32>
      %broadcast_in_dim3A_1604 = vector.broadcast %jit3A_1602 : f32 to vector<16xf32>
      %select_n3A_1605 = arith.select %eq3A_1601, %broadcast_in_dim3A_1603, %broadcast_in_dim3A_1604 : vector<16xi1>, vector<16xf32>
      %broadcast_in_dim3A_1606 = vector.broadcast %select_n3A_1591 : f32 to vector<16xf32>
      %select_n3A_1607 = arith.select %eq3A_1598, %broadcast_in_dim3A_1606, %select_n3A_1605 : vector<16xi1>, vector<16xf32>
      %reduce_max3A_1608 = arith.constant true
      %reduce_max3A_1609 = vector.broadcast %reduce_max3A_1608 : i1 to vector<16xi1>
      %reduce_max3A_1610 = tpu.scan <max>, %select_n3A_1607 masked %reduce_max3A_1609 : vector<16xf32>, vector<16xi1> -> vector<16xf32>
      %reduce_max3A_1611 = vector.extract %reduce_max3A_1610[15] : f32 from vector<16xf32>
      %sub3A_1612 = vector.broadcast %reduce_max3A_1611 : f32 to vector<16xf32>
      %sub3A_1613 = arith.subf %select_n3A_1607, %sub3A_1612 : vector<16xf32>
      %exp3A_1614 = math.exp %sub3A_1613 : vector<16xf32>
      %reduce_sum3A_1615 = arith.constant true
      %reduce_sum3A_1616 = vector.broadcast %reduce_sum3A_1615 : i1 to vector<16xi1>
      %reduce_sum3A_1617 = tpu.scan <sum>, %exp3A_1614 masked %reduce_sum3A_1616 : vector<16xf32>, vector<16xi1> -> vector<16xf32>
      %reduce_sum3A_1618 = vector.extract %reduce_sum3A_1617[15] : f32 from vector<16xf32>
      %div3A_1619 = vector.broadcast %reduce_sum3A_1618 : f32 to vector<16xf32>
      %div3A_1620 = arith.divf %exp3A_1614, %div3A_1619 : vector<16xf32>
      %swap3A_1621 = arith.constant 13 : i32
      %swap3A_1622 = arith.index_cast %swap3A_1621 : i32 to index
      %swap3A_1623 = arith.constant 0 : index
      %swap3A_1624 = tpu.vector_load %arg7[%swap3A_1622, %swap3A_1623] {strides = array<i32>} : memref<16x16xf32, #tpu.memory_space<vmem>>, vector<16xf32>,
      tpu.vector_store %arg7[%swap3A_1622, %swap3A_1623], %div3A_1620 {strides = array<i32>} : memref<16x16xf32, #tpu.memory_space<vmem>>, vector<16xf32>,
      %eq3A_1625 = arith.constant 14 : i32
      %eq3A_1626 = vector.broadcast %eq3A_1625 : i32 to vector<16xi32>
      %eq3A_1627 = arith.cmpi eq, %iota3A, %eq3A_1626 : vector<16xi32>
      %jit3A_1628 = arith.constant -3.000000e+38 : f32
      %broadcast_in_dim3A_1629 = vector.broadcast %jit3A_1628 : f32 to vector<16xf32>
      %select_n3A_1630 = arith.select %eq3A_1627, %select_n3A_652, %broadcast_in_dim3A_1629 : vector<16xi1>, vector<16xf32>
      %reduce_max3A_1631 = arith.constant true
      %reduce_max3A_1632 = vector.broadcast %reduce_max3A_1631 : i1 to vector<16xi1>
      %reduce_max3A_1633 = tpu.scan <max>, %select_n3A_1630 masked %reduce_max3A_1632 : vector<16xf32>, vector<16xi1> -> vector<16xf32>
      %reduce_max3A_1634 = vector.extract %reduce_max3A_1633[15] : f32 from vector<16xf32>
      %jit3A_1635 = arith.constant -1.000000e+00 : f32
      %broadcast_in_dim3A_1636 = vector.broadcast %jit3A_1635 : f32 to vector<16xf32>
      %select_n3A_1637 = arith.select %eq3A_1627, %select_n3A_659, %broadcast_in_dim3A_1636 : vector<16xi1>, vector<16xf32>
      %reduce_max3A_1638 = arith.constant true
      %reduce_max3A_1639 = vector.broadcast %reduce_max3A_1638 : i1 to vector<16xi1>
      %reduce_max3A_1640 = tpu.scan <max>, %select_n3A_1637 masked %reduce_max3A_1639 : vector<16xf32>, vector<16xi1> -> vector<16xf32>
      %reduce_max3A_1641 = vector.extract %reduce_max3A_1640[15] : f32 from vector<16xf32>
      %jit3A_1642 = arith.constant -3.000000e+38 : f32
      %broadcast_in_dim3A_1643 = vector.broadcast %jit3A_1642 : f32 to vector<16xf32>
      %select_n3A_1644 = arith.select %eq3A_1627, %select_n3A_673, %broadcast_in_dim3A_1643 : vector<16xi1>, vector<16xf32>
      %reduce_max3A_1645 = arith.constant true
      %reduce_max3A_1646 = vector.broadcast %reduce_max3A_1645 : i1 to vector<16xi1>
      %reduce_max3A_1647 = tpu.scan <max>, %select_n3A_1644 masked %reduce_max3A_1646 : vector<16xf32>, vector<16xi1> -> vector<16xf32>
      %reduce_max3A_1648 = vector.extract %reduce_max3A_1647[15] : f32 from vector<16xf32>
      %jit3A_1649 = arith.constant -1.000000e+00 : f32
      %broadcast_in_dim3A_1650 = vector.broadcast %jit3A_1649 : f32 to vector<16xf32>
      %select_n3A_1651 = arith.select %eq3A_1627, %select_n3A_680, %broadcast_in_dim3A_1650 : vector<16xi1>, vector<16xf32>
      %reduce_max3A_1652 = arith.constant true
      %reduce_max3A_1653 = vector.broadcast %reduce_max3A_1652 : i1 to vector<16xi1>
      %reduce_max3A_1654 = tpu.scan <max>, %select_n3A_1651 masked %reduce_max3A_1653 : vector<16xf32>, vector<16xi1> -> vector<16xf32>
      %reduce_max3A_1655 = vector.extract %reduce_max3A_1654[15] : f32 from vector<16xf32>
      %ge3A_1656 = arith.constant 0.000000e+00 : f32
      %ge3A_1657 = arith.cmpf oge, %reduce_max3A_1641, %ge3A_1656 : f32
      %jit3A_1658 = arith.constant -1.000000e+09 : f32
      %select_n3A_1659 = arith.select %ge3A_1657, %reduce_max3A_1634, %jit3A_1658 : f32
      %ge3A_1660 = arith.constant 0.000000e+00 : f32
      %ge3A_1661 = arith.cmpf oge, %reduce_max3A_1655, %ge3A_1660 : f32
      %jit3A_1662 = arith.constant -1.000000e+09 : f32
      %select_n3A_1663 = arith.select %ge3A_1661, %reduce_max3A_1648, %jit3A_1662 : f32
      %eq3A_1664 = arith.constant 0 : i32
      %eq3A_1665 = vector.broadcast %eq3A_1664 : i32 to vector<16xi32>
      %eq3A_1666 = arith.cmpi eq, %iota3A, %eq3A_1665 : vector<16xi32>
      %eq3A_1667 = arith.constant 1 : i32
      %eq3A_1668 = vector.broadcast %eq3A_1667 : i32 to vector<16xi32>
      %eq3A_1669 = arith.cmpi eq, %iota3A, %eq3A_1668 : vector<16xi32>
      %jit3A_1670 = arith.constant -1.000000e+09 : f32
      %broadcast_in_dim3A_1671 = vector.broadcast %select_n3A_1663 : f32 to vector<16xf32>
      %broadcast_in_dim3A_1672 = vector.broadcast %jit3A_1670 : f32 to vector<16xf32>
      %select_n3A_1673 = arith.select %eq3A_1669, %broadcast_in_dim3A_1671, %broadcast_in_dim3A_1672 : vector<16xi1>, vector<16xf32>
      %broadcast_in_dim3A_1674 = vector.broadcast %select_n3A_1659 : f32 to vector<16xf32>
      %select_n3A_1675 = arith.select %eq3A_1666, %broadcast_in_dim3A_1674, %select_n3A_1673 : vector<16xi1>, vector<16xf32>
      %reduce_max3A_1676 = arith.constant true
      %reduce_max3A_1677 = vector.broadcast %reduce_max3A_1676 : i1 to vector<16xi1>
      %reduce_max3A_1678 = tpu.scan <max>, %select_n3A_1675 masked %reduce_max3A_1677 : vector<16xf32>, vector<16xi1> -> vector<16xf32>
      %reduce_max3A_1679 = vector.extract %reduce_max3A_1678[15] : f32 from vector<16xf32>
      %sub3A_1680 = vector.broadcast %reduce_max3A_1679 : f32 to vector<16xf32>
      %sub3A_1681 = arith.subf %select_n3A_1675, %sub3A_1680 : vector<16xf32>
      %exp3A_1682 = math.exp %sub3A_1681 : vector<16xf32>
      %reduce_sum3A_1683 = arith.constant true
      %reduce_sum3A_1684 = vector.broadcast %reduce_sum3A_1683 : i1 to vector<16xi1>
      %reduce_sum3A_1685 = tpu.scan <sum>, %exp3A_1682 masked %reduce_sum3A_1684 : vector<16xf32>, vector<16xi1> -> vector<16xf32>
      %reduce_sum3A_1686 = vector.extract %reduce_sum3A_1685[15] : f32 from vector<16xf32>
      %div3A_1687 = vector.broadcast %reduce_sum3A_1686 : f32 to vector<16xf32>
      %div3A_1688 = arith.divf %exp3A_1682, %div3A_1687 : vector<16xf32>
      %swap3A_1689 = arith.constant 14 : i32
      %swap3A_1690 = arith.index_cast %swap3A_1689 : i32 to index
      %swap3A_1691 = arith.constant 0 : index
      %swap3A_1692 = tpu.vector_load %arg7[%swap3A_1690, %swap3A_1691] {strides = array<i32>} : memref<16x16xf32, #tpu.memory_space<vmem>>, vector<16xf32>,
      tpu.vector_store %arg7[%swap3A_1690, %swap3A_1691], %div3A_1688 {strides = array<i32>} : memref<16x16xf32, #tpu.memory_space<vmem>>, vector<16xf32>,
      %eq3A_1693 = arith.constant 15 : i32
      %eq3A_1694 = vector.broadcast %eq3A_1693 : i32 to vector<16xi32>
      %eq3A_1695 = arith.cmpi eq, %iota3A, %eq3A_1694 : vector<16xi32>
      %jit3A_1696 = arith.constant -3.000000e+38 : f32
      %broadcast_in_dim3A_1697 = vector.broadcast %jit3A_1696 : f32 to vector<16xf32>
      %select_n3A_1698 = arith.select %eq3A_1695, %select_n3A_652, %broadcast_in_dim3A_1697 : vector<16xi1>, vector<16xf32>
      %reduce_max3A_1699 = arith.constant true
      %reduce_max3A_1700 = vector.broadcast %reduce_max3A_1699 : i1 to vector<16xi1>
      %reduce_max3A_1701 = tpu.scan <max>, %select_n3A_1698 masked %reduce_max3A_1700 : vector<16xf32>, vector<16xi1> -> vector<16xf32>
      %reduce_max3A_1702 = vector.extract %reduce_max3A_1701[15] : f32 from vector<16xf32>
      %jit3A_1703 = arith.constant -1.000000e+00 : f32
      %broadcast_in_dim3A_1704 = vector.broadcast %jit3A_1703 : f32 to vector<16xf32>
      %select_n3A_1705 = arith.select %eq3A_1695, %select_n3A_659, %broadcast_in_dim3A_1704 : vector<16xi1>, vector<16xf32>
      %reduce_max3A_1706 = arith.constant true
      %reduce_max3A_1707 = vector.broadcast %reduce_max3A_1706 : i1 to vector<16xi1>
      %reduce_max3A_1708 = tpu.scan <max>, %select_n3A_1705 masked %reduce_max3A_1707 : vector<16xf32>, vector<16xi1> -> vector<16xf32>
      %reduce_max3A_1709 = vector.extract %reduce_max3A_1708[15] : f32 from vector<16xf32>
      %jit3A_1710 = arith.constant -3.000000e+38 : f32
      %broadcast_in_dim3A_1711 = vector.broadcast %jit3A_1710 : f32 to vector<16xf32>
      %select_n3A_1712 = arith.select %eq3A_1695, %select_n3A_673, %broadcast_in_dim3A_1711 : vector<16xi1>, vector<16xf32>
      %reduce_max3A_1713 = arith.constant true
      %reduce_max3A_1714 = vector.broadcast %reduce_max3A_1713 : i1 to vector<16xi1>
      %reduce_max3A_1715 = tpu.scan <max>, %select_n3A_1712 masked %reduce_max3A_1714 : vector<16xf32>, vector<16xi1> -> vector<16xf32>
      %reduce_max3A_1716 = vector.extract %reduce_max3A_1715[15] : f32 from vector<16xf32>
      %jit3A_1717 = arith.constant -1.000000e+00 : f32
      %broadcast_in_dim3A_1718 = vector.broadcast %jit3A_1717 : f32 to vector<16xf32>
      %select_n3A_1719 = arith.select %eq3A_1695, %select_n3A_680, %broadcast_in_dim3A_1718 : vector<16xi1>, vector<16xf32>
      %reduce_max3A_1720 = arith.constant true
      %reduce_max3A_1721 = vector.broadcast %reduce_max3A_1720 : i1 to vector<16xi1>
      %reduce_max3A_1722 = tpu.scan <max>, %select_n3A_1719 masked %reduce_max3A_1721 : vector<16xf32>, vector<16xi1> -> vector<16xf32>
      %reduce_max3A_1723 = vector.extract %reduce_max3A_1722[15] : f32 from vector<16xf32>
      %ge3A_1724 = arith.constant 0.000000e+00 : f32
      %ge3A_1725 = arith.cmpf oge, %reduce_max3A_1709, %ge3A_1724 : f32
      %jit3A_1726 = arith.constant -1.000000e+09 : f32
      %select_n3A_1727 = arith.select %ge3A_1725, %reduce_max3A_1702, %jit3A_1726 : f32
      %ge3A_1728 = arith.constant 0.000000e+00 : f32
      %ge3A_1729 = arith.cmpf oge, %reduce_max3A_1723, %ge3A_1728 : f32
      %jit3A_1730 = arith.constant -1.000000e+09 : f32
      %select_n3A_1731 = arith.select %ge3A_1729, %reduce_max3A_1716, %jit3A_1730 : f32
      %eq3A_1732 = arith.constant 0 : i32
      %eq3A_1733 = vector.broadcast %eq3A_1732 : i32 to vector<16xi32>
      %eq3A_1734 = arith.cmpi eq, %iota3A, %eq3A_1733 : vector<16xi32>
      %eq3A_1735 = arith.constant 1 : i32
      %eq3A_1736 = vector.broadcast %eq3A_1735 : i32 to vector<16xi32>
      %eq3A_1737 = arith.cmpi eq, %iota3A, %eq3A_1736 : vector<16xi32>
      %jit3A_1738 = arith.constant -1.000000e+09 : f32
      %broadcast_in_dim3A_1739 = vector.broadcast %select_n3A_1731 : f32 to vector<16xf32>
      %broadcast_in_dim3A_1740 = vector.broadcast %jit3A_1738 : f32 to vector<16xf32>
      %select_n3A_1741 = arith.select %eq3A_1737, %broadcast_in_dim3A_1739, %broadcast_in_dim3A_1740 : vector<16xi1>, vector<16xf32>
      %broadcast_in_dim3A_1742 = vector.broadcast %select_n3A_1727 : f32 to vector<16xf32>
      %select_n3A_1743 = arith.select %eq3A_1734, %broadcast_in_dim3A_1742, %select_n3A_1741 : vector<16xi1>, vector<16xf32>
      %reduce_max3A_1744 = arith.constant true
      %reduce_max3A_1745 = vector.broadcast %reduce_max3A_1744 : i1 to vector<16xi1>
      %reduce_max3A_1746 = tpu.scan <max>, %select_n3A_1743 masked %reduce_max3A_1745 : vector<16xf32>, vector<16xi1> -> vector<16xf32>
      %reduce_max3A_1747 = vector.extract %reduce_max3A_1746[15] : f32 from vector<16xf32>
      %sub3A_1748 = vector.broadcast %reduce_max3A_1747 : f32 to vector<16xf32>
      %sub3A_1749 = arith.subf %select_n3A_1743, %sub3A_1748 : vector<16xf32>
      %exp3A_1750 = math.exp %sub3A_1749 : vector<16xf32>
      %reduce_sum3A_1751 = arith.constant true
      %reduce_sum3A_1752 = vector.broadcast %reduce_sum3A_1751 : i1 to vector<16xi1>
      %reduce_sum3A_1753 = tpu.scan <sum>, %exp3A_1750 masked %reduce_sum3A_1752 : vector<16xf32>, vector<16xi1> -> vector<16xf32>
      %reduce_sum3A_1754 = vector.extract %reduce_sum3A_1753[15] : f32 from vector<16xf32>
      %div3A_1755 = vector.broadcast %reduce_sum3A_1754 : f32 to vector<16xf32>
      %div3A_1756 = arith.divf %exp3A_1750, %div3A_1755 : vector<16xf32>
      %swap3A_1757 = arith.constant 15 : i32
      %swap3A_1758 = arith.index_cast %swap3A_1757 : i32 to index
      %swap3A_1759 = arith.constant 0 : index
      %swap3A_1760 = tpu.vector_load %arg7[%swap3A_1758, %swap3A_1759] {strides = array<i32>} : memref<16x16xf32, #tpu.memory_space<vmem>>, vector<16xf32>,
      tpu.vector_store %arg7[%swap3A_1758, %swap3A_1759], %div3A_1756 {strides = array<i32>} : memref<16x16xf32, #tpu.memory_space<vmem>>, vector<16xf32>,
      "tpu.region"() ({
        %run_scoped3A = tpu.sem_alloc : memref<!tpu.dma_semaphore, #tpu.memory_space<semaphore_mem>>
        tpu.enqueue_dma source(%arg7 : memref<16x16xf32, #tpu.memory_space<vmem>>) target(%arg3 : memref<16x16xf32, #tpu.memory_space<hbm>>) target_semaphore(%run_scoped3A : memref<!tpu.dma_semaphore, #tpu.memory_space<semaphore_mem>>)
        tpu.wait_dma2 semaphore(%run_scoped3A : memref<!tpu.dma_semaphore, #tpu.memory_space<semaphore_mem>>) src(%arg7 : memref<16x16xf32, #tpu.memory_space<vmem>>) dst(%arg3 : memref<16x16xf32, #tpu.memory_space<hbm>>)
        tpu.yield
      }) : () -> ()
    } else {
    }
    return
  }
}

module attributes {stable_mosaic.version = 14 : i64} {
  func.func @_mlp_kernel(%arg0: i32, %arg1: memref<512x1024xf32, #tpu.memory_space<vmem>>, %arg2: memref<512x1024xf32, #tpu.memory_space<vmem>>, %arg3: memref<512x1024xf32, #tpu.memory_space<vmem>>, %arg4: memref<3072x1024xbf16, #tpu.memory_space<vmem>>, %arg5: memref<3072x1024xbf16, #tpu.memory_space<vmem>>, %arg6: memref<1x1024xf32, #tpu.memory_space<vmem>>, %arg7: memref<1024x16xbf16, #tpu.memory_space<vmem>>, %arg8: memref<1024x16xbf16, #tpu.memory_space<vmem>>, %arg9: memref<1x16xf32, #tpu.memory_space<vmem>>, %arg10: memref<3072x512xbf16, #tpu.memory_space<vmem>>, %arg11: memref<1x512xf32, #tpu.memory_space<vmem>>, %arg12: memref<512x1xbf16, #tpu.memory_space<vmem>>, %arg13: memref<1x1xf32, #tpu.memory_space<vmem>>, %arg14: memref<512x16xf32, #tpu.memory_space<vmem>>, %arg15: memref<512x1xf32, #tpu.memory_space<vmem>>, %arg16: memref<512x16xf32, #tpu.memory_space<vmem>>) attributes {dimension_semantics = [#tpu.dimension_semantics<arbitrary>], iteration_bounds = array<i64: 16>, scalar_prefetch = 0 : i64, scratch_operands = 0 : i64, tpu.core_type = #tpu.core_type<tc>, window_params = [{transform_indices = @transform_0, window_bounds = array<i64: 512, 1024>}, {transform_indices = @transform_1, window_bounds = array<i64: 512, 1024>}, {transform_indices = @transform_2, window_bounds = array<i64: 512, 1024>}, {pipeline_mode = #tpu.pipeline_mode<synchronous>, transform_indices = @transform_3, window_bounds = array<i64: 3072, 1024>}, {pipeline_mode = #tpu.pipeline_mode<synchronous>, transform_indices = @transform_4, window_bounds = array<i64: 3072, 1024>}, {pipeline_mode = #tpu.pipeline_mode<synchronous>, transform_indices = @transform_5, window_bounds = array<i64: 1, 1024>}, {pipeline_mode = #tpu.pipeline_mode<synchronous>, transform_indices = @transform_6, window_bounds = array<i64: 1024, 16>}, {pipeline_mode = #tpu.pipeline_mode<synchronous>, transform_indices = @transform_7, window_bounds = array<i64: 1024, 16>}, {pipeline_mode = #tpu.pipeline_mode<synchronous>, transform_indices = @transform_8, window_bounds = array<i64: 1, 16>}, {pipeline_mode = #tpu.pipeline_mode<synchronous>, transform_indices = @transform_9, window_bounds = array<i64: 3072, 512>}, {pipeline_mode = #tpu.pipeline_mode<synchronous>, transform_indices = @transform_10, window_bounds = array<i64: 1, 512>}, {pipeline_mode = #tpu.pipeline_mode<synchronous>, transform_indices = @transform_11, window_bounds = array<i64: 512, 1>}, {pipeline_mode = #tpu.pipeline_mode<synchronous>, transform_indices = @transform_12, window_bounds = array<i64: 1, 1>}, {transform_indices = @transform_13, window_bounds = array<i64: 512, 16>}, {transform_indices = @transform_14, window_bounds = array<i64: 512, 1>}, {transform_indices = @transform_15, window_bounds = array<i64: 512, 16>}]} {
    %broadcast_in_dim3A = arith.constant 6.250000e-02 : f32
    %broadcast_in_dim3A_0 = vector.broadcast %broadcast_in_dim3A : f32 to vector<512x16xf32>
    %swap3A = arith.constant 0 : index
    %swap3A_1 = arith.constant 0 : index
    %swap3A_2 = vector.load %arg16[%swap3A, %swap3A_1] : memref<512x16xf32, #tpu.memory_space<vmem>>, vector<512x16xf32>
    tpu.vector_store %arg16[%swap3A, %swap3A_1], %broadcast_in_dim3A_0 {strides = array<i32>} : memref<512x16xf32, #tpu.memory_space<vmem>>, vector<512x16xf32>,
    %get3A = arith.constant 0 : index
    %get3A_3 = arith.constant 0 : index
    %get3A_4 = vector.load %arg1[%get3A, %get3A_3] : memref<512x1024xf32, #tpu.memory_space<vmem>>, vector<512x1024xf32>
    %convert_element_type3A = arith.truncf %get3A_4 : vector<512x1024xf32> to vector<512x1024xbf16>
    %convert_element_type3A_5 = arith.extf %convert_element_type3A : vector<512x1024xbf16> to vector<512x1024xf32>
    %sub3A = arith.subf %get3A_4, %convert_element_type3A_5 : vector<512x1024xf32>
    %convert_element_type3A_6 = arith.truncf %sub3A : vector<512x1024xf32> to vector<512x1024xbf16>
    %get3A_7 = arith.constant 0 : index
    %get3A_8 = arith.constant 0 : index
    %get3A_9 = vector.load %arg2[%get3A_7, %get3A_8] : memref<512x1024xf32, #tpu.memory_space<vmem>>, vector<512x1024xf32>
    %convert_element_type3A_10 = arith.truncf %get3A_9 : vector<512x1024xf32> to vector<512x1024xbf16>
    %convert_element_type3A_11 = arith.extf %convert_element_type3A_10 : vector<512x1024xbf16> to vector<512x1024xf32>
    %sub3A_12 = arith.subf %get3A_9, %convert_element_type3A_11 : vector<512x1024xf32>
    %convert_element_type3A_13 = arith.truncf %sub3A_12 : vector<512x1024xf32> to vector<512x1024xbf16>
    %get3A_14 = arith.constant 0 : index
    %get3A_15 = arith.constant 0 : index
    %get3A_16 = vector.load %arg3[%get3A_14, %get3A_15] : memref<512x1024xf32, #tpu.memory_space<vmem>>, vector<512x1024xf32>
    %convert_element_type3A_17 = arith.truncf %get3A_16 : vector<512x1024xf32> to vector<512x1024xbf16>
    %convert_element_type3A_18 = arith.extf %convert_element_type3A_17 : vector<512x1024xbf16> to vector<512x1024xf32>
    %sub3A_19 = arith.subf %get3A_16, %convert_element_type3A_18 : vector<512x1024xf32>
    %convert_element_type3A_20 = arith.truncf %sub3A_19 : vector<512x1024xf32> to vector<512x1024xbf16>
    %concatenate3A = tpu.concatenate %convert_element_type3A, %convert_element_type3A_10, %convert_element_type3A_17 in 1 : vector<512x1024xbf16>, vector<512x1024xbf16>, vector<512x1024xbf16> -> vector<512x3072xbf16>
    %concatenate3A_21 = tpu.concatenate %convert_element_type3A_6, %convert_element_type3A_13, %convert_element_type3A_20 in 1 : vector<512x1024xbf16>, vector<512x1024xbf16>, vector<512x1024xbf16> -> vector<512x3072xbf16>
    %get3A_22 = arith.constant 0 : index
    %get3A_23 = arith.constant 0 : index
    %get3A_24 = vector.load %arg4[%get3A_22, %get3A_23] : memref<3072x1024xbf16, #tpu.memory_space<vmem>>, vector<3072x1024xbf16>
    %get3A_25 = arith.constant 0 : index
    %get3A_26 = arith.constant 0 : index
    %get3A_27 = vector.load %arg5[%get3A_25, %get3A_26] : memref<3072x1024xbf16, #tpu.memory_space<vmem>>, vector<3072x1024xbf16>
    %dot_general3A = arith.constant dense<0.000000e+00> : vector<512x1024xf32>
    %dot_general3A_28 = tpu.matmul %concatenate3A, %get3A_24, %dot_general3A {dimension_numbers = #tpu.dot_dimension_numbers<[1], [0], [0], [1], [0, 0, 1, 1], [], []>, transpose_lhs_hint = false} : vector<512x3072xbf16>, vector<3072x1024xbf16>, vector<512x1024xf32> -> vector<512x1024xf32>
    %dot_general3A_29 = arith.constant dense<0.000000e+00> : vector<512x1024xf32>
    %dot_general3A_30 = tpu.matmul %concatenate3A, %get3A_27, %dot_general3A_29 {dimension_numbers = #tpu.dot_dimension_numbers<[1], [0], [0], [1], [0, 0, 1, 1], [], []>, transpose_lhs_hint = false} : vector<512x3072xbf16>, vector<3072x1024xbf16>, vector<512x1024xf32> -> vector<512x1024xf32>
    %add3A = arith.addf %dot_general3A_28, %dot_general3A_30 : vector<512x1024xf32>
    %dot_general3A_31 = arith.constant dense<0.000000e+00> : vector<512x1024xf32>
    %dot_general3A_32 = tpu.matmul %concatenate3A_21, %get3A_24, %dot_general3A_31 {dimension_numbers = #tpu.dot_dimension_numbers<[1], [0], [0], [1], [0, 0, 1, 1], [], []>, transpose_lhs_hint = false} : vector<512x3072xbf16>, vector<3072x1024xbf16>, vector<512x1024xf32> -> vector<512x1024xf32>
    %add3A_33 = arith.addf %add3A, %dot_general3A_32 : vector<512x1024xf32>
    %get3A_34 = arith.constant 0 : index
    %get3A_35 = arith.constant 0 : index
    %get3A_36 = vector.load %arg6[%get3A_34, %get3A_35] : memref<1x1024xf32, #tpu.memory_space<vmem>>, vector<1x1024xf32>
    %add3A_37 = vector.broadcast %get3A_36 : vector<1x1024xf32> to vector<512x1024xf32>
    %add3A_38 = arith.addf %add3A_33, %add3A_37 : vector<512x1024xf32>
    %mul3A = arith.constant 5.000000e-01 : f32
    %mul3A_39 = vector.broadcast %mul3A : f32 to vector<512x1024xf32>
    %mul3A_40 = arith.mulf %mul3A_39, %add3A_38 : vector<512x1024xf32>
    %mul3A_41 = arith.constant 0.707106769 : f32
    %mul3A_42 = vector.broadcast %mul3A_41 : f32 to vector<512x1024xf32>
    %mul3A_43 = arith.mulf %add3A_38, %mul3A_42 : vector<512x1024xf32>
    %erf3A = math.erf %mul3A_43 : vector<512x1024xf32>
    %add3A_44 = arith.constant 1.000000e+00 : f32
    %add3A_45 = vector.broadcast %add3A_44 : f32 to vector<512x1024xf32>
    %add3A_46 = arith.addf %add3A_45, %erf3A : vector<512x1024xf32>
    %mul3A_47 = arith.mulf %mul3A_40, %add3A_46 : vector<512x1024xf32>
    %convert_element_type3A_48 = arith.truncf %mul3A_47 : vector<512x1024xf32> to vector<512x1024xbf16>
    %convert_element_type3A_49 = arith.extf %convert_element_type3A_48 : vector<512x1024xbf16> to vector<512x1024xf32>
    %sub3A_50 = arith.subf %mul3A_47, %convert_element_type3A_49 : vector<512x1024xf32>
    %convert_element_type3A_51 = arith.truncf %sub3A_50 : vector<512x1024xf32> to vector<512x1024xbf16>
    %get3A_52 = arith.constant 0 : index
    %get3A_53 = arith.constant 0 : index
    %get3A_54 = vector.load %arg7[%get3A_52, %get3A_53] : memref<1024x16xbf16, #tpu.memory_space<vmem>>, vector<1024x16xbf16>
    %get3A_55 = arith.constant 0 : index
    %get3A_56 = arith.constant 0 : index
    %get3A_57 = vector.load %arg8[%get3A_55, %get3A_56] : memref<1024x16xbf16, #tpu.memory_space<vmem>>, vector<1024x16xbf16>
    %dot_general3A_58 = arith.constant dense<0.000000e+00> : vector<512x16xf32>
    %dot_general3A_59 = tpu.matmul %convert_element_type3A_48, %get3A_54, %dot_general3A_58 {dimension_numbers = #tpu.dot_dimension_numbers<[1], [0], [0], [1], [0, 0, 1, 1], [], []>, transpose_lhs_hint = false} : vector<512x1024xbf16>, vector<1024x16xbf16>, vector<512x16xf32> -> vector<512x16xf32>
    %dot_general3A_60 = arith.constant dense<0.000000e+00> : vector<512x16xf32>
    %dot_general3A_61 = tpu.matmul %convert_element_type3A_48, %get3A_57, %dot_general3A_60 {dimension_numbers = #tpu.dot_dimension_numbers<[1], [0], [0], [1], [0, 0, 1, 1], [], []>, transpose_lhs_hint = false} : vector<512x1024xbf16>, vector<1024x16xbf16>, vector<512x16xf32> -> vector<512x16xf32>
    %add3A_62 = arith.addf %dot_general3A_59, %dot_general3A_61 : vector<512x16xf32>
    %dot_general3A_63 = arith.constant dense<0.000000e+00> : vector<512x16xf32>
    %dot_general3A_64 = tpu.matmul %convert_element_type3A_51, %get3A_54, %dot_general3A_63 {dimension_numbers = #tpu.dot_dimension_numbers<[1], [0], [0], [1], [0, 0, 1, 1], [], []>, transpose_lhs_hint = false} : vector<512x1024xbf16>, vector<1024x16xbf16>, vector<512x16xf32> -> vector<512x16xf32>
    %add3A_65 = arith.addf %add3A_62, %dot_general3A_64 : vector<512x16xf32>
    %get3A_66 = arith.constant 0 : index
    %get3A_67 = arith.constant 0 : index
    %get3A_68 = vector.load %arg9[%get3A_66, %get3A_67] : memref<1x16xf32, #tpu.memory_space<vmem>>, vector<1x16xf32>
    %add3A_69 = vector.broadcast %get3A_68 : vector<1x16xf32> to vector<512x16xf32>
    %add3A_70 = arith.addf %add3A_65, %add3A_69 : vector<512x16xf32>
    %swap3A_71 = arith.constant 0 : index
    %swap3A_72 = arith.constant 0 : index
    %swap3A_73 = vector.load %arg14[%swap3A_71, %swap3A_72] : memref<512x16xf32, #tpu.memory_space<vmem>>, vector<512x16xf32>
    tpu.vector_store %arg14[%swap3A_71, %swap3A_72], %add3A_70 {strides = array<i32>} : memref<512x16xf32, #tpu.memory_space<vmem>>, vector<512x16xf32>,
    %get3A_74 = arith.constant 0 : index
    %get3A_75 = arith.constant 0 : index
    %get3A_76 = vector.load %arg10[%get3A_74, %get3A_75] : memref<3072x512xbf16, #tpu.memory_space<vmem>>, vector<3072x512xbf16>
    %dot_general3A_77 = arith.constant dense<0.000000e+00> : vector<512x512xf32>
    %dot_general3A_78 = tpu.matmul %concatenate3A, %get3A_76, %dot_general3A_77 {dimension_numbers = #tpu.dot_dimension_numbers<[1], [0], [0], [1], [0, 0, 1, 1], [], []>, transpose_lhs_hint = false} : vector<512x3072xbf16>, vector<3072x512xbf16>, vector<512x512xf32> -> vector<512x512xf32>
    %get3A_79 = arith.constant 0 : index
    %get3A_80 = arith.constant 0 : index
    %get3A_81 = vector.load %arg11[%get3A_79, %get3A_80] : memref<1x512xf32, #tpu.memory_space<vmem>>, vector<1x512xf32>
    %add3A_82 = vector.broadcast %get3A_81 : vector<1x512xf32> to vector<512x512xf32>
    %add3A_83 = arith.addf %dot_general3A_78, %add3A_82 : vector<512x512xf32>
    %mul3A_84 = arith.constant 5.000000e-01 : f32
    %mul3A_85 = vector.broadcast %mul3A_84 : f32 to vector<512x512xf32>
    %mul3A_86 = arith.mulf %mul3A_85, %add3A_83 : vector<512x512xf32>
    %mul3A_87 = arith.constant 0.707106769 : f32
    %mul3A_88 = vector.broadcast %mul3A_87 : f32 to vector<512x512xf32>
    %mul3A_89 = arith.mulf %add3A_83, %mul3A_88 : vector<512x512xf32>
    %erf3A_90 = math.erf %mul3A_89 : vector<512x512xf32>
    %add3A_91 = arith.constant 1.000000e+00 : f32
    %add3A_92 = vector.broadcast %add3A_91 : f32 to vector<512x512xf32>
    %add3A_93 = arith.addf %add3A_92, %erf3A_90 : vector<512x512xf32>
    %mul3A_94 = arith.mulf %mul3A_86, %add3A_93 : vector<512x512xf32>
    %convert_element_type3A_95 = arith.truncf %mul3A_94 : vector<512x512xf32> to vector<512x512xbf16>
    %get3A_96 = arith.constant 0 : index
    %get3A_97 = arith.constant 0 : index
    %get3A_98 = vector.load %arg12[%get3A_96, %get3A_97] : memref<512x1xbf16, #tpu.memory_space<vmem>>, vector<512x1xbf16>
    %dot_general3A_99 = arith.constant dense<0.000000e+00> : vector<512x1xf32>
    %dot_general3A_100 = tpu.matmul %convert_element_type3A_95, %get3A_98, %dot_general3A_99 {dimension_numbers = #tpu.dot_dimension_numbers<[1], [0], [0], [1], [0, 0, 1, 1], [], []>, transpose_lhs_hint = false} : vector<512x512xbf16>, vector<512x1xbf16>, vector<512x1xf32> -> vector<512x1xf32>
    %get3A_101 = arith.constant 0 : index
    %get3A_102 = arith.constant 0 : index
    %get3A_103 = vector.load %arg13[%get3A_101, %get3A_102] : memref<1x1xf32, #tpu.memory_space<vmem>>, vector<1x1xf32>
    %add3A_104 = vector.broadcast %get3A_103 : vector<1x1xf32> to vector<512x1xf32>
    %add3A_105 = arith.addf %dot_general3A_100, %add3A_104 : vector<512x1xf32>
    %logistic3A = arith.negf %add3A_105 : vector<512x1xf32>
    %logistic3A_106 = math.exp %logistic3A : vector<512x1xf32>
    %logistic3A_107 = arith.constant 1.000000e+00 : f32
    %logistic3A_108 = vector.broadcast %logistic3A_107 : f32 to vector<512x1xf32>
    %logistic3A_109 = arith.addf %logistic3A_108, %logistic3A_106 : vector<512x1xf32>
    %logistic3A_110 = arith.divf %logistic3A_108, %logistic3A_109 : vector<512x1xf32>
    %swap3A_111 = arith.constant 0 : index
    %swap3A_112 = arith.constant 0 : index
    %swap3A_113 = vector.load %arg15[%swap3A_111, %swap3A_112] : memref<512x1xf32, #tpu.memory_space<vmem>>, vector<512x1xf32>
    tpu.vector_store %arg15[%swap3A_111, %swap3A_112], %logistic3A_110 {strides = array<i32>} : memref<512x1xf32, #tpu.memory_space<vmem>>, vector<512x1xf32>,
    return
  }
  func.func @transform_0(%arg0: i32) -> (i32, i32) {
    %c0_i32 = arith.constant 0 : i32
    %c0_i32_0 = arith.constant 0 : i32
    return %arg0, %c0_i32 : i32, i32
  }
  func.func @transform_1(%arg0: i32) -> (i32, i32) {
    %c0_i32 = arith.constant 0 : i32
    %c0_i32_0 = arith.constant 0 : i32
    return %arg0, %c0_i32 : i32, i32
  }
  func.func @transform_2(%arg0: i32) -> (i32, i32) {
    %c0_i32 = arith.constant 0 : i32
    %c0_i32_0 = arith.constant 0 : i32
    return %arg0, %c0_i32 : i32, i32
  }
  func.func @transform_3(%arg0: i32) -> (i32, i32) {
    %c0_i32 = arith.constant 0 : i32
    %c0_i32_0 = arith.constant 0 : i32
    %c0_i32_1 = arith.constant 0 : i32
    return %c0_i32, %c0_i32_0 : i32, i32
  }
  func.func @transform_4(%arg0: i32) -> (i32, i32) {
    %c0_i32 = arith.constant 0 : i32
    %c0_i32_0 = arith.constant 0 : i32
    %c0_i32_1 = arith.constant 0 : i32
    return %c0_i32, %c0_i32_0 : i32, i32
  }
  func.func @transform_5(%arg0: i32) -> (i32, i32) {
    %c0_i32 = arith.constant 0 : i32
    %c0_i32_0 = arith.constant 0 : i32
    %c0_i32_1 = arith.constant 0 : i32
    return %c0_i32, %c0_i32_0 : i32, i32
  }
  func.func @transform_6(%arg0: i32) -> (i32, i32) {
    %c0_i32 = arith.constant 0 : i32
    %c0_i32_0 = arith.constant 0 : i32
    %c0_i32_1 = arith.constant 0 : i32
    return %c0_i32, %c0_i32_0 : i32, i32
  }
  func.func @transform_7(%arg0: i32) -> (i32, i32) {
    %c0_i32 = arith.constant 0 : i32
    %c0_i32_0 = arith.constant 0 : i32
    %c0_i32_1 = arith.constant 0 : i32
    return %c0_i32, %c0_i32_0 : i32, i32
  }
  func.func @transform_8(%arg0: i32) -> (i32, i32) {
    %c0_i32 = arith.constant 0 : i32
    %c0_i32_0 = arith.constant 0 : i32
    %c0_i32_1 = arith.constant 0 : i32
    return %c0_i32, %c0_i32_0 : i32, i32
  }
  func.func @transform_9(%arg0: i32) -> (i32, i32) {
    %c0_i32 = arith.constant 0 : i32
    %c0_i32_0 = arith.constant 0 : i32
    %c0_i32_1 = arith.constant 0 : i32
    return %c0_i32, %c0_i32_0 : i32, i32
  }
  func.func @transform_10(%arg0: i32) -> (i32, i32) {
    %c0_i32 = arith.constant 0 : i32
    %c0_i32_0 = arith.constant 0 : i32
    %c0_i32_1 = arith.constant 0 : i32
    return %c0_i32, %c0_i32_0 : i32, i32
  }
  func.func @transform_11(%arg0: i32) -> (i32, i32) {
    %c0_i32 = arith.constant 0 : i32
    %c0_i32_0 = arith.constant 0 : i32
    %c0_i32_1 = arith.constant 0 : i32
    return %c0_i32, %c0_i32_0 : i32, i32
  }
  func.func @transform_12(%arg0: i32) -> (i32, i32) {
    %c0_i32 = arith.constant 0 : i32
    %c0_i32_0 = arith.constant 0 : i32
    %c0_i32_1 = arith.constant 0 : i32
    return %c0_i32, %c0_i32_0 : i32, i32
  }
  func.func @transform_13(%arg0: i32) -> (i32, i32) {
    %c0_i32 = arith.constant 0 : i32
    %c0_i32_0 = arith.constant 0 : i32
    return %arg0, %c0_i32 : i32, i32
  }
  func.func @transform_14(%arg0: i32) -> (i32, i32) {
    %c0_i32 = arith.constant 0 : i32
    %c0_i32_0 = arith.constant 0 : i32
    return %arg0, %c0_i32 : i32, i32
  }
  func.func @transform_15(%arg0: i32) -> (i32, i32) {
    %c0_i32 = arith.constant 0 : i32
    %c0_i32_0 = arith.constant 0 : i32
    return %arg0, %c0_i32 : i32, i32
  }
}

</mosaic_0001>

<sc_bundles>
// kernel: kernel.4.cloned.1.call-start
scs
__scs_entry_jumppad:
0x0: {  	(pc) =	sbr.rel $0x88, $3  }
0x1: {  	(tag) =	ssettag $0x0;
	lr =	simm.s32 $0x1  }
0x2: {  	[smem:$0x3F96] =	sst lr;
	_ =	strace $0xD0000000  }
0x3: {  	_ = 	snop  }
0x4: {  	_ = 	snop  }
0x5: {  	_ = 	snop  }
0x6: {  	_ = 	snop  }
0x7: {  	_ = 	snop  }
__scs_overlays_trampoline_lowered:
0x8: {  	[smem:$0x3FA5] =	sst s0  }
0x9: {  	[smem:$0x3FA6] =	sst s1  }
0xa: {  	[smem:$0x3FA7] =	sst s2  }
0xb: {  	[smem:$0x3FA8] =	sst s3  }
0xc: {  	[smem:$0x3FA9] =	sst s4  }
0xd: {  	[smem:$0x3FAA] =	sst s5  }
0xe: {  	[smem:$0x3FAB] =	sst s6  }
0xf: {  	[smem:$0x3FAC] =	sst s7  }
0x10: {  	[smem:$0x3FAD] =	sst s8  }
0x11: {  	[smem:$0x3FAE] =	sst s9;
	s0 =	simm.s32 @!p0 $0x0  }
0x12: {  	s1 =	sld [smem:$0x3F94];
	s0 =	simm.s32 @p0 $0x1  }
0x13: {  	[smem:$0x3FAF] =	sst s0;
	s0 =	simm.s32 @!p1 $0x0  }
0x14: {  	s2 =	sld [smem:$0x3F93];
	s0 =	simm.s32 @p1 $0x1  }
0x15: {  	[smem:$0x3FB0] =	sst s0;
	s0 =	simm.s32 @!p2 $0x0  }
0x16: {  	s3 =	sld [smem:$0x3FDB];
	s0 =	simm.s32 @p2 $0x1  }
0x17: {  	s4 =	simm.s32 $0x1BF5;
	[smem:$0x3FB2] =	sst s0  }
0x18: {  	s0 =	sld [smem:$0x3F95];
	_ =	swait.ge [sflag:s4], $0x0  }
0x19: {  	s7 =	sld [smem:$0x3F96]  }
0x1a: {  	s8 =	sadd.s32 $0xFFFFE003, lr  }
0x1b: {  	s9 =	sadd.s32 $0xFFFFFEF7, lr;
	s5 =	simm.s32 $0xFFFFFFFF;
	p2 =	slt.u32 s8, $0xFFFFF086  }
0x1c: {  	p1 =	slt.u32 s9, $0xF7A;
	s5 =	simm.s32 @!p2 $0x0  }
0x1d: {  	s5 =	simm.s32 @p1 $0x1;
	p0 =	seq.s32 s7, s2  }
0x1e: {  	s7 =	smul.u32 @!p0 $0xF7A, s2;
	p2 =	seq.s32 @!p0 s5, $0x0  }
0x1f: {  	s9 =	smul.u32 $0xF7A, s1;
	s8 =	simm.s32 @!p0 $0x1BF5;
	p2 =	por !p2, p0  }
0x20: {  	[sflag:s8] =	ssyncset.s32 @!p0 $0xFFFFF086;
	s6 =	sadd.s32 @!p0 s3, s7;
	s7 =	simm.s32 @!p0 $0x108  }
0x21: {  	s3 =	sadd.s32 s3, s9;
	s6 =	sadd.s32 @!p0 $0x88, s6;
	s7 =	simm.s32 @p2 $0x1082  }
0x22: {  	[simem:s7], [sflag:s8] =	dma.local @!p0 [hbm:s6], $0xF7A  }
0x23: {  	s9 =	sor.u32 $0xD0000000, s2;
	s6 =	simm.s32 $0x108;
	_ =	swait.ge @!p0 [sflag:s8], $0x0  }
0x24: {  	s3 =	sadd.s32 $0x88, s3;
	s6 =	simm.s32 @!p1 $0x1082;
	[sflag:s4] =	ssyncset.s32 $0xFFFFF086  }
0x25: {  	[simem:s6], [sflag:s4] =	dma.local [hbm:s3], $0xF7A  }
0x26: {  	[smem:$0x3F96] =	sst s1;
	(tag) =	ssettag s2;
	_ =	strace s9  }
0x27: {  	s1 =	sld [smem:$0x3FA6]  }
0x28: {  	s2 =	sld [smem:$0x3FA7]  }
0x29: {  	s4 =	sld [smem:$0x3FA9]  }
0x2a: {  	p0 =	seq.s32 s5, $0x0;
	s5 =	sld [smem:$0x3FAA]  }
0x2b: {  	s6 =	sld [smem:$0x3FAB]  }
0x2c: {  	s7 =	sld [smem:$0x3FAC]  }
0x2d: {  	s3 =	simm.s32 $0x108;
	s8 =	sld [smem:$0x3FAD]  }
0x2e: {  	s3 =	simm.s32 @!p0 $0x1082;
	s9 =	sld [smem:$0x3FAE]  }
0x2f: {  	lr =	sadd.s32 s0, s3;
	s0 =	sld [smem:$0x3FA5]  }
0x30: {  	s3 =	sld [smem:$0x3FA8]  }
0x31: {  	[smem:$0x3FB1] =	sst s10  }
0x32: {  	s10 =	sld [smem:$0x3FAF];
	_ =	sdelay $0x3  }
0x33: {  	p0 =	seq.s32 s10, $0x1;
	s10 =	sld [smem:$0x3FB1];
	_ =	sdelay $0x3  }
0x34: {  	[smem:$0x3FB1] =	sst s10  }
0x35: {  	s10 =	sld [smem:$0x3FB0];
	_ =	sdelay $0x3  }
0x36: {  	p1 =	seq.s32 s10, $0x1;
	s10 =	sld [smem:$0x3FB1];
	_ =	sdelay $0x3  }
0x37: {  	[smem:$0x3FB1] =	sst s10  }
0x38: {  	s10 =	sld [smem:$0x3FB2]  }
0x39: {  	_ = 	snop;
	(pc) =	sbr.ind lr, $3  }
0x3a: {  	_ = 	snop  }
0x3b: {  	_ = 	snop  }
0x3c: {  	p2 =	seq.s32 s10, $0x1;
	s10 =	sld [smem:$0x3FB1]  }
0x3d: {  	_ =	shalt  }
0x3e: {  	_ =	shalt  }
0x3f: {  	_ =	shalt  }
0x40: {  	_ =	shalt  }
0x41: {  	_ =	shalt  }
0x42: {  	_ =	shalt  }
0x43: {  	_ =	shalt  }
0x44: {  	_ =	shalt  }
0x45: {  	_ =	shalt  }
0x46: {  	_ =	shalt  }
0x47: {  	_ =	shalt  }
0x48: {  	_ =	shalt  }
0x49: {  	_ =	shalt  }
0x4a: {  	_ =	shalt  }
0x4b: {  	_ =	shalt  }
0x4c: {  	_ =	shalt  }
0x4d: {  	_ =	shalt  }
0x4e: {  	_ =	shalt  }
0x4f: {  	_ =	shalt  }
0x50: {  	_ =	shalt  }
0x51: {  	_ =	shalt  }
0x52: {  	_ =	shalt  }
0x53: {  	_ =	shalt  }
0x54: {  	_ =	shalt  }
0x55: {  	_ =	shalt  }
0x56: {  	_ =	shalt  }
0x57: {  	_ =	shalt  }
0x58: {  	_ =	shalt  }
0x59: {  	_ =	shalt  }
0x5a: {  	_ =	shalt  }
0x5b: {  	_ =	shalt  }
0x5c: {  	_ =	shalt  }
0x5d: {  	_ =	shalt  }
0x5e: {  	_ =	shalt  }
0x5f: {  	_ =	shalt  }
0x60: {  	_ =	shalt  }
0x61: {  	_ =	shalt  }
0x62: {  	_ =	shalt  }
0x63: {  	_ =	shalt  }
0x64: {  	_ =	shalt  }
0x65: {  	_ =	shalt  }
0x66: {  	_ =	shalt  }
0x67: {  	_ =	shalt  }
0x68: {  	_ =	shalt  }
0x69: {  	_ =	shalt  }
0x6a: {  	_ =	shalt  }
0x6b: {  	_ =	shalt  }
0x6c: {  	_ =	shalt  }
0x6d: {  	_ =	shalt  }
0x6e: {  	_ =	shalt  }
0x6f: {  	_ =	shalt  }
0x70: {  	_ =	shalt  }
0x71: {  	_ =	shalt  }
0x72: {  	_ =	shalt  }
0x73: {  	_ =	shalt  }
0x74: {  	_ =	shalt  }
0x75: {  	_ =	shalt  }
0x76: {  	_ =	shalt  }
0x77: {  	_ =	shalt  }
0x78: {  	_ =	shalt  }
0x79: {  	_ =	shalt  }
0x7a: {  	_ =	shalt  }
0x7b: {  	_ =	shalt  }
0x7c: {  	_ =	shalt  }
0x7d: {  	_ =	shalt  }
0x7e: {  	_ =	shalt  }
0x7f: {  	_ =	shalt  }
0x80: {  	_ =	shalt  }
0x81: {  	_ =	shalt  }
0x82: {  	_ =	shalt  }
0x83: {  	_ =	shalt  }
0x84: {  	_ =	shalt  }
0x85: {  	_ =	shalt  }
0x86: {  	_ =	shalt  }
0x87: {  	_ =	shalt  }
.Lfunc_end0:
.L_simem_size_0:
called_computation_lowered:
.L_overlay_start_0:
0x88: {  	s2 =	sld [smem:$0x3FD9]  }
0x89: {  	s3 =	sld [smem:$0x3FFE];
	_ =	sdelay $0x1  }
0x8a: {  	s1 =	srdreg.scid  }
0x8b: {  	s0 =	sand.u32 $0x1, s1  }
0x8c: {  	s14 =	sshll.u32 s0, $0xA;
	s2 =	sadd.s32 s3, s2  }
0x8d: {  	s2 =	sadd.s32 s2, s14  }
0x8e: {  	[smem:$0x3FBD] =	sst s2  }
0x8f: {  	_ = 	snop  }
0x90: {  	s2 =	sld [smem:$0x3FD0];
	_ =	sdelay $0x2  }
0x91: {  	s15 =	simm.s32 $0xA;
	s4 =	simm.s32 $0x10  }
0x92: {  	[smem:s4], [sflag:s15] =	dma.local [hbm:s2], $0x1  }
0x93: {  	_ =	swait.eq [sflag:s15], $0x1  }
0x94: {  	[sflag:s15] =	ssyncset.done $0x0  }
0x95: {  	[sflag:s15] =	ssyncadd.s32 $0xFFFFFFFF  }
0x96: {  	s16 =	sld [smem:$0x10];
	(tm) =	ssettm $0x1  }
0x97: {  	s17 =	sld [smem:$0x3FFB];
	_ =	sdelay $0x3  }
0x98: {  	_ =	strace s17  }
0x99: {  	s3 =	sld [smem:$0x3FFC];
	_ =	sdelay $0x3  }
0x9a: {  	_ =	strace s3  }
0x9b: {  	s3 =	sld [smem:$0x3FFD];
	_ =	sdelay $0x3  }
0x9c: {  	_ =	strace s3  }
0x9d: {  	_ =	strace $0x8FFFFFFF  }
0x9e: {  	s18 =	sld [smem:$0x3FDB];
	_ =	sdelay $0x1  }
0x9f: {  	s19 =	simm.s32 $_scs_section_size  }
0xa0: {  	s5 =	simm.s32 $_size__tile_overlayer_lowered;
	s6 =	simm.s32 $_tile_overlayer_lowered  }
0xa1: {  	s22 =	simm.s32 $0x1BFF;
	s21 =	sshll.u32 s6, $0x1;
	s3 =	sadd.s32 s19, s18  }
0xa2: {  	s7 =	simm.s32 $0x0;
	s20 =	sshll.u32 s5, $0x1;
	s5 =	sadd.s32 s21, s3  }
0xa3: {  	[timem:s7], [sflag:s22] =	dma.local [hbm:s5], s20  }
0xa4: {  	_ =	swait.ge [sflag:s22], s20  }
0xa5: {  	s4 =	ssub.s32 $0x0, s20;
	[sflag:s22] =	ssyncset.done $0x0  }
0xa6: {  	[sflag:s22] =	ssyncadd.s32 s4;
	_ =	sdelay $0x1  }
0xa7: {  	s23 =	simm.s32 $0x1B8B  }
0xa8: {  	_ =	swait.ge [sflag:s23], $0x1  }
0xa9: {  	[sflag:s23] =	ssyncset.done $0x0  }
0xaa: {  	s25 =	simm.s32 $0x1B8E;
	s24 =	sld [smem:$0x3FFE];
	[sflag:s23] =	ssyncadd.s32 $0xFFFFFFFF  }
0xab: {  	s26 =	simm.s32 $execute0_lowered;
	[smem:$0x3FD2] =	sst s25  }
0xac: {  	s5 =	sshll.u32 s26, $0x1;
	_ =	strace $0x80000046;
	[dreg:$0x1] =	wrdreg $0xFFFFFFFF  }
0xad: {  	s28 =	simm.s32 $_size_execute0_lowered;
	s3 =	sadd.s32 s3, s5;
	[dreg:$0x0] =	wrdreg $0x0  }
0xae: {  	s5 =	sshll.u32 s28, $0x1;
	[dreg:$0x2] =	wrdreg s3  }
0xaf: {  	[dreg:$0x3] =	wrdreg s5  }
0xb0: {  	[dreg:$0x4] =	wrdreg $0xC0  }
0xb1: {  	_ =	task [dreg:s7], $0x5FFFF  }
0xb2: {  	[dreg:$0x1] =	wrdreg $0xFFFFFFFF  }
0xb3: {  	[dreg:$0x0] =	wrdreg $0x60  }
0xb4: {  	[dreg:$0x2] =	wrdreg s24  }
0xb5: {  	[dreg:$0x3] =	wrdreg s16  }
0xb6: {  	[dreg:$0x4] =	wrdreg $0x12A000  }
0xb7: {  	[dreg:$0x5] =	wrdreg $0x9  }
0xb8: {  	_ =	task.clear_ibuf [dreg:s7], $0x6FFFF;
	_ =	strace $0x90000046  }
0xb9: {  	s29 =	simm.s32 $0x9;
	_ =	strace $0x80000048  }
0xba: {  	_ =	swait.ge [sflag:s29], $0x1  }
0xbb: {  	[sflag:s29] =	ssyncadd.s32 $0xFFFFFFFF  }
0xbc: {  	_ =	strace $0x90000048  }
0xbd: {  	_ =	sfence  }
0xbe: {  	s30 =	sld [smem:$0x0];
	_ =	sdelay $0x2  }
0xbf: {  	s31 =	sshll.u32 s1, $0xD;
	s1 =	sshrl.u32 s1, $0x2  }
0xc0: {  	s3 =	sand.u32 $0x4000, s31;
	s1 =	sadd.s32 s1, s30  }
0xc1: {  	s0 =	sor.u32 s3, s0;
	s1 =	sshll.u32 s1, $0x11  }
0xc2: {  	s0 =	sor.u32 s1, s0  }
0xc3: {  	s0 =	sadd.s32 $0x8F2B, s0  }
0xc4: {  	[sflag:s0] =	ssyncadd.remote.s32 $0x1  }
0xc5: {  	_ =	sfence.sel $0xFFFF  }
0xc6: {  	[dreg:$0x0] =	wrdreg $0xFFFFFFFF;
	(pc) =	sbr.abs _section_cstart, $3  }
0xc7: {  	[dreg:$0x1] =	wrdreg $0xFFFFFFFF  }
0xc8: {  	_ =	task.clear_ibuf [dreg:s7], $0x2FFFF;
	_ =	strace $0x9FFFFFFF  }
0xc9: {  	(tm) =	ssettm $0x7FFFFFFF  }
tec
execute0_lowered:
.L_overlay_start_1:
0x0: {  	(tag) =	ssettag $0x1  }
0x1: {  	s0 =	rddreg [dreg:$0x0]  }
0x2: {  	s7 =	rddreg [dreg:$0x2]  }
0x3: {  	s4 =	simm.s32 $0x0;
	s1 =	srdreg.scid;
	s8 =	stileid.u32  }
0x4: {  	s9 =	simm.s32 $0x1;
	s13 =	simm.s32 $0x0;
	[smem:$0x7FF] =	sst s4  }
.Ltmp0:
0x5: {  	s1 =	sand.u32 $0x1, s1;
	s2 =	sshll.u32 s8, $0xD;
	(pc) =	sbr.rel .LBB2_1-.Ltmp0, $4  }
0x6: {  	s5 =	sshll.u32 s8, $0x9;
	_ =	strace $0x80000047;
	s3 =	ssub.s32 $0x2, s1  }
0x7: {  	v0 =	vlaneseq.u32;
	s0 =	sadd.s32 s2, s0;
	s7 =	sadd.s32 s5, s7;
	s30 =	sshrl.u32 s3, $0x1  }
0x8: {  	vm9 =	vcmask $0x272C;
	vm10 =	vcmask $0x2B30;
	vm11 =	vcmask $0x2F34;
	s31 =	sor.u32 s8, s1;
	p0 =	sne.s32 s1, $0x0;
	s2 =	ssub.s32 s3, s30  }
0x9: {  	vm12 =	vcmask $0x3338;
	vm13 =	vcmask $0x373C;
	v1 =	vor.u32 $0x80000000, v0;
	s6 =	sadd.s32 $0xC00, s0;
	p1 =	sne.s32 s31, $0x0;
	s8 =	smax.u32 s2, $0x1  }
.LBB2_4:
0xa: {  	v35, _, _ =	vpop (xrf0)  }
0xb: {  	v27 =	vbroadcast v37, $0xF;
	v28, _, _ =	vpop (xrf0)  }
0xc: {  	vm0 =	veq.f32 v19, v17;
	v28 =	vbroadcast v28, $0xF;
	v29, _, _ =	vpop (xrf0)  }
0xd: {  	s1 =	spop (v2sf);
	(xrf0) =	vmax.scan.msk.f32 $0xffff, v38;
	v41 =	vnsel vm0, $0x80000010, v1;
	vm6 =	veq.f32 v21, v27;
	v29 =	vbroadcast v29, $0xF  }
0xe: {  	s11 =	spop (v2sf);
	(xrf0) =	vmin.scan.msk.u32 $0xffff, v41;
	v21 =	vnsel vm6, $0x80000010, v1;
	vm1 =	veq.f32 v23, v28  }
0xf: {  	s2 =	spop (v2sf);
	(xrf0) =	vmin.scan.msk.u32 $0xffff, v21;
	v42 =	vnsel vm1, $0x80000010, v1;
	vm7 =	veq.f32 v20, v29  }
0x10: {  	s10 =	spop (v2sf);
	(xrf0) =	vmin.scan.msk.u32 $0xffff, v42;
	v43 =	vnsel vm7, $0x80000010, v1  }
0x11: {  	v44, _, _ =	vpop (xrf0);
	s3 =	spop (v2sf);
	(xrf0) =	vmin.scan.msk.u32 $0xffff, v43  }
0x12: {  	s12 =	sxor.u32 $0x80000000, s0;
	v25 =	vbroadcast v25, $0xF;
	v39, _, _ =	vpop (xrf0);
	s0 =	spop (v2sf)  }
0x13: {  	v40 =	vmov s12;
	(v2sf) =	vpush v44, $0xF;
	s30 =	spop (v2sf);
	v41, _, _ =	vpop (xrf0)  }
0x14: {  	vm4 =	veq.f32 v22, v25;
	s2 =	sxor.u32 $0x80000000, s2;
	v21 =	vbroadcast v34, $0xF;
	(v2sf) =	vpush v35, $0xF;
	s31 =	sxor.u32 $0x80000000, s30;
	v46, _, _ =	vpop (xrf0)  }
0x15: {  	v45 =	vmov s2;
	s10 =	sxor.u32 $0x80000000, s10;
	v47 =	vmov s31;
	(v2sf) =	vpush v46, $0xF;
	v35, _, _ =	vpop (xrf0)  }
0x16: {  	v48 =	vmov s10;
	v42 =	vnsel vm4, $0x80000010, v1;
	vm0 =	veq.s32 v47, v0;
	v49, _, _ =	vpop (xrf0)  }
0x17: {  	vm5 =	veq.f32 v36, v21;
	(xrf0) =	vmin.scan.msk.u32 $0xffff, v42;
	v36 =	vsel vm0, $0xFF61B1E6, v12;
	v50, _, _ =	vpop (xrf0);
	(v2sf) =	vpush v49, $0xF  }
0x18: {  	vm2 =	veq.s32 v45, v0;
	v51 =	vnsel vm5, $0x80000010, v1;
	(xrf0) =	vmax.scan.msk.f32 $0xffff, v36;
	(v2sf) =	vpush v50, $0xF  }
0x19: {  	v22 =	vbroadcast v39, $0xF;
	v16 =	vsel vm2, $0xFF61B1E6, v16;
	vm7 =	veq.s32 v48, v0;
	(xrf0) =	vmin.scan.msk.u32 $0xffff, v51  }
0x1a: {  	vm5 =	veq.s32 v40, v0;
	v52 =	vsel vm7, $0xFF61B1E6, v14;
	v12 =	vbroadcast v41, $0xF;
	(xrf0) =	vmax.scan.msk.f32 $0xffff, v16  }
0x1b: {  	vm6 =	veq.f32 v33, v22;
	v37 =	vsel vm5, $0xFF61B1E6, v10;
	(xrf0) =	vmax.scan.msk.f32 $0xffff, v52  }
0x1c: {  	v53 =	vnsel vm6, $0x80000010, v1;
	vm3 =	veq.f32 v38, v12;
	(xrf0) =	vmax.scan.msk.f32 $0xffff, v37  }
0x1d: {  	vm6 =	veq.s32 v30, v0;
	v54 =	vnsel vm3, $0x80000010, v1;
	v30, _, _ =	vpop (xrf0);
	(xrf0) =	vmin.scan.msk.u32 $0xffff, v53  }
0x1e: {  	v55 =	vsel vm6, $0xFF61B1E6, v9;
	v33, _, _ =	vpop (xrf0);
	(xrf0) =	vmin.scan.msk.u32 $0xffff, v54  }
0x1f: {  	v39, _, _ =	vpop (xrf0);
	(xrf0) =	vmax.scan.msk.f32 $0xffff, v55  }
0x20: {  	v56, _, _ =	vpop (xrf0)  }
0x21: {  	v57, _, _ =	vpop (xrf0)  }
0x22: {  	s28 =	spop (v2sf);
	v58, _, _ =	vpop (xrf0)  }
0x23: {  	s29 =	spop (v2sf);
	v59, _, _ =	vpop (xrf0)  }
0x24: {  	v9 =	vbroadcast v56, $0xF;
	s12 =	spop (v2sf);
	v60, _, _ =	vpop (xrf0)  }
0x25: {  	s2 =	sxor.u32 $0x80000000, s12;
	v61, _, _ =	vpop (xrf0)  }
0x26: {  	vm3 =	veq.f32 v16, v9;
	v62 =	vmov s2;
	v10 =	vbroadcast v61, $0xF;
	s30 =	spop (v2sf)  }
0x27: {  	v14 =	vbroadcast v57, $0xF;
	v63 =	vnsel vm3, $0x80000010, v1;
	vm1 =	veq.s32 v62, v0;
	s31 =	spop (v2sf)  }
0x28: {  	v18 =	vsel vm7, v18, v32;
	(xrf0) =	vmin.scan.msk.u32 $0xffff, v63;
	v43 =	vsel vm1, $0xFF61B1E6, v19;
	vm3 =	veq.f32 v55, v10;
	s2 =	sxor.u32 $0x80000000, s31  }
0x29: {  	vm8 =	veq.f32 v52, v14;
	s10 =	sxor.u32 $0x80000000, s30;
	(xrf0) =	vmax.scan.msk.f32 $0xffff, v43;
	v45 =	vnsel vm3, $0x80000010, v1;
	v44 =	vmov s2  }
0x2a: {  	v47 =	vnsel vm8, $0x80000010, v1;
	v46 =	vmov s10;
	(xrf0) =	vmin.scan.msk.u32 $0xffff, v45;
	vm4 =	veq.s32 v44, v0  }
0x2b: {  	v32 =	vsel vm6, v8, v18;
	vm3 =	veq.s32 v46, v0;
	(xrf0) =	vmin.scan.msk.u32 $0xffff, v47;
	v48 =	vsel vm4, $0xFF61B1E6, v20  }
0x2c: {  	v5 =	vsel vm5, v5, v32;
	(v2sf) =	vpush v35, $0xF;
	v49 =	vsel vm3, $0xFF61B1E6, v23;
	(xrf0) =	vmax.scan.msk.f32 $0xffff, v48  }
0x2d: {  	v5 =	vsel vm2, v7, v5;
	(v2sf) =	vpush v30, $0xF;
	s12 =	sadd.s32 s26, s5;
	(xrf0) =	vmax.scan.msk.f32 $0xffff, v49  }
0x2e: {  	v5 =	vsel vm0, v15, v5;
	(v2sf) =	vpush v59, $0xF;
	s30 =	sadd.s32 $0x8, s12;
	v52, _, _ =	vpop (xrf0)  }
0x2f: {  	v50 =	vsel vm15, s25, v31;
	v18 =	vbroadcast v33, $0xF;
	s26 =	sadd.s32 $0x9, s12;
	(v2sf) =	vpush v60, $0xF;
	s31 =	sxor.u32 $0x80000000, s1;
	s1 =	scvt.s32.f32 s30;
	v54, _, _ =	vpop (xrf0)  }
0x30: {  	(v2sf) =	vpush v39, $0xF;
	v39 =	vsel vm14, s15, v26;
	s10 =	sxor.u32 $0x80000000, s3;
	s3 =	scvt.s32.f32 s26;
	v20 =	vbroadcast v58, $0xF;
	v55, _, _ =	vpop (xrf0)  }
0x31: {  	v51 =	vmov s31;
	v53 =	vmov s10;
	v16 =	vsel vm7, s1, v50;
	v57, _, _ =	vpop (xrf0)  }
0x32: {  	v56 =	vsel vm6, s3, v16;
	vm6 =	veq.f32 v37, v20;
	v8 =	vbroadcast v54, $0xF;
	v58, _, _ =	vpop (xrf0)  }
0x33: {  	v59 =	vnsel vm6, $0x80000010, v1;
	vm6 =	veq.f32 v36, v18;
	v16 =	vbroadcast v58, $0xF;
	v60, _, _ =	vpop (xrf0)  }
0x34: {  	s30 =	sxor.u32 $0x80000000, s11;
	(xrf0) =	vmin.scan.msk.u32 $0xffff, v59;
	v61 =	vnsel vm6, $0x80000010, v1;
	vm8 =	veq.f32 v43, v8;
	v19 =	vbroadcast v60, $0xF  }
0x35: {  	v62 =	vmov s30;
	(xrf0) =	vmin.scan.msk.u32 $0xffff, v61;
	v63 =	vnsel vm8, $0x80000010, v1;
	vm6 =	veq.f32 v48, v16  }
0x36: {  	s30 =	sxor.u32 $0x80000000, s28;
	vm7 =	veq.s32 v51, v0;
	(xrf0) =	vmin.scan.msk.u32 $0xffff, v63;
	vm8 =	veq.f32 v49, v19;
	v36 =	vnsel vm6, $0x80000010, v1  }
0x37: {  	s31 =	sadd.s32 $0xA, s12;
	vm15 =	veq.s32 v53, v0;
	v46 =	vmov s30;
	v38 =	vnsel vm8, $0x80000010, v1;
	(xrf0) =	vmin.scan.msk.u32 $0xffff, v36  }
0x38: {  	s11 =	scvt.s32.f32 s31;
	s31 =	sxor.u32 $0x80000000, s29;
	(v2sf) =	vpush v52, $0xF;
	v40 =	vsel vm7, s17, v39;
	v2 =	vsel vm7, v2, v24;
	(xrf0) =	vmin.scan.msk.u32 $0xffff, v38  }
0x39: {  	s10 =	sadd.s32 $0xB, s12;
	v45 =	vmov s31;
	vm7 =	veq.s32 v46, v0;
	(v2sf) =	vpush v57, $0xF  }
0x3a: {  	s26 =	sadd.s32 $0xC, s12;
	s17 =	scvt.s32.f32 s10;
	v5 =	vsel vm4, v29, v5;
	v2 =	vsel vm15, v4, v2;
	(v2sf) =	vpush v55, $0xF;
	v41, _, _ =	vpop (xrf0)  }
0x3b: {  	s15 =	scvt.s32.f32 s26;
	v7 =	vsel vm15, s14, v40;
	v37 =	vsel vm5, s11, v56;
	v43, _, _ =	vpop (xrf0);
	(v2sf) =	vpush v41, $0xF  }
0x3c: {  	v5 =	vsel vm1, v17, v5;
	vm5 =	veq.s32 v45, v0;
	v42 =	vsel vm2, s17, v37;
	v44, _, _ =	vpop (xrf0)  }
0x3d: {  	s0 =	sxor.u32 $0x80000000, s0;
	s14 =	spop (v2sf);
	v5 =	vsel vm3, v28, v5;
	v4 =	vsel vm0, s15, v42;
	(v2sf) =	vpush v43, $0xF;
	v47, _, _ =	vpop (xrf0)  }
0x3e: {  	s10 =	sadd.s32 $0xD, s12;
	s26 =	spop (v2sf);
	vm6 =	veq.s32 v62, v0;
	v49 =	vmov s0;
	(v2sf) =	vpush v47, $0xF;
	v48, _, _ =	vpop (xrf0)  }
0x3f: {  	s28 =	spop (v2sf);
	s0 =	scvt.s32.f32 s10;
	s10 =	sxor.u32 $0x80000000, s26;
	v7 =	vsel vm6, s16, v7;
	v2 =	vsel vm6, v6, v2;
	(v2sf) =	vpush v48, $0xF  }
0x40: {  	s29 =	spop (v2sf);
	vm6 =	veq.s32 v49, v0;
	v52 =	vmov s10;
	(v2sf) =	vpush v44, $0xF  }
0x41: {  	s30 =	spop (v2sf);
	s16 =	sadd.s32 $0xE, s12;
	v2 =	vsel vm7, v13, v2;
	v7 =	vsel vm7, s19, v7;
	s19 =	sxor.u32 $0x80000000, s14;
	v4 =	vsel vm4, s0, v4  }
0x42: {  	s12 =	sadd.s32 $0xF, s12;
	s2 =	scvt.s32.f32 s16;
	vm4 =	veq.s32 v52, v0;
	s16 =	sxor.u32 $0x80000000, s29;
	v2 =	vsel vm5, v11, v2;
	v51 =	vmov s19  }
0x43: {  	s31 =	scvt.s32.f32 s12;
	v50 =	vsel vm5, s20, v7;
	s19 =	sxor.u32 $0x80000000, s30;
	v55 =	vmov s16;
	vm7 =	veq.s32 v51, v0  }
0x44: {  	v4 =	vsel vm1, s2, v4;
	v54 =	vmov s19;
	v2 =	vsel vm7, v27, v2  }
0x45: {  	v4 =	vsel vm3, s31, v4;
	v2 =	vsel vm6, v3, v2;
	v3 =	vsel vm7, s18, v50;
	s18 =	sxor.u32 $0x80000000, s28  }
0x46: {  	vm7 =	veq.s32 v55, v0;
	v3 =	vsel vm6, s21, v3;
	v53 =	vmov s18  }
0x47: {  	s20 =	spop (v2sf);
	v2 =	vsel vm4, v25, v2;
	vm5 =	veq.s32 v53, v0;
	v3 =	vsel vm4, s22, v3  }
0x48: {  	s14 =	sxor.u32 $0x80000000, s20;
	vm6 =	veq.s32 v54, v0;
	v3 =	vsel vm5, s23, v3;
	v2 =	vsel vm5, v22, v2;
	s21 =	spop (v2sf)  }
0x49: {  	v58 =	vmov s14;
	v2 =	vsel vm6, v21, v2;
	v3 =	vsel vm6, s24, v3;
	s12 =	sxor.u32 $0x80000000, s21;
	s22 =	spop (v2sf)  }
0x4a: {  	vm6 =	veq.s32 v58, v0;
	v2 =	vsel vm7, v12, v2;
	s16 =	sxor.u32 $0x80000000, s22;
	v56 =	vmov s12;
	s23 =	spop (v2sf)  }
0x4b: {  	v3 =	vsel vm7, s25, v3;
	v57 =	vmov s16;
	vm4 =	veq.s32 v56, v0;
	s12 =	sxor.u32 $0x80000000, s23  }
0x4c: {  	vm5 =	veq.s32 v57, v0;
	v2 =	vsel vm4, v14, v2;
	s24 =	spop (v2sf);
	v59 =	vmov s12  }
0x4d: {  	v3 =	vsel vm4, s1, v3;
	v2 =	vsel vm5, v10, v2;
	s26 =	sxor.u32 $0x80000000, s24;
	vm7 =	veq.s32 v59, v0;
	s25 =	spop (v2sf)  }
0x4e: {  	v3 =	vsel vm5, s3, v3;
	v60 =	vmov s26;
	v2 =	vsel vm7, v20, v2;
	s28 =	spop (v2sf)  }
0x4f: {  	v3 =	vsel vm7, s11, v3;
	vm4 =	veq.s32 v60, v0;
	v2 =	vsel vm6, v9, v2;
	s1 =	sxor.u32 $0x80000000, s25;
	s29 =	spop (v2sf)  }
0x50: {  	v3 =	vsel vm6, s17, v3;
	v2 =	vsel vm4, v18, v2;
	v61 =	vmov s1;
	s3 =	sxor.u32 $0x80000000, s29  }
0x51: {  	v3 =	vsel vm4, s15, v3;
	s30 =	sxor.u32 $0x80000000, s28;
	vm5 =	veq.s32 v61, v0;
	v62 =	vmov s3  }
0x52: {  	v63 =	vmov s30;
	v2 =	vsel vm5, v16, v2;
	vm6 =	veq.s32 v62, v0  }
0x53: {  	[tilespmem:$0x10000] =	vst v5;
	vm7 =	veq.s32 v63, v0;
	v3 =	vsel vm5, s0, v3;
	v2 =	vsel vm6, v8, v2  }
0x54: {  	[tilespmem:$0x10080] =	vst v4;
	v3 =	vsel vm6, s2, v3;
	v2 =	vsel vm7, v19, v2  }
0x55: {  	v3 =	vsel vm7, s31, v3;
	[tilespmem:$0x10100] =	vst v2  }
0x56: {  	s31 =	simm.s32 $0x10000;
	[tilespmem:$0x10180] =	vst v3  }
0x57: {  	[spmem:s7] =	stream.linear.scatter [tilespmem:s31], [sflag:$0x1], $0x200, $0x38;
	[tilespmem:$0x12A40] =	vst v63  }
0x58: {  	_ =	swait.ge [sflag:s9], $0x200  }
0x59: {  	[sflag:s9] =	ssyncset.done $0x0  }
0x5a: {  	[sflag:s9] =	ssyncadd.s32 $0xFFFFFE00  }
.LBB2_5:
.Ltmp1:
0x5b: {  	(pc) =	sbr.rel @!p1 .LBB2_6-.Ltmp1, $2  }
0x5c: {  	_ =	sdelay $0x1  }
0x5d: {  	[bflag:$0x0] =	sbarrier.arrive $0xFFFF;
	_ =	sdelay $0x1  }
.LBB2_7:
0x5e: {  	s13 =	sadd.s32 $0x1, s13  }
0x5f: {  	p2 =	sne.s32 s13, s8  }
.Ltmp2:
0x60: {  	_ = 	snop;
	(pc) =	sbr.rel @!p2 .LBB2_8-.Ltmp2, $1  }
0x61: {  	_ =	sdelay $0x3  }
.LBB2_1:
.Ltmp3:
0x62: {  	(pc) =	sbr.rel @p0 .LBB2_5-.Ltmp3, $1  }
0x63: {  	_ =	sdelay $0x3  }
0x64: {  	[tilespmem:s4], [sflag:$0x1] =	stream.linear.gather [hbm4b:s6+s4], $0x10000, $0x38;
	[tilespmem:$0x12A40] =	vst v63  }
0x65: {  	_ =	swait.ge [sflag:s9], $0x10000  }
0x66: {  	[sflag:s9] =	ssyncset.done $0x0  }
0x67: {  	s0 =	simm.s32 $0x200;
	[sflag:s9] =	ssyncadd.s32 $0xFFFF0000  }
0x68: {  	v13 =	vld [tilespmem:s0+$0x0]  }
0x69: {  	v11 =	vld [tilespmem:s0+$0xFFFFFE80]  }
0x6a: {  	v17 =	vld [tilespmem:s0+$0xFFFFFF00]  }
0x6b: {  	v18 =	vld [tilespmem:s0+$0xFFFFFF80]  }
0x6c: {  	v20 =	vld [tilespmem:s0+$0xFFFFFE00]  }
0x6d: {  	(xrf0) =	vmax.scan.msk.f32 $0xffff, v13  }
0x6e: {  	(xrf0) =	vmax.scan.msk.f32 $0xffff, v11  }
0x6f: {  	(xrf0) =	vmax.scan.msk.f32 $0xffff, v17  }
0x70: {  	(xrf0) =	vmax.scan.msk.f32 $0xffff, v18  }
0x71: {  	(xrf0) =	vmax.scan.msk.f32 $0xffff, v20;
	_ =	sdelay $0x1  }
0x72: {  	v2, _, _ =	vpop (xrf0)  }
0x73: {  	v3, _, _ =	vpop (xrf0)  }
0x74: {  	v25 =	vbroadcast v3, $0xF;
	v3, _, _ =	vpop (xrf0)  }
0x75: {  	v12 =	vbroadcast v3, $0xF;
	v3, _, _ =	vpop (xrf0)  }
0x76: {  	vm0 =	veq.f32 v11, v25;
	v4, _, _ =	vpop (xrf0);
	v14 =	vbroadcast v3, $0xF  }
0x77: {  	v3 =	vnsel vm0, $0x80000010, v1;
	vm7 =	veq.f32 v17, v12;
	v26 =	vbroadcast v4, $0xF  }
0x78: {  	v10 =	vbroadcast v2, $0xF;
	(xrf0) =	vmin.scan.msk.u32 $0xffff, v3;
	v2 =	vnsel vm7, $0x80000010, v1;
	vm4 =	veq.f32 v18, v14  }
0x79: {  	vm1 =	veq.f32 v20, v26;
	(xrf0) =	vmin.scan.msk.u32 $0xffff, v2;
	v2 =	vnsel vm4, $0x80000010, v1  }
0x7a: {  	v19 =	vld [tilespmem:s0+$0x100];
	vm5 =	veq.f32 v13, v10;
	v3 =	vnsel vm1, $0x80000010, v1;
	(xrf0) =	vmin.scan.msk.u32 $0xffff, v2  }
0x7b: {  	v9 =	vld [tilespmem:s0+$0x180];
	v2 =	vnsel vm5, $0x80000010, v1;
	(xrf0) =	vmin.scan.msk.u32 $0xffff, v3  }
0x7c: {  	(xrf0) =	vmin.scan.msk.u32 $0xffff, v2;
	_ =	sdelay $0x1  }
0x7d: {  	v2, _, _ =	vpop (xrf0)  }
0x7e: {  	(xrf0) =	vmax.scan.msk.f32 $0xffff, v19;
	(v2sf) =	vpush v2, $0xF;
	v2, _, _ =	vpop (xrf0)  }
0x7f: {  	(xrf0) =	vmax.scan.msk.f32 $0xffff, v9;
	(v2sf) =	vpush v2, $0xF;
	v2, _, _ =	vpop (xrf0)  }
0x80: {  	v16 =	vld [tilespmem:s0+$0x80];
	v3, _, _ =	vpop (xrf0);
	(v2sf) =	vpush v2, $0xF  }
0x81: {  	(v2sf) =	vpush v3, $0xF;
	v2, _, _ =	vpop (xrf0)  }
0x82: {  	(v2sf) =	vpush v2, $0xF;
	_ =	sdelay $0x1  }
0x83: {  	v2, _, _ =	vpop (xrf0)  }
0x84: {  	s31 =	simm.s32 $0x600;
	(xrf0) =	vmax.scan.msk.f32 $0xffff, v16;
	v4 =	vbroadcast v2, $0xF;
	v2, _, _ =	vpop (xrf0)  }
0x85: {  	v5 =	vld [tilespmem:s31+$0x0];
	v2 =	vbroadcast v2, $0xF  }
0x86: {  	v3 =	vld [tilespmem:s31+$0xFFFFFE80];
	vm6 =	veq.f32 v19, v4  }
0x87: {  	v6 =	vnsel vm6, $0x80000010, v1;
	vm7 =	veq.f32 v9, v2  }
0x88: {  	(xrf0) =	vmin.scan.msk.u32 $0xffff, v6;
	v6 =	vnsel vm7, $0x80000010, v1  }
0x89: {  	(xrf0) =	vmin.scan.msk.u32 $0xffff, v6  }
0x8a: {  	v7, _, _ =	vpop (xrf0);
	(xrf0) =	vmax.scan.msk.f32 $0xffff, v5  }
0x8b: {  	v6 =	vld [tilespmem:s31+$0xFFFFFF00];
	v32 =	vbroadcast v7, $0xF;
	(xrf0) =	vmax.scan.msk.f32 $0xffff, v3  }
0x8c: {  	v8 =	vld [tilespmem:s31+$0xFFFFFF80];
	s1 =	spop (v2sf)  }
0x8d: {  	v7 =	vld [tilespmem:s31+$0xFFFFFE00];
	vm4 =	veq.f32 v16, v32;
	s2 =	spop (v2sf)  }
0x8e: {  	v15 =	vnsel vm4, $0x80000010, v1;
	v21, _, _ =	vpop (xrf0);
	s3 =	spop (v2sf)  }
0x8f: {  	(xrf0) =	vmin.scan.msk.u32 $0xffff, v15;
	v23, _, _ =	vpop (xrf0);
	s10 =	spop (v2sf)  }
0x90: {  	(xrf0) =	vmax.scan.msk.f32 $0xffff, v6;
	v24, _, _ =	vpop (xrf0);
	s11 =	spop (v2sf)  }
0x91: {  	(xrf0) =	vmax.scan.msk.f32 $0xffff, v8;
	v15, _, _ =	vpop (xrf0);
	s11 =	sxor.u32 $0x80000000, s11  }
0x92: {  	(xrf0) =	vmax.scan.msk.f32 $0xffff, v7;
	s3 =	sxor.u32 $0x80000000, s3;
	v15 =	vbroadcast v15, $0xF;
	v22 =	vmov s11  }
0x93: {  	(v2sf) =	vpush v21, $0xF;
	s11 =	sxor.u32 $0x80000000, s10;
	vm0 =	veq.s32 v22, v0;
	v22 =	vmov s3  }
0x94: {  	vm2 =	veq.f32 v3, v15;
	v21 =	vsel vm0, $0xFF61B1E6, v13;
	v13 =	vmov s11  }
0x95: {  	v28, _, _ =	vpop (xrf0);
	v29 =	vnsel vm2, $0x80000010, v1;
	vm1 =	veq.s32 v22, v0;
	(xrf0) =	vmax.scan.msk.f32 $0xffff, v21  }
0x96: {  	s2 =	sxor.u32 $0x80000000, s2;
	v31 =	vsel vm1, $0xFF61B1E6, v18;
	v22, _, _ =	vpop (xrf0);
	(xrf0) =	vmin.scan.msk.u32 $0xffff, v29  }
0x97: {  	v27 =	vmov s2;
	vm4 =	veq.s32 v13, v0;
	v18 =	vbroadcast v22, $0xF;
	v13, _, _ =	vpop (xrf0);
	(xrf0) =	vmax.scan.msk.f32 $0xffff, v31  }
0x98: {  	vm3 =	veq.s32 v27, v0;
	v27 =	vsel vm4, $0xFF61B1E6, v20;
	v22, _, _ =	vpop (xrf0);
	v13 =	vbroadcast v13, $0xF  }
0x99: {  	v34 =	vsel vm3, $0xFF61B1E6, v17;
	(xrf0) =	vmax.scan.msk.f32 $0xffff, v27;
	vm5 =	veq.f32 v6, v18;
	v22 =	vbroadcast v22, $0xF  }
0x9a: {  	s1 =	sxor.u32 $0x80000000, s1;
	(v2sf) =	vpush v23, $0xF;
	(xrf0) =	vmax.scan.msk.f32 $0xffff, v34;
	v17 =	vnsel vm5, $0x80000010, v1;
	vm2 =	veq.f32 v8, v13  }
0x9b: {  	v20 =	vmov s1;
	vm6 =	veq.f32 v7, v22;
	(xrf0) =	vmin.scan.msk.u32 $0xffff, v17;
	v17 =	vnsel vm2, $0x80000010, v1;
	v33, _, _ =	vpop (xrf0)  }
0x9c: {  	(v2sf) =	vpush v28, $0xF;
	vm5 =	veq.s32 v20, v0;
	v20 =	vnsel vm6, $0x80000010, v1;
	(xrf0) =	vmin.scan.msk.u32 $0xffff, v17;
	v23, _, _ =	vpop (xrf0)  }
0x9d: {  	v28 =	vsel vm5, $0xFF61B1E6, v11;
	(xrf0) =	vmin.scan.msk.u32 $0xffff, v20;
	v11, _, _ =	vpop (xrf0)  }
0x9e: {  	(xrf0) =	vmax.scan.msk.f32 $0xffff, v28;
	v17 =	vbroadcast v11, $0xF  }
0x9f: {  	v29, _, _ =	vpop (xrf0)  }
0xa0: {  	v35, _, _ =	vpop (xrf0);
	vm2 =	veq.f32 v31, v17  }
0xa1: {  	v30 =	vbroadcast v24, $0xF;
	v36, _, _ =	vpop (xrf0);
	v11 =	vnsel vm2, $0x80000010, v1  }
0xa2: {  	s12 =	spop (v2sf);
	v20 =	vld [tilespmem:s31+$0x100];
	v31, _, _ =	vpop (xrf0)  }
0xa3: {  	vm6 =	veq.f32 v5, v30;
	s1 =	sxor.u32 $0x80000000, s12;
	v37, _, _ =	vpop (xrf0)  }
0xa4: {  	v38 =	vnsel vm6, $0x80000010, v1;
	(v2sf) =	vpush v23, $0xF;
	v23 =	vmov s1;
	(xrf0) =	vmin.scan.msk.u32 $0xffff, v11;
	v11, _, _ =	vpop (xrf0)  }
0xa5: {  	v24 =	vld [tilespmem:s31+$0x180];
	vm2 =	veq.s32 v23, v0;
	(xrf0) =	vmin.scan.msk.u32 $0xffff, v38;
	v11 =	vbroadcast v11, $0xF  }
0xa6: {  	(v2sf) =	vpush v36, $0xF;
	v59 =	vsel vm2, $0xFF61B1E6, v19;
	v19 =	vimm.f32 $-1.000000000e+09  }
0xa7: {  	s14 =	sadd.s32 $0xFFFFFFF8, s5;
	(v2sf) =	vpush v31, $0xF;
	v31 =	vsel vm4, v26, v19;
	(xrf0) =	vmax.scan.msk.f32 $0xffff, v20;
	vm6 =	veq.f32 v28, v11  }
0xa8: {  	s15 =	sadd.s32 $0x8, s14;
	v25 =	vsel vm5, v25, v31;
	(xrf0) =	vmax.scan.msk.f32 $0xffff, v59;
	v28 =	vnsel vm6, $0x80000010, v1  }
0xa9: {  	s16 =	sadd.s32 $0x9, s14;
	s24 =	scvt.s32.f32 s15;
	(v2sf) =	vpush v37, $0xF;
	v12 =	vsel vm3, v12, v25;
	(xrf0) =	vmin.scan.msk.u32 $0xffff, v28  }
0xaa: {  	s17 =	sadd.s32 $0xA, s14;
	s23 =	scvt.s32.f32 s16;
	s18 =	spop (v2sf);
	v23 =	vimm.f32 $-1.000000000e+00;
	v26 =	vld [tilespmem:s31+$0x80];
	v12 =	vsel vm1, v14, v12;
	v31, _, _ =	vpop (xrf0);
	(xrf0) =	vmax.scan.msk.f32 $0xffff, v24  }
0xab: {  	s25 =	scvt.s32.f32 s17;
	s19 =	spop (v2sf);
	v10 =	vsel vm0, v10, v12;
	v28 =	vsel vm4, s24, v23;
	v25, _, _ =	vpop (xrf0);
	(v2sf) =	vpush v31, $0xF  }
0xac: {  	s0 =	sxor.u32 $0x80000000, s18;
	s2 =	sxor.u32 $0x80000000, s19;
	v31 =	vbroadcast v29, $0xF;
	v28 =	vsel vm5, s23, v28;
	(v2sf) =	vpush v25, $0xF  }
0xad: {  	s20 =	sadd.s32 $0xB, s14;
	v12, _, _ =	vpop (xrf0);
	v25 =	vmov s2;
	v14 =	vsel vm3, s25, v28;
	v28 =	vmov s0  }
0xae: {  	s30 =	scvt.s32.f32 s20;
	vm3 =	veq.f32 v27, v31;
	v60, _, _ =	vpop (xrf0);
	vm4 =	veq.s32 v25, v0;
	v27 =	vbroadcast v12, $0xF  }
0xaf: {  	s21 =	sadd.s32 $0xC, s14;
	(xrf0) =	vmax.scan.msk.f32 $0xffff, v26;
	v29 =	vnsel vm3, $0x80000010, v1;
	vm3 =	veq.s32 v28, v0;
	v25 =	vsel vm4, $0xFF61B1E6, v16;
	v61, _, _ =	vpop (xrf0)  }
0xb0: {  	s26 =	simm.s32 $0xA00;
	s15 =	scvt.s32.f32 s21;
	v28 =	vbroadcast v35, $0xF;
	v14 =	vsel vm1, s30, v14;
	v10 =	vsel vm4, v32, v10;
	(xrf0) =	vmin.scan.msk.u32 $0xffff, v29;
	v16, _, _ =	vpop (xrf0)  }
0xb1: {  	s22 =	sadd.s32 $0xD, s14;
	v12 =	vld [tilespmem:s26+$0x0];
	v62 =	vsel vm3, $0xFF61B1E6, v9;
	vm5 =	veq.f32 v20, v27;
	(xrf0) =	vmax.scan.msk.f32 $0xffff, v25;
	v29 =	vbroadcast v16, $0xF  }
0xb2: {  	s17 =	scvt.s32.f32 s22;
	s31 =	sadd.s32 $0xE, s14;
	v9 =	vld [tilespmem:s26+$0xFFFFFE80];
	v14 =	vsel vm0, s15, v14;
	vm1 =	veq.f32 v34, v28;
	(xrf0) =	vmax.scan.msk.f32 $0xffff, v62;
	v16 =	vnsel vm5, $0x80000010, v1  }
0xb3: {  	s1 =	sadd.s32 $0xF, s14;
	s14 =	scvt.s32.f32 s31;
	s3 =	spop (v2sf);
	v4 =	vsel vm2, v4, v10;
	(xrf0) =	vmin.scan.msk.u32 $0xffff, v16;
	v16 =	vnsel vm1, $0x80000010, v1;
	vm5 =	veq.f32 v24, v29  }
0xb4: {  	s16 =	scvt.s32.f32 s1;
	s0 =	sxor.u32 $0x80000000, s3;
	v14 =	vsel vm4, s17, v14;
	v39 =	vsel vm3, v2, v4;
	(xrf0) =	vmin.scan.msk.u32 $0xffff, v16;
	v10 =	vnsel vm5, $0x80000010, v1  }
0xb5: {  	v34 =	vbroadcast v33, $0xF;
	v4 =	vsel vm2, s14, v14;
	v14 =	vmov s0;
	s10 =	spop (v2sf);
	v2, _, _ =	vpop (xrf0);
	(xrf0) =	vmin.scan.msk.u32 $0xffff, v10  }
0xb6: {  	vm0 =	veq.s32 v14, v0;
	v40 =	vsel vm3, s16, v4;
	s11 =	sxor.u32 $0x80000000, s10;
	v32 =	vbroadcast v2, $0xF;
	s12 =	spop (v2sf);
	v2, _, _ =	vpop (xrf0);
	v10 =	vld [tilespmem:s26+$0xFFFFFF00];
	(xrf0) =	vmax.scan.msk.f32 $0xffff, v12  }
0xb7: {  	v4 =	vbroadcast v60, $0xF;
	vm2 =	veq.f32 v21, v34;
	v41 =	vmov s11;
	s0 =	sxor.u32 $0x80000000, s12;
	v16 =	vld [tilespmem:s26+$0xFFFFFF80];
	v42, _, _ =	vpop (xrf0);
	(xrf0) =	vmax.scan.msk.f32 $0xffff, v9  }
0xb8: {  	v14 =	vld [tilespmem:s26+$0xFFFFFE00];
	s18 =	spop (v2sf);
	vm6 =	veq.f32 v26, v32;
	v48 =	vmov s0;
	(v2sf) =	vpush v2, $0xF;
	v63, _, _ =	vpop (xrf0)  }
0xb9: {  	s19 =	sxor.u32 $0x80000000, s18;
	vm4 =	veq.s32 v41, v0;
	vm5 =	veq.f32 v59, v4;
	v43 =	vnsel vm6, $0x80000010, v1;
	v44, _, _ =	vpop (xrf0)  }
0xba: {  	s0 =	sadd.s32 $0x0, s5;
	vm1 =	veq.s32 v48, v0;
	(v2sf) =	vpush v61, $0xF;
	v21 =	vmov s19;
	s1 =	spop (v2sf);
	(xrf0) =	vmin.scan.msk.u32 $0xffff, v43;
	v49, _, _ =	vpop (xrf0)  }
0xbb: {  	v2 =	vbroadcast v42, $0xF;
	s21 =	sadd.s32 $0x8, s0;
	v52 =	vnsel vm5, $0x80000010, v1;
	vm3 =	veq.s32 v21, v0;
	s20 =	spop (v2sf);
	(xrf0) =	vmax.scan.msk.f32 $0xffff, v10;
	v50, _, _ =	vpop (xrf0)  }
0xbc: {  	v38 =	vsel vm1, $0xFF61B1E6, v8;
	s19 =	scvt.s32.f32 s21;
	v21 =	vsel vm4, $0xFF61B1E6, v6;
	v39 =	vsel vm3, v22, v39;
	s2 =	sxor.u32 $0x80000000, s20;
	v51, _, _ =	vpop (xrf0);
	(xrf0) =	vmax.scan.msk.f32 $0xffff, v16  }
0xbd: {  	v22 =	vnsel vm2, $0x80000010, v1;
	vm6 =	veq.f32 v25, v2;
	v6 =	vmov s2;
	v8, _, _ =	vpop (xrf0);
	(xrf0) =	vmax.scan.msk.f32 $0xffff, v14  }
0xbe: {  	v40 =	vsel vm3, s19, v40;
	vm2 =	veq.s32 v6, v0;
	v8 =	vbroadcast v8, $0xF  }
0xbf: {  	s22 =	sadd.s32 $0x9, s0;
	v15 =	vsel vm0, v15, v39;
	(v2sf) =	vpush v44, $0xF;
	(xrf0) =	vmin.scan.msk.u32 $0xffff, v22;
	v22 =	vsel vm2, $0xFF61B1E6, v5  }
0xc0: {  	s31 =	sadd.s32 $0xA, s0;
	v39 =	vsel vm3, $0xFF61B1E6, v7;
	s20 =	scvt.s32.f32 s22;
	(v2sf) =	vpush v50, $0xF;
	v5, _, _ =	vpop (xrf0);
	(xrf0) =	vmax.scan.msk.f32 $0xffff, v22;
	vm5 =	veq.f32 v9, v8  }
0xc1: {  	s18 =	scvt.s32.f32 s31;
	v61 =	vnsel vm6, $0x80000010, v1;
	(v2sf) =	vpush v5, $0xF;
	v53, _, _ =	vpop (xrf0);
	(xrf0) =	vmin.scan.msk.u32 $0xffff, v52;
	v54 =	vnsel vm5, $0x80000010, v1  }
0xc2: {  	v57 =	vsel vm4, v18, v15;
	v40 =	vsel vm0, s20, v40;
	v5 =	vbroadcast v53, $0xF;
	(xrf0) =	vmin.scan.msk.u32 $0xffff, v54;
	v56, _, _ =	vpop (xrf0)  }
0xc3: {  	v13 =	vsel vm1, v13, v57;
	v6 =	vbroadcast v63, $0xF;
	v55 =	vsel vm4, s18, v40;
	(xrf0) =	vmax.scan.msk.f32 $0xffff, v38;
	v15, _, _ =	vpop (xrf0)  }
0xc4: {  	(v2sf) =	vpush v49, $0xF;
	vm7 =	veq.f32 v10, v5;
	(xrf0) =	vmax.scan.msk.f32 $0xffff, v39;
	v18 =	vbroadcast v15, $0xF  }
0xc5: {  	vm5 =	veq.f32 v62, v6;
	v7 =	vbroadcast v56, $0xF;
	v58, _, _ =	vpop (xrf0);
	v59 =	vnsel vm7, $0x80000010, v1;
	(xrf0) =	vmax.scan.msk.f32 $0xffff, v21  }
0xc6: {  	s10 =	sadd.s32 $0xB, s0;
	v30 =	vsel vm2, v30, v13;
	v60 =	vnsel vm5, $0x80000010, v1;
	v25, _, _ =	vpop (xrf0);
	(xrf0) =	vmin.scan.msk.u32 $0xffff, v59;
	vm4 =	veq.f32 v14, v18  }
0xc7: {  	s11 =	sadd.s32 $0xC, s0;
	s21 =	scvt.s32.f32 s10;
	(v2sf) =	vpush v58, $0xF;
	vm3 =	veq.f32 v16, v7;
	v62, _, _ =	vpop (xrf0);
	(xrf0) =	vmin.scan.msk.u32 $0xffff, v61;
	v13 =	vnsel vm4, $0x80000010, v1  }
0xc8: {  	s22 =	scvt.s32.f32 s11;
	v63 =	vnsel vm3, $0x80000010, v1;
	v44, _, _ =	vpop (xrf0);
	(xrf0) =	vmin.scan.msk.u32 $0xffff, v60  }
0xc9: {  	v46 =	vsel vm0, $0xFF61B1E6, v3;
	s1 =	sxor.u32 $0x80000000, s1;
	v33 =	vsel vm1, s21, v55;
	s2 =	spop (v2sf);
	(xrf0) =	vmin.scan.msk.u32 $0xffff, v63;
	v45, _, _ =	vpop (xrf0)  }
0xca: {  	v33 =	vsel vm2, s22, v33;
	v54 =	vmov s1;
	v15 =	vbroadcast v51, $0xF;
	s12 =	spop (v2sf);
	(xrf0) =	vmin.scan.msk.u32 $0xffff, v13;
	v13, _, _ =	vpop (xrf0)  }
0xcb: {  	vm0 =	veq.s32 v54, v0;
	s2 =	sxor.u32 $0x80000000, s2;
	s31 =	sxor.u32 $0x80000000, s12;
	(v2sf) =	vpush v44, $0xF;
	v3 =	vbroadcast v45, $0xF;
	v37, _, _ =	vpop (xrf0)  }
0xcc: {  	v50 =	vmov s2;
	vm7 =	veq.f32 v12, v15;
	v48 =	vmov s31;
	v49, _, _ =	vpop (xrf0)  }
0xcd: {  	vm6 =	veq.s32 v50, v0;
	(xrf0) =	vmax.scan.msk.f32 $0xffff, v46;
	vm4 =	veq.f32 v38, v3;
	(v2sf) =	vpush v49, $0xF  }
0xce: {  	v47 =	vnsel vm7, $0x80000010, v1;
	vm5 =	veq.s32 v48, v0;
	s10 =	spop (v2sf);
	v38 =	vnsel vm4, $0x80000010, v1;
	v51, _, _ =	vpop (xrf0)  }
0xcf: {  	v31 =	vsel vm6, v31, v19;
	v23 =	vsel vm6, s24, v23;
	s11 =	spop (v2sf);
	(v2sf) =	vpush v51, $0xF;
	v52, _, _ =	vpop (xrf0);
	(xrf0) =	vmin.scan.msk.u32 $0xffff, v38  }
0xd0: {  	v19 =	vld [tilespmem:s26+$0x100];
	v31 =	vsel vm5, v11, v31;
	v57 =	vsel vm5, s23, v23;
	s2 =	sxor.u32 $0x80000000, s10;
	s12 =	spop (v2sf);
	v53, _, _ =	vpop (xrf0);
	(v2sf) =	vpush v52, $0xF;
	(xrf0) =	vmin.scan.msk.u32 $0xffff, v47  }
0xd1: {  	v23 =	vmov s2;
	v13 =	vbroadcast v13, $0xF;
	s1 =	sxor.u32 $0x80000000, s12;
	v55, _, _ =	vpop (xrf0);
	(v2sf) =	vpush v53, $0xF  }
0xd2: {  	vm2 =	veq.s32 v23, v0;
	s2 =	sxor.u32 $0x80000000, s11;
	v58 =	vmov s1;
	(v2sf) =	vpush v55, $0xF  }
0xd3: {  	v36 =	vsel vm2, $0xFF61B1E6, v20;
	v59 =	vmov s2;
	s3 =	spop (v2sf);
	v56, _, _ =	vpop (xrf0);
	vm1 =	veq.s32 v58, v0  }
0xd4: {  	v23 =	vld [tilespmem:s26+$0x180];
	s10 =	sxor.u32 $0x80000000, s3;
	v11 =	vbroadcast v56, $0xF;
	(v2sf) =	vpush v62, $0xF;
	v30 =	vsel vm1, v32, v30  }
0xd5: {  	v20 =	vld [tilespmem:s26+$0x80];
	vm15 =	veq.s32 v59, v0;
	(xrf0) =	vmax.scan.msk.f32 $0xffff, v19;
	v61 =	vmov s10;
	v27 =	vsel vm2, v27, v30;
	v60, _, _ =	vpop (xrf0)  }
0xd6: {  	s31 =	sadd.s32 $0xD, s0;
	vm3 =	veq.s32 v61, v0;
	vm7 =	veq.f32 v46, v11;
	s12 =	spop (v2sf);
	v32 =	vsel vm15, v29, v27;
	v62, _, _ =	vpop (xrf0);
	(xrf0) =	vmax.scan.msk.f32 $0xffff, v36  }
0xd7: {  	s23 =	scvt.s32.f32 s31;
	s11 =	sadd.s32 $0xE, s0;
	v27 =	vsel vm3, v28, v31;
	v63 =	vnsel vm7, $0x80000010, v1;
	(v2sf) =	vpush v60, $0xF;
	s26 =	sxor.u32 $0x80000000, s12  }
0xd8: {  	s24 =	scvt.s32.f32 s11;
	v17 =	vsel vm0, v17, v27;
	(v2sf) =	vpush v62, $0xF;
	(xrf0) =	vmin.scan.msk.u32 $0xffff, v63;
	v27 =	vmov s26  }
0xd9: {  	vm4 =	veq.f32 v39, v13;
	v38 =	vsel vm15, $0xFF61B1E6, v24;
	v33 =	vsel vm1, s23, v33;
	(xrf0) =	vmax.scan.msk.f32 $0xffff, v23  }
0xda: {  	s28 =	simm.s32 $0x10;
	v31 =	vsel vm2, s24, v33;
	v28 =	vnsel vm4, $0x80000010, v1;
	v29 =	vsel vm3, s25, v57;
	s31 =	spop (v2sf);
	(xrf0) =	vmax.scan.msk.f32 $0xffff, v20  }
0xdb: {  	s29 =	simm.s32 $0xE00;
	s0 =	sadd.s32 $0xF, s0;
	v33 =	vsel vm1, $0xFF61B1E6, v26;
	v26 =	vsel vm0, s30, v29;
	vm14 =	veq.s32 v27, v0;
	s1 =	sxor.u32 $0x80000000, s31;
	v27, _, _ =	vpop (xrf0);
	(xrf0) =	vmin.scan.msk.u32 $0xffff, v28  }
0xdc: {  	s25 =	scvt.s32.f32 s0;
	s26 =	simm.s32 $0x8;
	v24 =	vsel vm14, v34, v17;
	v30 =	vmov s1;
	v17 =	vbroadcast v27, $0xF;
	(xrf0) =	vmax.scan.msk.f32 $0xffff, v33;
	v34, _, _ =	vpop (xrf0);
	s0 =	spop (v2sf)  }
.LBB2_3:
0xdd: {  	vm0 =	veq.s32 v30, v0;
	s0 =	sxor.u32 $0x80000000, s0;
	v29 =	vbroadcast v37, $0xF  }
0xde: {  	v39 =	vld [tilespmem:s29+$0xFFFFFE80];
	v43 =	vsel vm15, s25, v31;
	v44, _, _ =	vpop (xrf0);
	(xrf0) =	vmax.scan.msk.f32 $0xffff, v38;
	s1 =	spop (v2sf);
	v27 =	vmov v20;
	v28 =	vmov v23;
	s3 =	smov.u32 s28;
	s28 =	sadd.s32 $0x8, s28  }
0xdf: {  	vm1 =	veq.f32 v19, v17;
	v34 =	vbroadcast v34, $0xF;
	v20 =	vld [tilespmem:s29+$0x80];
	p2 =	slt.u32 s28, $0x1F8;
	v23 =	vmov s0;
	v30, _, _ =	vpop (xrf0);
	s0 =	sxor.u32 $0x80000000, s1;
	s1 =	spop (v2sf)  }
0xe0: {  	v35 =	vnsel vm1, $0x80000010, v1;
	v37 =	vld [tilespmem:s29+$0x0];
	v31 =	vbroadcast v30, $0xF;
	s2 =	spop (v2sf);
	v40 =	vmov s0;
	s0 =	sxor.u32 $0x80000000, s1  }
0xe1: {  	vm1 =	veq.f32 v21, v29;
	v30 =	vbroadcast v25, $0xF;
	v45 =	vld [tilespmem:s29+$0xFFFFFF00];
	s1 =	spop (v2sf);
	v41, _, _ =	vpop (xrf0);
	(xrf0) =	vmin.scan.msk.u32 $0xffff, v35;
	vm15 =	veq.s32 v40, v0  }
0xe2: {  	s2 =	sxor.u32 $0x80000000, s2;
	v46 =	vnsel vm1, $0x80000010, v1;
	v42 =	vld [tilespmem:s29+$0xFFFFFE00];
	s1 =	sxor.u32 $0x80000000, s1;
	v35 =	vbroadcast v41, $0xF;
	vm2 =	veq.f32 v28, v31;
	v25, _, _ =	vpop (xrf0)  }
0xe3: {  	v40 =	vmov s2;
	vm3 =	veq.f32 v22, v30;
	v41 =	vnsel vm2, $0x80000010, v1;
	(xrf0) =	vmin.scan.msk.u32 $0xffff, v46;
	v21, _, _ =	vpop (xrf0);
	s2 =	spop (v2sf)  }
0xe4: {  	v46 =	vmov s1;
	vm1 =	veq.s32 v40, v0;
	v22 =	vld [tilespmem:s29+$0xFFFFFF80];
	(xrf0) =	vmin.scan.msk.u32 $0xffff, v41;
	v47 =	vbroadcast v21, $0xF;
	v48, _, _ =	vpop (xrf0);
	s1 =	sxor.u32 $0x80000000, s2  }
0xe5: {  	v41 =	vsel vm1, $0xFF61B1E6, v16;
	vm2 =	veq.f32 v27, v35;
	(xrf0) =	vmax.scan.msk.f32 $0xffff, v37;
	v49 =	vmov s1  }
0xe6: {  	s30 =	sadd.s32 s26, s5;
	s26 =	smov.u32 s3;
	vm5 =	veq.s32 v46, v0;
	v21 =	vnsel vm2, $0x80000010, v1;
	(xrf0) =	vmax.scan.msk.f32 $0xffff, v39;
	s2 =	spop (v2sf);
	vm2 =	veq.s32 v49, v0  }
0xe7: {  	s3 =	sadd.s32 $0x9, s30;
	vm6 =	veq.s32 v23, v0;
	vm7 =	veq.f32 v36, v34;
	v36 =	vmov s0;
	s1 =	sadd.s32 $0x8, s30;
	v40 =	vld [tilespmem:s29+$0x100];
	s10 =	spop (v2sf);
	(xrf0) =	vmin.scan.msk.u32 $0xffff, v21;
	v16, _, _ =	vpop (xrf0)  }
0xe8: {  	s31 =	sadd.s32 $0xA, s30;
	v18 =	vsel vm5, v18, v32;
	s1 =	scvt.s32.f32 s1;
	v21 =	vsel vm6, $0xFF61B1E6, v10;
	v10 =	vmovc v45;
	(xrf0) =	vmax.scan.msk.f32 $0xffff, v45;
	s0 =	sxor.u32 $0x80000000, s10;
	(v2sf) =	vpush v25, $0xF  }
0xe9: {  	s12 =	sadd.s32 $0xB, s30;
	s3 =	scvt.s32.f32 s3;
	s10 =	sadd.s32 $0xC, s30;
	v25 =	vnsel vm3, $0x80000010, v1;
	(xrf0) =	vmax.scan.msk.f32 $0xffff, v22;
	v23 =	vmov s0;
	(v2sf) =	vpush v44, $0xF;
	v44, _, _ =	vpop (xrf0)  }
0xea: {  	s11 =	sadd.s32 $0xD, s30;
	v32 =	vsel vm5, s1, v43;
	s0 =	sadd.s32 $0xE, s30;
	s30 =	sadd.s32 $0xF, s30;
	(xrf0) =	vmax.scan.msk.f32 $0xffff, v42;
	vm3 =	veq.s32 v23, v0;
	(v2sf) =	vpush v16, $0xF;
	v43, _, _ =	vpop (xrf0)  }
0xeb: {  	s31 =	scvt.s32.f32 s31;
	v46 =	vsel vm0, s3, v32;
	v32 =	vbroadcast v48, $0xF;
	v16 =	vmov v22;
	v23 =	vld [tilespmem:s29+$0x180];
	v45, _, _ =	vpop (xrf0);
	(xrf0) =	vmin.scan.msk.u32 $0xffff, v25  }
0xec: {  	vm4 =	veq.s32 v36, v0;
	v18 =	vsel vm0, v8, v18;
	v22 =	vsel vm3, $0xFF61B1E6, v12;
	v25, _, _ =	vpop (xrf0)  }
0xed: {  	v36 =	vsel vm6, s31, v46;
	vm8 =	veq.f32 v38, v32;
	v8 =	vbroadcast v25, $0xF;
	(xrf0) =	vmax.scan.msk.f32 $0xffff, v22;
	v12, _, _ =	vpop (xrf0)  }
0xee: {  	v46 =	vsel vm14, s15, v26;
	s15 =	smov.u32 s22;
	v38 =	vsel vm6, v5, v18;
	v18 =	vnsel vm7, $0x80000010, v1;
	v25, _, _ =	vpop (xrf0)  }
0xef: {  	s2 =	sxor.u32 $0x80000000, s2;
	vm6 =	veq.f32 v39, v8;
	v5 =	vbroadcast v25, $0xF;
	v48, _, _ =	vpop (xrf0);
	(v2sf) =	vpush v43, $0xF  }
0xf0: {  	v49 =	vnsel vm8, $0x80000010, v1;
	v25 =	vnsel vm6, $0x80000010, v1;
	v43, _, _ =	vpop (xrf0);
	(v2sf) =	vpush v12, $0xF;
	(xrf0) =	vmin.scan.msk.u32 $0xffff, v18  }
0xf1: {  	v45 =	vbroadcast v45, $0xF;
	vm6 =	veq.f32 v10, v5;
	(xrf0) =	vmin.scan.msk.u32 $0xffff, v25;
	(v2sf) =	vpush v44, $0xF;
	v12, _, _ =	vpop (xrf0)  }
0xf2: {  	v26 =	vsel vm5, $0xFF61B1E6, v14;
	v44 =	vnsel vm6, $0x80000010, v1;
	(xrf0) =	vmax.scan.msk.f32 $0xffff, v41;
	(v2sf) =	vpush v12, $0xF;
	v12 =	vmovc v37  }
0xf3: {  	v18 =	vbroadcast v43, $0xF;
	v37 =	vsel vm1, v7, v38;
	vm5 =	veq.f32 v12, v45;
	(xrf0) =	vmax.scan.msk.f32 $0xffff, v26;
	v25, _, _ =	vpop (xrf0)  }
0xf4: {  	v14 =	vmovc v42;
	v7 =	vbroadcast v48, $0xF;
	vm6 =	veq.f32 v33, v47;
	v33 =	vsel vm15, s17, v46;
	s17 =	smov.u32 s23;
	(xrf0) =	vmax.scan.msk.f32 $0xffff, v21  }
0xf5: {  	s12 =	scvt.s32.f32 s12;
	v24 =	vsel vm15, v2, v24;
	v2 =	vmovc v47;
	vm7 =	veq.f32 v14, v18;
	v38 =	vnsel vm6, $0x80000010, v1;
	(xrf0) =	vmin.scan.msk.u32 $0xffff, v44  }
0xf6: {  	v4 =	vsel vm2, v4, v24;
	v42 =	vsel vm3, v15, v37;
	vm6 =	veq.f32 v16, v7;
	(xrf0) =	vmin.scan.msk.u32 $0xffff, v38;
	v15, _, _ =	vpop (xrf0)  }
0xf7: {  	s22 =	scvt.s32.f32 s10;
	v44 =	vnsel vm6, $0x80000010, v1;
	v38 =	vsel vm0, $0xFF61B1E6, v9;
	v9 =	vsel vm1, s12, v36;
	v37, _, _ =	vpop (xrf0);
	s10 =	spop (v2sf);
	(xrf0) =	vmin.scan.msk.u32 $0xffff, v49  }
0xf8: {  	v33 =	vsel vm2, s14, v33;
	s14 =	smov.u32 s24;
	v46 =	vnsel vm7, $0x80000010, v1;
	v43 =	vnsel vm5, $0x80000010, v1;
	(xrf0) =	vmin.scan.msk.u32 $0xffff, v44;
	v24, _, _ =	vpop (xrf0);
	s10 =	sxor.u32 $0x80000000, s10;
	s23 =	spop (v2sf)  }
0xf9: {  	v33 =	vsel vm4, s16, v33;
	s16 =	smov.u32 s25;
	v44 =	vsel vm3, s22, v9;
	(xrf0) =	vmin.scan.msk.u32 $0xffff, v46;
	v24 =	vbroadcast v24, $0xF;
	v36, _, _ =	vpop (xrf0);
	s24 =	spop (v2sf);
	s23 =	sxor.u32 $0x80000000, s23  }
0xfa: {  	v4 =	vsel vm4, v6, v4;
	(v2sf) =	vpush v37, $0xF;
	(xrf0) =	vmax.scan.msk.f32 $0xffff, v38;
	v37, _, _ =	vpop (xrf0);
	v46 =	vmov s23  }
0xfb: {  	v9 =	vmov v39;
	v6, _, _ =	vpop (xrf0);
	vm0 =	veq.f32 v41, v24;
	vm1 =	veq.s32 v46, v0  }
0xfc: {  	v47 =	vmov s10;
	(v2sf) =	vpush v6, $0xF;
	v46 =	vnsel vm0, $0x80000010, v1;
	v41, _, _ =	vpop (xrf0)  }
0xfd: {  	v36 =	vbroadcast v36, $0xF;
	vm0 =	veq.s32 v47, v0;
	(xrf0) =	vmin.scan.msk.u32 $0xffff, v46;
	(v2sf) =	vpush v41, $0xF;
	v6, _, _ =	vpop (xrf0)  }
0xfe: {  	v4 =	vsel vm0, v13, v4;
	v13 =	vmov s2;
	v39, _, _ =	vpop (xrf0);
	(xrf0) =	vmin.scan.msk.u32 $0xffff, v43;
	s10 =	spop (v2sf);
	(v2sf) =	vpush v6, $0xF  }
0xff: {  	v33 =	vsel vm0, s19, v33;
	s19 =	smov.u32 s1;
	vm0 =	veq.s32 v13, v0;
	v6, _, _ =	vpop (xrf0);
	(v2sf) =	vpush v39, $0xF;
	s2 =	spop (v2sf)  }
0x100: {  	v33 =	vsel vm1, s20, v33;
	v39 =	vsel vm1, v11, v4;
	(v2sf) =	vpush v6, $0xF;
	s1 =	sxor.u32 $0x80000000, s2;
	s2 =	sxor.u32 $0x80000000, s24;
	v6, _, _ =	vpop (xrf0);
	s24 =	spop (v2sf)  }
0x101: {  	s20 =	smov.u32 s3;
	v4 =	vmovc v34;
	v11 =	vbroadcast v6, $0xF;
	v41 =	vmov s1;
	v43 =	vmov s2;
	s1 =	sxor.u32 $0x80000000, s10;
	s2 =	spop (v2sf);
	v6 =	vmovc v32  }
0x102: {  	s23 =	scvt.s32.f32 s11;
	v13 =	vmovc v36;
	vm2 =	veq.s32 v43, v0;
	v32 =	vmov s1;
	(v2sf) =	vpush v15, $0xF;
	v15 =	vmovc v45  }
0x103: {  	vm1 =	veq.s32 v41, v0;
	s1 =	sxor.u32 $0x80000000, s24;
	vm3 =	veq.f32 v38, v11;
	v36 =	vsel vm2, $0xFF61B1E6, v19;
	v19, _, _ =	vpop (xrf0)  }
0x104: {  	v35 =	vsel vm1, v35, v42;
	v38 =	vsel vm1, s23, v44;
	v41 =	vmov s1;
	v34, _, _ =	vpop (xrf0);
	(xrf0) =	vmax.scan.msk.f32 $0xffff, v40  }
0x105: {  	vm15 =	veq.s32 v32, v0;
	s1 =	sxor.u32 $0x80000000, s2;
	v42 =	vnsel vm3, $0x80000010, v1;
	(v2sf) =	vpush v19, $0xF;
	(xrf0) =	vmax.scan.msk.f32 $0xffff, v36;
	v19 =	vmovc v40  }
0x106: {  	s24 =	scvt.s32.f32 s0;
	v17 =	vsel vm2, v17, v35;
	vm3 =	veq.s32 v41, v0;
	(v2sf) =	vpush v34, $0xF;
	(xrf0) =	vmin.scan.msk.u32 $0xffff, v42  }
.Ltmp4:
0x107: {  	vm4 =	veq.f32 v26, v13;
	v32 =	vsel vm15, v31, v17;
	v17 =	vsel vm3, v29, v39;
	(xrf0) =	vmax.scan.msk.f32 $0xffff, v23;
	(pc) =	sbr.rel @p2 .LBB2_3-.Ltmp4, $4  }
0x108: {  	v31 =	vsel vm2, s24, v38;
	v17 =	vsel vm0, v3, v17;
	v34 =	vmov s1;
	v3 =	vmovc v24  }
0x109: {  	v29 =	vsel vm3, s18, v33;
	s18 =	smov.u32 s31;
	v24 =	vnsel vm4, $0x80000010, v1;
	vm14 =	veq.s32 v34, v0;
	s0 =	spop (v2sf);
	(xrf0) =	vmax.scan.msk.f32 $0xffff, v20  }
0x10a: {  	s25 =	scvt.s32.f32 s30;
	v33 =	vsel vm1, $0xFF61B1E6, v27;
	v38 =	vsel vm15, $0xFF61B1E6, v28;
	s0 =	sxor.u32 $0x80000000, s0;
	v26, _, _ =	vpop (xrf0);
	(xrf0) =	vmin.scan.msk.u32 $0xffff, v24;
	v24 =	vsel vm14, v30, v17  }
0x10b: {  	s29 =	sadd.s32 $0x400, s29;
	v30 =	vmov s0;
	v17 =	vbroadcast v26, $0xF;
	s0 =	spop (v2sf);
	(xrf0) =	vmax.scan.msk.f32 $0xffff, v33;
	v34, _, _ =	vpop (xrf0);
	v26 =	vsel vm0, s21, v29;
	s21 =	smov.u32 s12  }
.Ltmp5:
0x10c: {  	_ = 	snop;
	(pc) =	sbr.rel .LBB2_4-.Ltmp5, $1  }
0x10d: {  	_ =	sdelay $0x3  }
.LBB2_6:
0x10e: {  	s0 =	rddreg [dreg:$0x2];
	s1 =	simm.s32 $0x10200  }
0x10f: {  	[tilespmem:s1], [sflag:$0x1] =	stream.linear.gather [spmem:s0], $0x2000, $0x38;
	[tilespmem:$0x12A40] =	vst v63  }
0x110: {  	_ =	swait.ge [sflag:s9], $0x2000  }
0x111: {  	[sflag:s9] =	ssyncset.done $0x0  }
0x112: {  	[sflag:s9] =	ssyncadd.s32 $0xFFFFE000  }
0x113: {  	v2 =	vld [tilespmem:$0x10280]  }
0x114: {  	v3 =	vld [tilespmem:$0x10200]  }
0x115: {  	v4 =	vld [tilespmem:$0x10380]  }
0x116: {  	v5 =	vld [tilespmem:$0x10300]  }
0x117: {  	v6 =	vld [tilespmem:$0x10480]  }
0x118: {  	v7 =	vld [tilespmem:$0x10400]  }
0x119: {  	v8 =	vld [tilespmem:$0x10580]  }
0x11a: {  	v9 =	vld [tilespmem:$0x10500]  }
0x11b: {  	v10 =	vld [tilespmem:$0x10680]  }
0x11c: {  	v11 =	vld [tilespmem:$0x10600]  }
0x11d: {  	v12 =	vld [tilespmem:$0x10780]  }
0x11e: {  	v13 =	vld [tilespmem:$0x10700]  }
0x11f: {  	v14 =	vld [tilespmem:$0x10880]  }
0x120: {  	v15 =	vld [tilespmem:$0x10800]  }
0x121: {  	v16 =	vld [tilespmem:$0x10980]  }
0x122: {  	v17 =	vld [tilespmem:$0x10900]  }
0x123: {  	v18 =	vld [tilespmem:$0x10A80]  }
0x124: {  	v19 =	vld [tilespmem:$0x10A00]  }
0x125: {  	v20 =	vld [tilespmem:$0x10B80]  }
0x126: {  	v21 =	vld [tilespmem:$0x10B00]  }
0x127: {  	v22 =	vld [tilespmem:$0x10C80]  }
0x128: {  	v23 =	vld [tilespmem:$0x10C00]  }
0x129: {  	v24 =	vld [tilespmem:$0x10D80]  }
0x12a: {  	v25 =	vld [tilespmem:$0x10D00]  }
0x12b: {  	v26 =	vld [tilespmem:$0x10E80]  }
0x12c: {  	v27 =	vld [tilespmem:$0x10E00]  }
0x12d: {  	v28 =	vld [tilespmem:$0x10F80]  }
0x12e: {  	v29 =	vld [tilespmem:$0x10F00]  }
0x12f: {  	v30 =	vld [tilespmem:$0x11080]  }
0x130: {  	v31 =	vld [tilespmem:$0x11000]  }
0x131: {  	v32 =	vld [tilespmem:$0x11180]  }
0x132: {  	v33 =	vld [tilespmem:$0x11100]  }
0x133: {  	v34 =	vld [tilespmem:$0x11280]  }
0x134: {  	v35 =	vld [tilespmem:$0x11200]  }
0x135: {  	v36 =	vld [tilespmem:$0x11380]  }
0x136: {  	v37 =	vld [tilespmem:$0x11300];
	vm0 =	vgt.f32 v2, $-1.000000000e+00  }
0x137: {  	v38 =	vld [tilespmem:$0x11480];
	vm1 =	vgt.f32 v4, $-1.000000000e+00;
	v2 =	vnsel vm0, $0xBF800000, v2  }
0x138: {  	v39 =	vld [tilespmem:$0x11400];
	v3 =	vnsel vm0, $0xCE6E6B28, v3;
	v4 =	vnsel vm1, $0xBF800000, v4;
	vm7 =	vgt.f32 v6, v2  }
0x139: {  	v55 =	vld [tilespmem:$0x11580];
	v5 =	vnsel vm1, $0xCE6E6B28, v5;
	vm4 =	vgt.f32 v8, v4;
	v2 =	vsel vm7, v6, v2  }
0x13a: {  	v56 =	vld [tilespmem:$0x11500];
	v3 =	vsel vm7, v7, v3;
	v4 =	vsel vm4, v8, v4;
	vm5 =	vgt.f32 v10, v2  }
0x13b: {  	v57 =	vld [tilespmem:$0x11680];
	v5 =	vsel vm4, v9, v5;
	vm6 =	vgt.f32 v12, v4;
	v2 =	vsel vm5, v10, v2  }
0x13c: {  	v58 =	vld [tilespmem:$0x11600];
	v3 =	vsel vm5, v11, v3;
	v4 =	vsel vm6, v12, v4;
	vm7 =	vgt.f32 v14, v2  }
0x13d: {  	v59 =	vld [tilespmem:$0x11780];
	v5 =	vsel vm6, v13, v5;
	vm4 =	vgt.f32 v16, v4;
	v2 =	vsel vm7, v14, v2  }
0x13e: {  	v60 =	vld [tilespmem:$0x11700];
	v3 =	vsel vm7, v15, v3;
	v4 =	vsel vm4, v16, v4;
	vm5 =	vgt.f32 v18, v2  }
0x13f: {  	v61 =	vld [tilespmem:$0x11880];
	v5 =	vsel vm4, v17, v5;
	vm6 =	vgt.f32 v20, v4;
	v2 =	vsel vm5, v18, v2  }
0x140: {  	v62 =	vld [tilespmem:$0x11800];
	v3 =	vsel vm5, v19, v3;
	v4 =	vsel vm6, v20, v4;
	vm7 =	vgt.f32 v22, v2  }
0x141: {  	v63 =	vld [tilespmem:$0x11980];
	v5 =	vsel vm6, v21, v5;
	vm4 =	vgt.f32 v24, v4;
	v2 =	vsel vm7, v22, v2  }
0x142: {  	v40 =	vld [tilespmem:$0x12080];
	v3 =	vsel vm7, v23, v3;
	v4 =	vsel vm4, v24, v4;
	vm5 =	vgt.f32 v26, v2  }
0x143: {  	v41 =	vld [tilespmem:$0x12000];
	v5 =	vsel vm4, v25, v5;
	vm6 =	vgt.f32 v28, v4;
	v2 =	vsel vm5, v26, v2  }
0x144: {  	v24 =	vld [tilespmem:$0x11900];
	v3 =	vsel vm5, v27, v3;
	v4 =	vsel vm6, v28, v4;
	vm7 =	vgt.f32 v30, v2  }
0x145: {  	v26 =	vld [tilespmem:$0x11A80];
	v5 =	vsel vm6, v29, v5;
	vm4 =	vgt.f32 v32, v4;
	v2 =	vsel vm7, v30, v2  }
0x146: {  	v28 =	vld [tilespmem:$0x11A00];
	v3 =	vsel vm7, v31, v3;
	v4 =	vsel vm4, v32, v4;
	vm5 =	vgt.f32 v34, v2  }
0x147: {  	v30 =	vld [tilespmem:$0x11B80];
	v5 =	vsel vm4, v33, v5;
	vm6 =	vgt.f32 v36, v4;
	v2 =	vsel vm5, v34, v2  }
0x148: {  	v31 =	vld [tilespmem:$0x11B00];
	v3 =	vsel vm5, v35, v3;
	v4 =	vsel vm6, v36, v4;
	vm7 =	vgt.f32 v38, v2  }
0x149: {  	v32 =	vld [tilespmem:$0x11C80];
	v5 =	vsel vm6, v37, v5;
	vm4 =	vgt.f32 v55, v4;
	v2 =	vsel vm7, v38, v2  }
0x14a: {  	v33 =	vld [tilespmem:$0x11C00];
	v3 =	vsel vm7, v39, v3;
	v4 =	vsel vm4, v55, v4;
	vm5 =	vgt.f32 v57, v2  }
0x14b: {  	v34 =	vld [tilespmem:$0x11D80];
	v5 =	vsel vm4, v56, v5;
	vm6 =	vgt.f32 v59, v4;
	v2 =	vsel vm5, v57, v2  }
0x14c: {  	v35 =	vld [tilespmem:$0x11D00];
	v3 =	vsel vm5, v58, v3;
	v4 =	vsel vm6, v59, v4;
	vm7 =	vgt.f32 v61, v2  }
0x14d: {  	v36 =	vld [tilespmem:$0x11E80];
	v5 =	vsel vm6, v60, v5;
	vm4 =	vgt.f32 v63, v4;
	v2 =	vsel vm7, v61, v2  }
0x14e: {  	v37 =	vld [tilespmem:$0x11E00];
	v3 =	vsel vm7, v62, v3;
	v4 =	vsel vm4, v63, v4;
	vm5 =	vgt.f32 v26, v2  }
0x14f: {  	v38 =	vld [tilespmem:$0x11F80];
	v5 =	vsel vm4, v24, v5;
	vm6 =	vgt.f32 v30, v4;
	v2 =	vsel vm5, v26, v2  }
0x150: {  	v39 =	vld [tilespmem:$0x11F00];
	v3 =	vsel vm5, v28, v3;
	v4 =	vsel vm6, v30, v4;
	vm7 =	vgt.f32 v32, v2  }
0x151: {  	v42 =	vld [tilespmem:$0x12180];
	v5 =	vsel vm6, v31, v5;
	vm4 =	vgt.f32 v34, v4;
	v2 =	vsel vm7, v32, v2  }
0x152: {  	v43 =	vld [tilespmem:$0x12100];
	v3 =	vsel vm7, v33, v3;
	v4 =	vsel vm4, v34, v4;
	vm5 =	vgt.f32 v36, v2  }
0x153: {  	v5 =	vsel vm4, v35, v5;
	vm4 =	vmmov $0x1;
	v44 =	vsel vm5, v36, v2  }
0x154: {  	vm6 =	vgt.f32 v38, v4;
	v2 =	vsel vm5, v37, v3;
	vm7 =	vgt.f32 v40, v44  }
0x155: {  	v5 =	vsel vm6, v39, v5;
	v45 =	vsel vm6, v38, v4;
	v2 =	vsel vm7, v41, v2  }
0x156: {  	vm5 =	vgt.f32 v42, v45;
	v3 =	vsel vm7, v40, v44;
	v46 =	vnsel vm4, $0xFF61B1E6, v2  }
0x157: {  	v4 =	vsel vm5, v43, v5;
	v47 =	vnsel vm4, $0xBF800000, v3;
	(xrf0) =	vmax.scan.msk.f32 $0xffff, v46  }
0x158: {  	v5 =	vsel vm5, v42, v45;
	v48 =	vnsel vm4, $0xFF61B1E6, v4;
	(xrf0) =	vmax.scan.msk.f32 $0xffff, v47  }
0x159: {  	v49 =	vnsel vm4, $0xBF800000, v5;
	(xrf0) =	vmax.scan.msk.f32 $0xffff, v48  }
0x15a: {  	(xrf0) =	vmax.scan.msk.f32 $0xffff, v49;
	_ =	sdelay $0x2  }
0x15b: {  	v50, _, _ =	vpop (xrf0)  }
0x15c: {  	(v2sf) =	vpush v50, $0xF;
	v51, _, _ =	vpop (xrf0)  }
0x15d: {  	(v2sf) =	vpush v51, $0xF;
	v52, _, _ =	vpop (xrf0)  }
0x15e: {  	(v2sf) =	vpush v52, $0xF;
	v53, _, _ =	vpop (xrf0)  }
0x15f: {  	(v2sf) =	vpush v53, $0xF;
	_ =	sdelay $0xb  }
0x160: {  	s0 =	spop (v2sf)  }
0x161: {  	s18 =	spop (v2sf)  }
0x162: {  	s2 =	spop (v2sf);
	p2 =	sge.f32 s18, $0.0e+00  }
0x163: {  	s19 =	spop (v2sf)  }
0x164: {  	s0 =	simm.s32 @!p2 $0xCE6E6B28;
	p2 =	sge.f32 s19, $0.0e+00  }
0x165: {  	vm14 =	veq.s32 v0, $0x0;
	v54 =	vmov s0  }
0x166: {  	vm15 =	veq.s32 v0, $0x1;
	s2 =	simm.s32 @!p2 $0xCE6E6B28;
	v6 =	vnsel vm14, $0xCE6E6B28, v54  }
0x167: {  	vm6 =	vcmask $0x308;
	v6 =	vsel vm15, s2, v6  }
0x168: {  	v55 =	vsel vm6, $0xFF61B1E6, v2;
	(xrf0) =	vmax.scan.msk.f32 $0xffff, v6  }
0x169: {  	v56 =	vsel vm6, $0xBF800000, v3;
	(xrf0) =	vmax.scan.msk.f32 $0xffff, v55  }
0x16a: {  	v57 =	vsel vm6, $0xFF61B1E6, v4;
	(xrf0) =	vmax.scan.msk.f32 $0xffff, v56  }
0x16b: {  	v58 =	vsel vm6, $0xBF800000, v5;
	(xrf0) =	vmax.scan.msk.f32 $0xffff, v57  }
0x16c: {  	(xrf0) =	vmax.scan.msk.f32 $0xffff, v58;
	_ =	sdelay $0x1  }
0x16d: {  	v59, _, _ =	vpop (xrf0)  }
0x16e: {  	v60, _, _ =	vpop (xrf0)  }
0x16f: {  	(v2sf) =	vpush v60, $0xF;
	v61, _, _ =	vpop (xrf0)  }
0x170: {  	(v2sf) =	vpush v61, $0xF;
	v62, _, _ =	vpop (xrf0)  }
0x171: {  	(v2sf) =	vpush v62, $0xF;
	v63, _, _ =	vpop (xrf0)  }
0x172: {  	(v2sf) =	vpush v63, $0xF;
	_ =	sdelay $0xb  }
0x173: {  	s0 =	spop (v2sf)  }
0x174: {  	s20 =	spop (v2sf)  }
0x175: {  	s2 =	spop (v2sf);
	p2 =	sge.f32 s20, $0.0e+00  }
0x176: {  	s21 =	spop (v2sf)  }
0x177: {  	s0 =	simm.s32 @!p2 $0xCE6E6B28;
	p2 =	sge.f32 s21, $0.0e+00  }
0x178: {  	v12 =	vmov s0  }
0x179: {  	s2 =	simm.s32 @!p2 $0xCE6E6B28;
	v8 =	vnsel vm14, $0xCE6E6B28, v12  }
0x17a: {  	vm7 =	vcmask $0x70C;
	v8 =	vsel vm15, s2, v8  }
0x17b: {  	v13 =	vsel vm7, $0xFF61B1E6, v2;
	(xrf0) =	vmax.scan.msk.f32 $0xffff, v8  }
0x17c: {  	v14 =	vsel vm7, $0xBF800000, v3;
	(xrf0) =	vmax.scan.msk.f32 $0xffff, v13  }
0x17d: {  	v15 =	vsel vm7, $0xFF61B1E6, v4;
	(xrf0) =	vmax.scan.msk.f32 $0xffff, v14  }
0x17e: {  	v16 =	vsel vm7, $0xBF800000, v5;
	(xrf0) =	vmax.scan.msk.f32 $0xffff, v15  }
0x17f: {  	(xrf0) =	vmax.scan.msk.f32 $0xffff, v16;
	_ =	sdelay $0x1  }
0x180: {  	v17, _, _ =	vpop (xrf0)  }
0x181: {  	v18, _, _ =	vpop (xrf0)  }
0x182: {  	(v2sf) =	vpush v18, $0xF;
	v19, _, _ =	vpop (xrf0)  }
0x183: {  	(v2sf) =	vpush v19, $0xF;
	v20, _, _ =	vpop (xrf0)  }
0x184: {  	(v2sf) =	vpush v20, $0xF;
	v21, _, _ =	vpop (xrf0)  }
0x185: {  	(v2sf) =	vpush v21, $0xF;
	_ =	sdelay $0xb  }
0x186: {  	s0 =	spop (v2sf)  }
0x187: {  	s22 =	spop (v2sf)  }
0x188: {  	s2 =	spop (v2sf);
	p2 =	sge.f32 s22, $0.0e+00  }
0x189: {  	s23 =	spop (v2sf)  }
0x18a: {  	s0 =	simm.s32 @!p2 $0xCE6E6B28;
	p2 =	sge.f32 s23, $0.0e+00  }
0x18b: {  	v22 =	vmov s0  }
0x18c: {  	s2 =	simm.s32 @!p2 $0xCE6E6B28;
	v10 =	vnsel vm14, $0xCE6E6B28, v22  }
0x18d: {  	vm4 =	vcmask $0xB10;
	v10 =	vsel vm15, s2, v10  }
0x18e: {  	v23 =	vsel vm4, $0xFF61B1E6, v2;
	(xrf0) =	vmax.scan.msk.f32 $0xffff, v10  }
0x18f: {  	v24 =	vsel vm4, $0xBF800000, v3;
	(xrf0) =	vmax.scan.msk.f32 $0xffff, v23  }
0x190: {  	v25 =	vsel vm4, $0xFF61B1E6, v4;
	(xrf0) =	vmax.scan.msk.f32 $0xffff, v24  }
0x191: {  	v26 =	vsel vm4, $0xBF800000, v5;
	(xrf0) =	vmax.scan.msk.f32 $0xffff, v25  }
0x192: {  	(xrf0) =	vmax.scan.msk.f32 $0xffff, v26;
	_ =	sdelay $0x1  }
0x193: {  	v27, _, _ =	vpop (xrf0)  }
0x194: {  	v28, _, _ =	vpop (xrf0)  }
0x195: {  	(v2sf) =	vpush v28, $0xF;
	v29, _, _ =	vpop (xrf0)  }
0x196: {  	(v2sf) =	vpush v29, $0xF;
	v30, _, _ =	vpop (xrf0)  }
0x197: {  	(v2sf) =	vpush v30, $0xF;
	v31, _, _ =	vpop (xrf0)  }
0x198: {  	(v2sf) =	vpush v31, $0xF;
	_ =	sdelay $0xb  }
0x199: {  	s0 =	spop (v2sf)  }
0x19a: {  	s24 =	spop (v2sf)  }
0x19b: {  	s2 =	spop (v2sf);
	p2 =	sge.f32 s24, $0.0e+00  }
0x19c: {  	s25 =	spop (v2sf)  }
0x19d: {  	s0 =	simm.s32 @!p2 $0xCE6E6B28;
	p2 =	sge.f32 s25, $0.0e+00  }
0x19e: {  	v32 =	vmov s0  }
0x19f: {  	s2 =	simm.s32 @!p2 $0xCE6E6B28;
	v12 =	vnsel vm14, $0xCE6E6B28, v32  }
0x1a0: {  	vm5 =	vcmask $0xF14;
	v12 =	vsel vm15, s2, v12  }
0x1a1: {  	v33 =	vsel vm5, $0xFF61B1E6, v2;
	(xrf0) =	vmax.scan.msk.f32 $0xffff, v12  }
0x1a2: {  	v34 =	vsel vm5, $0xBF800000, v3;
	(xrf0) =	vmax.scan.msk.f32 $0xffff, v33  }
0x1a3: {  	v35 =	vsel vm5, $0xFF61B1E6, v4;
	(xrf0) =	vmax.scan.msk.f32 $0xffff, v34  }
0x1a4: {  	v36 =	vsel vm5, $0xBF800000, v5;
	(xrf0) =	vmax.scan.msk.f32 $0xffff, v35  }
0x1a5: {  	(xrf0) =	vmax.scan.msk.f32 $0xffff, v36;
	_ =	sdelay $0x1  }
0x1a6: {  	v37, _, _ =	vpop (xrf0)  }
0x1a7: {  	v38, _, _ =	vpop (xrf0)  }
0x1a8: {  	(v2sf) =	vpush v38, $0xF;
	v39, _, _ =	vpop (xrf0)  }
0x1a9: {  	(v2sf) =	vpush v39, $0xF;
	v40, _, _ =	vpop (xrf0)  }
0x1aa: {  	v7 =	vbroadcast v59, $0xF;
	(v2sf) =	vpush v40, $0xF;
	v41, _, _ =	vpop (xrf0)  }
0x1ab: {  	(v2sf) =	vpush v41, $0xF  }
0x1ac: {  	v6 =	vsub.f32 v6, v7;
	_ =	sdelay $0x1  }
0x1ad: {  	v6 =	vmul.f32 $1.442695020e+00, v6;
	_ =	sdelay $0x1  }
0x1ae: {  	(erf) = vpow2.f32 v6;
	_ =	sdelay $0x6  }
0x1af: {  	s0 =	spop (v2sf)  }
0x1b0: {  	s26 =	spop (v2sf)  }
0x1b1: {  	v6 =	vpop (erf);
	s2 =	spop (v2sf);
	p2 =	sge.f32 s26, $0.0e+00  }
0x1b2: {  	(xrf2) =	vadd.scan.msk.f32 $0xffff, v6;
	s28 =	spop (v2sf)  }
0x1b3: {  	s0 =	simm.s32 @!p2 $0xCE6E6B28;
	p2 =	sge.f32 s28, $0.0e+00  }
0x1b4: {  	v42 =	vmov s0  }
0x1b5: {  	s2 =	simm.s32 @!p2 $0xCE6E6B28;
	v7 =	vnsel vm14, $0xCE6E6B28, v42  }
0x1b6: {  	vm6 =	vcmask $0x1318;
	v43 =	vsel vm15, s2, v7  }
0x1b7: {  	v44 =	vsel vm6, $0xFF61B1E6, v2;
	(xrf0) =	vmax.scan.msk.f32 $0xffff, v43  }
0x1b8: {  	v45 =	vsel vm6, $0xBF800000, v3;
	(xrf0) =	vmax.scan.msk.f32 $0xffff, v44  }
0x1b9: {  	v46 =	vsel vm6, $0xFF61B1E6, v4;
	(xrf0) =	vmax.scan.msk.f32 $0xffff, v45  }
0x1ba: {  	v47 =	vsel vm6, $0xBF800000, v5;
	(xrf0) =	vmax.scan.msk.f32 $0xffff, v46  }
0x1bb: {  	v9 =	vbroadcast v17, $0xF;
	(xrf0) =	vmax.scan.msk.f32 $0xffff, v47  }
0x1bc: {  	v48, _, _ =	vpop (xrf2)  }
0x1bd: {  	v8 =	vsub.f32 v8, v9;
	v49, _, _ =	vpop (xrf0)  }
0x1be: {  	v7 =	vbroadcast v48, $0xF;
	v50, _, _ =	vpop (xrf0)  }
0x1bf: {  	v8 =	vmul.f32 $1.442695020e+00, v8;
	(v2sf) =	vpush v50, $0xF;
	v51, _, _ =	vpop (xrf0)  }
0x1c0: {  	(erf) = vrcp.f32 v7;
	(v2sf) =	vpush v51, $0xF;
	v52, _, _ =	vpop (xrf0)  }
0x1c1: {  	(erf) = vpow2.f32 v8;
	(v2sf) =	vpush v52, $0xF;
	v53, _, _ =	vpop (xrf0)  }
0x1c2: {  	(v2sf) =	vpush v53, $0xF;
	_ =	sdelay $0x6  }
0x1c3: {  	v7 =	vpop (erf)  }
0x1c4: {  	v8 =	vpop (erf)  }
0x1c5: {  	(xrf2) =	vadd.scan.msk.f32 $0xffff, v8;
	_ =	sdelay $0x2  }
0x1c6: {  	s0 =	spop (v2sf)  }
0x1c7: {  	s29 =	spop (v2sf)  }
0x1c8: {  	s2 =	spop (v2sf);
	p2 =	sge.f32 s29, $0.0e+00  }
0x1c9: {  	s30 =	spop (v2sf)  }
0x1ca: {  	s0 =	simm.s32 @!p2 $0xCE6E6B28;
	p2 =	sge.f32 s30, $0.0e+00  }
0x1cb: {  	v54 =	vbroadcast v27, $0xF;
	v55 =	vmov s0  }
0x1cc: {  	s2 =	simm.s32 @!p2 $0xCE6E6B28;
	v11 =	vnsel vm14, $0xCE6E6B28, v55  }
0x1cd: {  	vm7 =	vcmask $0x171C;
	v9 =	vsub.f32 v10, v54;
	v56, _, _ =	vpop (xrf2);
	v57 =	vsel vm15, s2, v11  }
0x1ce: {  	v59 =	vsel vm7, $0xFF61B1E6, v2;
	v58 =	vbroadcast v56, $0xF;
	(xrf0) =	vmax.scan.msk.f32 $0xffff, v57  }
0x1cf: {  	v60 =	vsel vm7, $0xBF800000, v3;
	v9 =	vmul.f32 $1.442695020e+00, v9;
	(xrf0) =	vmax.scan.msk.f32 $0xffff, v59  }
0x1d0: {  	v61 =	vsel vm7, $0xFF61B1E6, v4;
	(erf) = vrcp.f32 v58;
	(xrf0) =	vmax.scan.msk.f32 $0xffff, v60  }
0x1d1: {  	v62 =	vsel vm7, $0xBF800000, v5;
	(erf) = vpow2.f32 v9;
	(xrf0) =	vmax.scan.msk.f32 $0xffff, v61  }
0x1d2: {  	(xrf0) =	vmax.scan.msk.f32 $0xffff, v62;
	_ =	sdelay $0x1  }
0x1d3: {  	v63, _, _ =	vpop (xrf0)  }
0x1d4: {  	v18, _, _ =	vpop (xrf0)  }
0x1d5: {  	(v2sf) =	vpush v18, $0xF;
	v19, _, _ =	vpop (xrf0)  }
0x1d6: {  	(v2sf) =	vpush v19, $0xF;
	v20, _, _ =	vpop (xrf0)  }
0x1d7: {  	(v2sf) =	vpush v20, $0xF;
	v21, _, _ =	vpop (xrf0)  }
0x1d8: {  	v9 =	vpop (erf);
	(v2sf) =	vpush v21, $0xF  }
0x1d9: {  	v10 =	vpop (erf)  }
0x1da: {  	(xrf2) =	vadd.scan.msk.f32 $0xffff, v10;
	_ =	sdelay $0x7  }
0x1db: {  	v22 =	vbroadcast v37, $0xF;
	_ =	sdelay $0x1  }
0x1dc: {  	v11 =	vsub.f32 v12, v22;
	v23, _, _ =	vpop (xrf2);
	s0 =	spop (v2sf)  }
0x1dd: {  	v24 =	vbroadcast v23, $0xF;
	s31 =	spop (v2sf)  }
0x1de: {  	v11 =	vmul.f32 $1.442695020e+00, v11;
	s2 =	spop (v2sf);
	p2 =	sge.f32 s31, $0.0e+00  }
0x1df: {  	(erf) = vrcp.f32 v24;
	s3 =	spop (v2sf)  }
0x1e0: {  	(erf) = vpow2.f32 v11;
	s0 =	simm.s32 @!p2 $0xCE6E6B28;
	p2 =	sge.f32 s3, $0.0e+00  }
0x1e1: {  	v25 =	vmov s0  }
0x1e2: {  	s2 =	simm.s32 @!p2 $0xCE6E6B28;
	v11 =	vnsel vm14, $0xCE6E6B28, v25  }
0x1e3: {  	vm4 =	vcmask $0x1B20;
	v26 =	vsel vm15, s2, v11  }
0x1e4: {  	v27 =	vsel vm4, $0xFF61B1E6, v2;
	(xrf0) =	vmax.scan.msk.f32 $0xffff, v26  }
0x1e5: {  	v28 =	vsel vm4, $0xBF800000, v3;
	(xrf0) =	vmax.scan.msk.f32 $0xffff, v27  }
0x1e6: {  	v29 =	vsel vm4, $0xFF61B1E6, v4;
	(xrf0) =	vmax.scan.msk.f32 $0xffff, v28  }
0x1e7: {  	v30 =	vsel vm4, $0xBF800000, v5;
	(xrf0) =	vmax.scan.msk.f32 $0xffff, v29  }
0x1e8: {  	v12 =	vpop (erf);
	(xrf0) =	vmax.scan.msk.f32 $0xffff, v30  }
0x1e9: {  	v11 =	vpop (erf)  }
0x1ea: {  	(xrf2) =	vadd.scan.msk.f32 $0xffff, v11;
	v31, _, _ =	vpop (xrf0)  }
0x1eb: {  	v32, _, _ =	vpop (xrf0)  }
0x1ec: {  	(v2sf) =	vpush v32, $0xF;
	v33, _, _ =	vpop (xrf0)  }
0x1ed: {  	(v2sf) =	vpush v33, $0xF;
	v34, _, _ =	vpop (xrf0)  }
0x1ee: {  	(v2sf) =	vpush v34, $0xF;
	v35, _, _ =	vpop (xrf0)  }
0x1ef: {  	(v2sf) =	vpush v35, $0xF;
	_ =	sdelay $0x2  }
0x1f0: {  	v36 =	vbroadcast v49, $0xF;
	_ =	sdelay $0x1  }
0x1f1: {  	v13 =	vsub.f32 v43, v36;
	v37, _, _ =	vpop (xrf2)  }
0x1f2: {  	v38 =	vbroadcast v37, $0xF  }
0x1f3: {  	v13 =	vmul.f32 $1.442695020e+00, v13  }
0x1f4: {  	(erf) = vrcp.f32 v38  }
0x1f5: {  	(erf) = vpow2.f32 v13;
	_ =	sdelay $0x2  }
0x1f6: {  	s0 =	spop (v2sf)  }
0x1f7: {  	s10 =	spop (v2sf)  }
0x1f8: {  	s2 =	spop (v2sf);
	p2 =	sge.f32 s10, $0.0e+00  }
0x1f9: {  	s11 =	spop (v2sf)  }
0x1fa: {  	s0 =	simm.s32 @!p2 $0xCE6E6B28;
	p2 =	sge.f32 s11, $0.0e+00  }
0x1fb: {  	v14 =	vpop (erf);
	v39 =	vmov s0  }
0x1fc: {  	v13 =	vpop (erf);
	s2 =	simm.s32 @!p2 $0xCE6E6B28;
	v15 =	vnsel vm14, $0xCE6E6B28, v39  }
0x1fd: {  	vm5 =	vcmask $0x1F24;
	(xrf2) =	vadd.scan.msk.f32 $0xffff, v13;
	v40 =	vsel vm15, s2, v15  }
0x1fe: {  	v41 =	vsel vm5, $0xFF61B1E6, v2;
	(xrf0) =	vmax.scan.msk.f32 $0xffff, v40  }
0x1ff: {  	v42 =	vsel vm5, $0xBF800000, v3;
	(xrf0) =	vmax.scan.msk.f32 $0xffff, v41  }
0x200: {  	v43 =	vsel vm5, $0xFF61B1E6, v4;
	(xrf0) =	vmax.scan.msk.f32 $0xffff, v42  }
0x201: {  	v44 =	vsel vm5, $0xBF800000, v5;
	(xrf0) =	vmax.scan.msk.f32 $0xffff, v43  }
0x202: {  	(xrf0) =	vmax.scan.msk.f32 $0xffff, v44;
	_ =	sdelay $0x1  }
0x203: {  	v45, _, _ =	vpop (xrf0)  }
0x204: {  	v46, _, _ =	vpop (xrf0)  }
0x205: {  	(v2sf) =	vpush v46, $0xF;
	v47, _, _ =	vpop (xrf0)  }
0x206: {  	(v2sf) =	vpush v47, $0xF;
	v48, _, _ =	vpop (xrf0)  }
0x207: {  	v16 =	vbroadcast v63, $0xF;
	(v2sf) =	vpush v48, $0xF;
	v49, _, _ =	vpop (xrf0)  }
0x208: {  	(v2sf) =	vpush v49, $0xF  }
0x209: {  	v16 =	vsub.f32 v57, v16;
	v50, _, _ =	vpop (xrf2)  }
0x20a: {  	v15 =	vbroadcast v50, $0xF  }
0x20b: {  	v16 =	vmul.f32 $1.442695020e+00, v16  }
0x20c: {  	(erf) = vrcp.f32 v15  }
0x20d: {  	(erf) = vpow2.f32 v16;
	_ =	sdelay $0x6  }
0x20e: {  	s0 =	spop (v2sf)  }
0x20f: {  	v15 =	vpop (erf);
	s12 =	spop (v2sf)  }
0x210: {  	v16 =	vpop (erf);
	s2 =	spop (v2sf);
	p2 =	sge.f32 s12, $0.0e+00  }
0x211: {  	(xrf2) =	vadd.scan.msk.f32 $0xffff, v16;
	s14 =	spop (v2sf)  }
0x212: {  	s0 =	simm.s32 @!p2 $0xCE6E6B28;
	p2 =	sge.f32 s14, $0.0e+00  }
0x213: {  	v51 =	vmov s0  }
0x214: {  	s2 =	simm.s32 @!p2 $0xCE6E6B28;
	v17 =	vnsel vm14, $0xCE6E6B28, v51  }
0x215: {  	vm6 =	vcmask $0x2328;
	v52 =	vsel vm15, s2, v17  }
0x216: {  	v53 =	vsel vm6, $0xFF61B1E6, v2;
	(xrf0) =	vmax.scan.msk.f32 $0xffff, v52  }
0x217: {  	v54 =	vsel vm6, $0xBF800000, v3;
	(xrf0) =	vmax.scan.msk.f32 $0xffff, v53  }
0x218: {  	v55 =	vsel vm6, $0xFF61B1E6, v4;
	(xrf0) =	vmax.scan.msk.f32 $0xffff, v54  }
0x219: {  	v56 =	vsel vm6, $0xBF800000, v5;
	(xrf0) =	vmax.scan.msk.f32 $0xffff, v55  }
0x21a: {  	v19 =	vbroadcast v31, $0xF;
	(xrf0) =	vmax.scan.msk.f32 $0xffff, v56  }
0x21b: {  	v57, _, _ =	vpop (xrf2)  }
0x21c: {  	v18 =	vsub.f32 v26, v19;
	v58, _, _ =	vpop (xrf0)  }
0x21d: {  	v17 =	vbroadcast v57, $0xF;
	v59, _, _ =	vpop (xrf0)  }
0x21e: {  	v18 =	vmul.f32 $1.442695020e+00, v18;
	(v2sf) =	vpush v59, $0xF;
	v60, _, _ =	vpop (xrf0)  }
0x21f: {  	(erf) = vrcp.f32 v17;
	(v2sf) =	vpush v60, $0xF;
	v61, _, _ =	vpop (xrf0)  }
0x220: {  	(erf) = vpow2.f32 v18;
	(v2sf) =	vpush v61, $0xF;
	v62, _, _ =	vpop (xrf0)  }
0x221: {  	(v2sf) =	vpush v62, $0xF;
	_ =	sdelay $0x6  }
0x222: {  	v18 =	vpop (erf)  }
0x223: {  	v17 =	vpop (erf)  }
0x224: {  	(xrf2) =	vadd.scan.msk.f32 $0xffff, v17;
	_ =	sdelay $0x2  }
0x225: {  	s0 =	spop (v2sf)  }
0x226: {  	s15 =	spop (v2sf)  }
0x227: {  	s2 =	spop (v2sf);
	p2 =	sge.f32 s15, $0.0e+00  }
0x228: {  	s16 =	spop (v2sf)  }
0x229: {  	s0 =	simm.s32 @!p2 $0xCE6E6B28;
	p2 =	sge.f32 s16, $0.0e+00  }
0x22a: {  	v63 =	vbroadcast v45, $0xF;
	v28 =	vmov s0  }
0x22b: {  	s2 =	simm.s32 @!p2 $0xCE6E6B28;
	v21 =	vnsel vm14, $0xCE6E6B28, v28  }
0x22c: {  	v19 =	vsub.f32 v40, v63;
	v29, _, _ =	vpop (xrf2);
	v30 =	vsel vm15, s2, v21  }
0x22d: {  	v32 =	vsel vm9, $0xFF61B1E6, v2;
	v31 =	vbroadcast v29, $0xF;
	(xrf0) =	vmax.scan.msk.f32 $0xffff, v30  }
0x22e: {  	v33 =	vsel vm9, $0xBF800000, v3;
	v19 =	vmul.f32 $1.442695020e+00, v19;
	(xrf0) =	vmax.scan.msk.f32 $0xffff, v32  }
0x22f: {  	v34 =	vsel vm9, $0xFF61B1E6, v4;
	(erf) = vrcp.f32 v31;
	(xrf0) =	vmax.scan.msk.f32 $0xffff, v33  }
0x230: {  	v35 =	vsel vm9, $0xBF800000, v5;
	(erf) = vpow2.f32 v19;
	(xrf0) =	vmax.scan.msk.f32 $0xffff, v34  }
0x231: {  	(xrf0) =	vmax.scan.msk.f32 $0xffff, v35;
	_ =	sdelay $0x1  }
0x232: {  	v36, _, _ =	vpop (xrf0)  }
0x233: {  	v37, _, _ =	vpop (xrf0)  }
0x234: {  	(v2sf) =	vpush v37, $0xF;
	v38, _, _ =	vpop (xrf0)  }
0x235: {  	(v2sf) =	vpush v38, $0xF;
	v39, _, _ =	vpop (xrf0)  }
0x236: {  	(v2sf) =	vpush v39, $0xF;
	v40, _, _ =	vpop (xrf0)  }
0x237: {  	v19 =	vpop (erf);
	(v2sf) =	vpush v40, $0xF  }
0x238: {  	v20 =	vpop (erf)  }
0x239: {  	(xrf2) =	vadd.scan.msk.f32 $0xffff, v20;
	_ =	sdelay $0x7  }
0x23a: {  	v41 =	vbroadcast v58, $0xF;
	_ =	sdelay $0x1  }
0x23b: {  	v21 =	vsub.f32 v52, v41;
	v42, _, _ =	vpop (xrf2);
	s0 =	spop (v2sf)  }
0x23c: {  	v43 =	vbroadcast v42, $0xF;
	s17 =	spop (v2sf)  }
0x23d: {  	v21 =	vmul.f32 $1.442695020e+00, v21;
	s2 =	spop (v2sf);
	p2 =	sge.f32 s17, $0.0e+00  }
0x23e: {  	(erf) = vrcp.f32 v43;
	s18 =	spop (v2sf)  }
0x23f: {  	(erf) = vpow2.f32 v21;
	s0 =	simm.s32 @!p2 $0xCE6E6B28;
	p2 =	sge.f32 s18, $0.0e+00  }
0x240: {  	v44 =	vmov s0  }
0x241: {  	s2 =	simm.s32 @!p2 $0xCE6E6B28;
	v21 =	vnsel vm14, $0xCE6E6B28, v44  }
0x242: {  	v45 =	vsel vm15, s2, v21  }
0x243: {  	v46 =	vsel vm10, $0xFF61B1E6, v2;
	(xrf0) =	vmax.scan.msk.f32 $0xffff, v45  }
0x244: {  	v47 =	vsel vm10, $0xBF800000, v3;
	(xrf0) =	vmax.scan.msk.f32 $0xffff, v46  }
0x245: {  	v48 =	vsel vm10, $0xFF61B1E6, v4;
	(xrf0) =	vmax.scan.msk.f32 $0xffff, v47  }
0x246: {  	v49 =	vsel vm10, $0xBF800000, v5;
	(xrf0) =	vmax.scan.msk.f32 $0xffff, v48  }
0x247: {  	v21 =	vpop (erf);
	(xrf0) =	vmax.scan.msk.f32 $0xffff, v49  }
0x248: {  	v22 =	vpop (erf)  }
0x249: {  	(xrf2) =	vadd.scan.msk.f32 $0xffff, v22;
	v50, _, _ =	vpop (xrf0)  }
0x24a: {  	v51, _, _ =	vpop (xrf0)  }
0x24b: {  	(v2sf) =	vpush v51, $0xF;
	v52, _, _ =	vpop (xrf0)  }
0x24c: {  	(v2sf) =	vpush v52, $0xF;
	v53, _, _ =	vpop (xrf0)  }
0x24d: {  	(v2sf) =	vpush v53, $0xF;
	v54, _, _ =	vpop (xrf0)  }
0x24e: {  	(v2sf) =	vpush v54, $0xF;
	_ =	sdelay $0x2  }
0x24f: {  	v55 =	vbroadcast v36, $0xF;
	_ =	sdelay $0x1  }
0x250: {  	v23 =	vsub.f32 v30, v55;
	v56, _, _ =	vpop (xrf2)  }
0x251: {  	v24 =	vbroadcast v56, $0xF  }
0x252: {  	v23 =	vmul.f32 $1.442695020e+00, v23  }
0x253: {  	(erf) = vrcp.f32 v24  }
0x254: {  	(erf) = vpow2.f32 v23;
	_ =	sdelay $0x2  }
0x255: {  	s0 =	spop (v2sf)  }
0x256: {  	s19 =	spop (v2sf)  }
0x257: {  	s2 =	spop (v2sf);
	p2 =	sge.f32 s19, $0.0e+00  }
0x258: {  	s20 =	spop (v2sf)  }
0x259: {  	s0 =	simm.s32 @!p2 $0xCE6E6B28;
	p2 =	sge.f32 s20, $0.0e+00  }
0x25a: {  	v23 =	vpop (erf);
	v57 =	vmov s0  }
0x25b: {  	v24 =	vpop (erf);
	s2 =	simm.s32 @!p2 $0xCE6E6B28;
	v25 =	vnsel vm14, $0xCE6E6B28, v57  }
0x25c: {  	(xrf2) =	vadd.scan.msk.f32 $0xffff, v24;
	v58 =	vsel vm15, s2, v25  }
0x25d: {  	v59 =	vsel vm11, $0xFF61B1E6, v2;
	(xrf0) =	vmax.scan.msk.f32 $0xffff, v58  }
0x25e: {  	v60 =	vsel vm11, $0xBF800000, v3;
	(xrf0) =	vmax.scan.msk.f32 $0xffff, v59  }
0x25f: {  	v61 =	vsel vm11, $0xFF61B1E6, v4;
	(xrf0) =	vmax.scan.msk.f32 $0xffff, v60  }
0x260: {  	v62 =	vsel vm11, $0xBF800000, v5;
	(xrf0) =	vmax.scan.msk.f32 $0xffff, v61  }
0x261: {  	(xrf0) =	vmax.scan.msk.f32 $0xffff, v62;
	_ =	sdelay $0x1  }
0x262: {  	v63, _, _ =	vpop (xrf0)  }
0x263: {  	v33, _, _ =	vpop (xrf0)  }
0x264: {  	(v2sf) =	vpush v33, $0xF;
	v34, _, _ =	vpop (xrf0)  }
0x265: {  	(v2sf) =	vpush v34, $0xF;
	v35, _, _ =	vpop (xrf0)  }
0x266: {  	v27 =	vbroadcast v50, $0xF;
	(v2sf) =	vpush v35, $0xF;
	v36, _, _ =	vpop (xrf0)  }
0x267: {  	(v2sf) =	vpush v36, $0xF  }
0x268: {  	v26 =	vsub.f32 v45, v27;
	v37, _, _ =	vpop (xrf2)  }
0x269: {  	v25 =	vbroadcast v37, $0xF  }
0x26a: {  	v26 =	vmul.f32 $1.442695020e+00, v26  }
0x26b: {  	(erf) = vrcp.f32 v25  }
0x26c: {  	(erf) = vpow2.f32 v26;
	_ =	sdelay $0x6  }
0x26d: {  	s0 =	spop (v2sf)  }
0x26e: {  	v25 =	vpop (erf);
	s21 =	spop (v2sf)  }
0x26f: {  	v26 =	vpop (erf);
	s2 =	spop (v2sf);
	p2 =	sge.f32 s21, $0.0e+00  }
0x270: {  	(xrf2) =	vadd.scan.msk.f32 $0xffff, v26;
	s22 =	spop (v2sf)  }
0x271: {  	s0 =	simm.s32 @!p2 $0xCE6E6B28;
	p2 =	sge.f32 s22, $0.0e+00  }
0x272: {  	v38 =	vmov s0  }
0x273: {  	s2 =	simm.s32 @!p2 $0xCE6E6B28;
	v27 =	vnsel vm14, $0xCE6E6B28, v38  }
0x274: {  	v39 =	vsel vm15, s2, v27  }
0x275: {  	v40 =	vsel vm12, $0xFF61B1E6, v2;
	(xrf0) =	vmax.scan.msk.f32 $0xffff, v39  }
0x276: {  	v41 =	vsel vm12, $0xBF800000, v3;
	(xrf0) =	vmax.scan.msk.f32 $0xffff, v40  }
0x277: {  	v42 =	vsel vm12, $0xFF61B1E6, v4;
	(xrf0) =	vmax.scan.msk.f32 $0xffff, v41  }
0x278: {  	v43 =	vsel vm12, $0xBF800000, v5;
	(xrf0) =	vmax.scan.msk.f32 $0xffff, v42  }
0x279: {  	(xrf0) =	vmax.scan.msk.f32 $0xffff, v43  }
0x27a: {  	v29 =	vbroadcast v63, $0xF;
	v44, _, _ =	vpop (xrf2)  }
0x27b: {  	v45, _, _ =	vpop (xrf0)  }
0x27c: {  	v28 =	vsub.f32 v58, v29;
	v46, _, _ =	vpop (xrf0)  }
0x27d: {  	v27 =	vbroadcast v44, $0xF;
	(v2sf) =	vpush v46, $0xF;
	v47, _, _ =	vpop (xrf0)  }
0x27e: {  	v28 =	vmul.f32 $1.442695020e+00, v28;
	(v2sf) =	vpush v47, $0xF;
	v48, _, _ =	vpop (xrf0)  }
0x27f: {  	(erf) = vrcp.f32 v27;
	(v2sf) =	vpush v48, $0xF;
	v49, _, _ =	vpop (xrf0)  }
0x280: {  	(erf) = vpow2.f32 v28;
	(v2sf) =	vpush v49, $0xF;
	_ =	sdelay $0x7  }
0x281: {  	v28 =	vpop (erf)  }
0x282: {  	v27 =	vpop (erf)  }
0x283: {  	(xrf2) =	vadd.scan.msk.f32 $0xffff, v27;
	_ =	sdelay $0x1  }
0x284: {  	s0 =	spop (v2sf)  }
0x285: {  	s23 =	spop (v2sf)  }
0x286: {  	s2 =	spop (v2sf);
	p2 =	sge.f32 s23, $0.0e+00  }
0x287: {  	s24 =	spop (v2sf)  }
0x288: {  	s0 =	simm.s32 @!p2 $0xCE6E6B28;
	p2 =	sge.f32 s24, $0.0e+00  }
0x289: {  	v50 =	vmov s0  }
0x28a: {  	v29 =	vbroadcast v45, $0xF;
	s2 =	simm.s32 @!p2 $0xCE6E6B28;
	v31 =	vnsel vm14, $0xCE6E6B28, v50  }
0x28b: {  	v52 =	vsel vm15, s2, v31  }
0x28c: {  	v54 =	vsel vm13, $0xFF61B1E6, v2;
	v29 =	vsub.f32 v39, v29;
	v51, _, _ =	vpop (xrf2);
	(xrf0) =	vmax.scan.msk.f32 $0xffff, v52  }
0x28d: {  	v55 =	vsel vm13, $0xBF800000, v3;
	v53 =	vbroadcast v51, $0xF;
	(xrf0) =	vmax.scan.msk.f32 $0xffff, v54  }
0x28e: {  	v56 =	vsel vm13, $0xFF61B1E6, v4;
	v29 =	vmul.f32 $1.442695020e+00, v29;
	(xrf0) =	vmax.scan.msk.f32 $0xffff, v55  }
0x28f: {  	v57 =	vsel vm13, $0xBF800000, v5;
	(erf) = vrcp.f32 v53;
	(xrf0) =	vmax.scan.msk.f32 $0xffff, v56  }
0x290: {  	(erf) = vpow2.f32 v29;
	(xrf0) =	vmax.scan.msk.f32 $0xffff, v57;
	_ =	sdelay $0x1  }
0x291: {  	v58, _, _ =	vpop (xrf0)  }
0x292: {  	v59, _, _ =	vpop (xrf0)  }
0x293: {  	(v2sf) =	vpush v59, $0xF;
	v60, _, _ =	vpop (xrf0)  }
0x294: {  	(v2sf) =	vpush v60, $0xF;
	v61, _, _ =	vpop (xrf0)  }
0x295: {  	(v2sf) =	vpush v61, $0xF;
	v62, _, _ =	vpop (xrf0)  }
0x296: {  	(v2sf) =	vpush v62, $0xF  }
0x297: {  	v63 =	vpop (erf)  }
0x298: {  	v35 =	vpop (erf)  }
0x299: {  	(xrf2) =	vadd.scan.msk.f32 $0xffff, v35;
	_ =	sdelay $0x7  }
0x29a: {  	v29 =	vbroadcast v58, $0xF  }
0x29b: {  	s0 =	spop (v2sf)  }
0x29c: {  	v29 =	vsub.f32 v52, v29;
	v36, _, _ =	vpop (xrf2);
	s25 =	spop (v2sf)  }
0x29d: {  	v30 =	vbroadcast v36, $0xF;
	s2 =	spop (v2sf);
	p2 =	sge.f32 s25, $0.0e+00  }
0x29e: {  	v29 =	vmul.f32 $1.442695020e+00, v29;
	s26 =	spop (v2sf)  }
0x29f: {  	(erf) = vrcp.f32 v30;
	s0 =	simm.s32 @!p2 $0xCE6E6B28;
	p2 =	sge.f32 s26, $0.0e+00  }
0x2a0: {  	(erf) = vpow2.f32 v29;
	v37 =	vmov s0  }
0x2a1: {  	s2 =	simm.s32 @!p2 $0xCE6E6B28;
	v29 =	vnsel vm14, $0xCE6E6B28, v37  }
0x2a2: {  	vm7 =	vmmov $0x7fff;
	v29 =	vsel vm15, s2, v29  }
0x2a3: {  	v2 =	vsel vm7, $0xFF61B1E6, v2;
	(xrf0) =	vmax.scan.msk.f32 $0xffff, v29  }
0x2a4: {  	(xrf0) =	vmax.scan.msk.f32 $0xffff, v2;
	v2 =	vsel vm7, $0xBF800000, v3  }
0x2a5: {  	(xrf0) =	vmax.scan.msk.f32 $0xffff, v2;
	v2 =	vsel vm7, $0xFF61B1E6, v4  }
0x2a6: {  	v3 =	vsel vm7, $0xBF800000, v5  }
0x2a7: {  	(xrf0) =	vmax.scan.msk.f32 $0xffff, v2  }
0x2a8: {  	(xrf0) =	vmax.scan.msk.f32 $0xffff, v3;
	v2 =	vpop (erf)  }
0x2a9: {  	v3 =	vpop (erf)  }
0x2aa: {  	v38, _, _ =	vpop (xrf0);
	(xrf2) =	vadd.scan.msk.f32 $0xffff, v3  }
0x2ab: {  	v39, _, _ =	vpop (xrf0)  }
0x2ac: {  	v40, _, _ =	vpop (xrf0);
	(v2sf) =	vpush v39, $0xF  }
0x2ad: {  	v41, _, _ =	vpop (xrf0);
	(v2sf) =	vpush v40, $0xF  }
0x2ae: {  	(v2sf) =	vpush v41, $0xF;
	v42, _, _ =	vpop (xrf0)  }
0x2af: {  	(v2sf) =	vpush v42, $0xF;
	_ =	sdelay $0x2  }
0x2b0: {  	v4 =	vbroadcast v38, $0xF;
	_ =	sdelay $0x1  }
0x2b1: {  	v4 =	vsub.f32 v29, v4;
	v43, _, _ =	vpop (xrf2)  }
0x2b2: {  	v5 =	vbroadcast v43, $0xF  }
0x2b3: {  	v4 =	vmul.f32 $1.442695020e+00, v4  }
0x2b4: {  	(erf) = vrcp.f32 v5  }
0x2b5: {  	(erf) = vpow2.f32 v4;
	_ =	sdelay $0x2  }
0x2b6: {  	s0 =	spop (v2sf)  }
0x2b7: {  	s28 =	spop (v2sf)  }
0x2b8: {  	s2 =	spop (v2sf);
	p2 =	sge.f32 s28, $0.0e+00  }
0x2b9: {  	s29 =	spop (v2sf)  }
0x2ba: {  	s0 =	simm.s32 @!p2 $0xCE6E6B28;
	p2 =	sge.f32 s29, $0.0e+00  }
0x2bb: {  	v45 =	vmov s0;
	v44 =	vpop (erf)  }
0x2bc: {  	v5 =	vnsel vm14, $0xCE6E6B28, v45;
	s2 =	simm.s32 @!p2 $0xCE6E6B28;
	v46 =	vpop (erf)  }
0x2bd: {  	v5 =	vsel vm15, s2, v5;
	(xrf2) =	vadd.scan.msk.f32 $0xffff, v46  }
0x2be: {  	(xrf0) =	vmax.scan.msk.f32 $0xffff, v5;
	_ =	sdelay $0x5  }
0x2bf: {  	v47, _, _ =	vpop (xrf0)  }
0x2c0: {  	v30 =	vbroadcast v47, $0xF;
	_ =	sdelay $0x1  }
0x2c1: {  	v5 =	vsub.f32 v5, v30;
	v48, _, _ =	vpop (xrf2)  }
0x2c2: {  	v30 =	vbroadcast v48, $0xF  }
0x2c3: {  	v5 =	vmul.f32 $1.442695020e+00, v5  }
0x2c4: {  	(erf) = vrcp.f32 v30  }
0x2c5: {  	(erf) = vpow2.f32 v5;
	_ =	sdelay $0x7  }
0x2c6: {  	v49 =	vpop (erf)  }
0x2c7: {  	v50 =	vpop (erf)  }
0x2c8: {  	(xrf2) =	vadd.scan.msk.f32 $0xffff, v50;
	_ =	sdelay $0x7  }
0x2c9: {  	v6 =	vmul.f32 v7, v6  }
0x2ca: {  	v51 =	vmul.f32 v9, v8  }
0x2cb: {  	[tilespmem:$0x12200] =	vst v6;
	v54 =	vmul.f32 v14, v11;
	v53, _, _ =	vpop (xrf2)  }
0x2cc: {  	[tilespmem:$0x12280] =	vst v51;
	v55 =	vmul.f32 v15, v13;
	v8 =	vbroadcast v53, $0xF  }
0x2cd: {  	[tilespmem:$0x12380] =	vst v54;
	v56 =	vmul.f32 v18, v16  }
0x2ce: {  	[tilespmem:$0x12400] =	vst v55;
	v57 =	vmul.f32 v19, v17;
	(erf) = vrcp.f32 v8  }
0x2cf: {  	[tilespmem:$0x12480] =	vst v56;
	v58 =	vmul.f32 v21, v20  }
0x2d0: {  	[tilespmem:$0x12500] =	vst v57;
	v59 =	vmul.f32 v23, v22  }
0x2d1: {  	v52 =	vmul.f32 v12, v10;
	[tilespmem:$0x12580] =	vst v58  }
0x2d2: {  	v60 =	vmul.f32 v25, v24;
	[tilespmem:$0x12600] =	vst v59  }
0x2d3: {  	v61 =	vmul.f32 v28, v26;
	[tilespmem:$0x12300] =	vst v52  }
0x2d4: {  	[tilespmem:$0x12680] =	vst v60;
	v62 =	vmul.f32 v63, v27  }
0x2d5: {  	[tilespmem:$0x12700] =	vst v61;
	v2 =	vmul.f32 v2, v35  }
0x2d6: {  	[tilespmem:$0x12780] =	vst v62;
	v3 =	vmul.f32 v44, v3  }
0x2d7: {  	[tilespmem:$0x12800] =	vst v2;
	v2 =	vmul.f32 v49, v46;
	v63 =	vpop (erf)  }
0x2d8: {  	[tilespmem:$0x12880] =	vst v3;
	v3 =	vmul.f32 v63, v50  }
0x2d9: {  	[tilespmem:$0x12900] =	vst v2  }
.Ltmp6:
0x2da: {  	s30 =	rddreg [dreg:$0x1];
	s31 =	simm.s32 $0x12200;
	[tilespmem:$0x12980] =	vst v3;
	(pc) =	sbr.rel .LBB2_7-.Ltmp6, $4  }
0x2db: {  	[hbm4b:s30+s4] =	stream.linear.scatter [tilespmem:s31], [sflag:$0x1], $0x800, $0x38;
	[tilespmem:$0x12A40] =	vst v63  }
0x2dc: {  	_ =	swait.ge [sflag:s9], $0x800  }
0x2dd: {  	[sflag:s9] =	ssyncset.done $0x0  }
0x2de: {  	[sflag:s9] =	ssyncadd.s32 $0xFFFFF800  }
.LBB2_8:
0x2df: {  	_ =	sfence.sel $0x180000  }
0x2e0: {  	[bflag:$0x0] =	sbarrier.arrive $0xFFFF  }
0x2e1: {  	_ =	strace $0x90000047  }
0x2e2: {  	s0 =	stileid.u32;
	[bflag:$0x2] =	sbarrier.arrive $0xFFFF  }
0x2e3: {  	p0 =	sne.s32 s0, $0x0;
	s0 =	rddreg [dreg:$0x3]  }
0x2e4: {  	s0 =	sadd.s32 @!p0 $0x100000, s0  }
0x2e5: {  	[sflag:s0] =	ssyncadd.tile.s32 @!p0 $0x1;
	_ =	shalt  }
.Lfunc_end2:
_tile_overlayer_lowered:
.L_overlay_start_2:
0x2e6: {  	(tag) =	ssettag $0x2  }
0x2e7: {  	s0 =	rddreg [dreg:$0x0];
	s2 =	stileid.u32  }
0x2e8: {  	s1 =	rddreg [dreg:$0x1];
	p0 =	sne.s32 s2, $0x0  }
0x2e9: {  	s3 =	rddreg [dreg:$0x2];
	[bflag:$0x3] =	sbarrier.arrive $0xFFFF;
	s2 =	simm.s32 @!p0 $0x1C01  }
0x2ea: {  	[timem:s3], [sflag:s2] =	dma.local @!p0 [hbm:s0], s1  }
0x2eb: {  	s0 =	simm.s32 @!p0 $0x1  }
0x2ec: {  	_ =	swait.ge @!p0 [sflag:s0], s1  }
0x2ed: {  	s1 =	ssub.s32 @!p0 $0x0, s1;
	[sflag:s0] =	ssyncset.done @!p0 $0x0  }
0x2ee: {  	[sflag:s0] =	ssyncadd.s32 @!p0 s1  }
0x2ef: {  	[bflag:$0x3] =	sbarrier.arrive $0xFFFF  }
0x2f0: {  	_ =	shalt  }

</sc_bundles>
